<compile_context>
chip_gen: v7x
topology: tpu7x:2x2x1
jax: 0.10.2.dev20260603
libtpu: 0.0.44.dev20260713+nightly
codegen_flags: <defaults>
</compile_context>

<pallas_src>
import functools

import jax
import jax.numpy as jnp
from jax import lax
from jax.experimental import pallas as pl
from jax.experimental.pallas import tpu as pltpu
from jax.experimental.pallas import tpu_sc as plsc

_B, _N, _CI, _CO, _K = 8, 2048, 64, 128, 20


_ROWS = 256
_NCHK = 16
_CW = _N // _NCHK
_RNDS = 4


def _tree_sum_lanes(s):
    w = s.shape[1]
    while w > 1:
        s = s[:, : w // 2] + s[:, w // 2:]
        w //= 2
    return s


def _tree_sum_sublanes(s):
    h = s.shape[0]
    while h > 1:
        s = s[: h // 2, :] + s[h // 2:, :]
        h //= 2
    return s


def _topk_body(xr_ref, xft_ref, w1a_ref, wq_ref, b1_ref, idx_ref, p_ref, q_ref):
    xr = xr_ref[0]
    xft = xft_ref[0]
    p_ref[0] = jnp.dot(xr, w1a_ref[...], preferred_element_type=jnp.float32)
    q_ref[0] = jnp.dot(xr, wq_ref[...],
                       preferred_element_type=jnp.float32) + b1_ref[...]
    inner = -2.0 * lax.dot_general(
        xr, xft, (((1,), (0,)), ((), ())),
        preferred_element_type=jnp.float32)
    xx_col = _tree_sum_sublanes(xft * xft)
    xx_row = _tree_sum_lanes(xr * xr)
    pd = (-xx_col - inner) - xx_row

    lane = lax.broadcasted_iota(jnp.int32, (_ROWS, _CW), 1).astype(jnp.float32)
    slices = [pd[:, c * _CW:(c + 1) * _CW] for c in range(_NCHK)]
    cand_v, cand_i = [], []
    for _ in range(_RNDS):
        me = slices[0]
        for c in range(1, _NCHK):
            me = jnp.maximum(me, slices[c])
        es = [jnp.where(slices[c] == me, float(c), float(_NCHK))
              for c in range(_NCHK)]
        fa = es[0]
        for c in range(1, _NCHK):
            fa = jnp.minimum(fa, es[c])
        cand_v.append(me)
        cand_i.append(fa * float(_CW) + lane)
        for c in range(_NCHK):
            slices[c] = jnp.where(es[c] == fa, -jnp.inf, slices[c])
    def ce(a, b):
        va, ia = cand_v[a], cand_i[a]
        vb, ib = cand_v[b], cand_i[b]
        sw = (va < vb) | ((va == vb) & (ia > ib))
        cand_v[a] = jnp.where(sw, vb, va)
        cand_v[b] = jnp.where(sw, va, vb)
        cand_i[a] = jnp.where(sw, ib, ia)
        cand_i[b] = jnp.where(sw, ia, ib)

    for a, b in ((0, 1), (2, 3), (0, 2), (1, 3), (1, 2)):
        ce(a, b)
    picks = []
    for t in range(_K):
        m = jnp.max(cand_v[0], axis=1, keepdims=True)
        e0 = jnp.where(cand_v[0] == m, cand_i[0], float(_N))
        am = jnp.min(e0, axis=1, keepdims=True)
        picks.append(am)
        if t < _K - 1:
            h = e0 == am
            for r in range(_RNDS - 1):
                cand_v[r] = jnp.where(h, cand_v[r + 1], cand_v[r])
                cand_i[r] = jnp.where(h, cand_i[r + 1], cand_i[r])
            cand_v[_RNDS - 1] = jnp.where(h, -jnp.inf, cand_v[_RNDS - 1])
    idx_ref[0] = jnp.concatenate(picks, axis=1).astype(jnp.int32)


def _topk_call(x, xt, w1a_t, wq_t, b1r):
    nb = x.shape[0]
    return pl.pallas_call(
        _topk_body,
        grid=(nb, _N // _ROWS),
        in_specs=[
            pl.BlockSpec((1, _ROWS, _CI), lambda b, r: (b, r, 0)),
            pl.BlockSpec((1, _CI, _N), lambda b, r: (b, 0, 0)),
            pl.BlockSpec((_CI, _CO), lambda b, r: (0, 0)),
            pl.BlockSpec((_CI, _CO), lambda b, r: (0, 0)),
            pl.BlockSpec((1, _CO), lambda b, r: (0, 0)),
        ],
        out_specs=[
            pl.BlockSpec((1, _ROWS, _K), lambda b, r: (b, r, 0)),
            pl.BlockSpec((1, _ROWS, _CO), lambda b, r: (b, r, 0)),
            pl.BlockSpec((1, _ROWS, _CO), lambda b, r: (b, r, 0)),
        ],
        out_shape=[
            jax.ShapeDtypeStruct((nb, _N, _K), jnp.int32),
            jax.ShapeDtypeStruct((nb, _N, _CO), jnp.float32),
            jax.ShapeDtypeStruct((nb, _N, _CO), jnp.float32),
        ],
    )(x, xt, w1a_t, wq_t, b1r)



_NC, _NS = 2, 16
_NW = _NC * _NS
_CH = 128


def _make_gather_body(nb):
    n_chunks_total = nb * _K * (_N // _CH)
    cpw = n_chunks_total // _NW
    chunks_per_b = _K * (_N // _CH)

    def body(p_hbm, idxf_hbm, pn_hbm, idx_v, rows_v, gsem, ssem):
        c = lax.axis_index("c")
        s = lax.axis_index("s")
        wid = s * _NC + c
        t0 = wid * cpw
        start = pl.multiple_of(t0 * _CH, 256)
        pltpu.sync_copy(idxf_hbm.at[pl.ds(start, cpw * _CH)], idx_v)

        def chunk(t, _):
            g = t0 + t
            b = g // chunks_per_b
            off = pl.multiple_of(t * _CH, _CH)
            src = p_hbm.at[b].at[idx_v.at[pl.ds(off, _CH)]]
            pltpu.async_copy(src, rows_v, gsem).wait()
            gout = pl.multiple_of(g * _CH, _CH)
            pltpu.async_copy(rows_v, pn_hbm.at[pl.ds(gout, _CH)], ssem).wait()
            return 0

        lax.fori_loop(0, cpw, chunk, 0)

    return body


def _gather_call(p, idxf):
    nb = p.shape[0]
    cpw = (nb * _K * (_N // _CH)) // _NW
    run = functools.partial(
        pl.kernel,
        mesh=plsc.VectorSubcoreMesh(core_axis_name="c", subcore_axis_name="s"),
        out_type=jax.ShapeDtypeStruct((nb * _K * _N, _CO), jnp.float32),
        scratch_types=[
            pltpu.VMEM((cpw * _CH,), jnp.int32),
            pltpu.VMEM((_CH, _CO), jnp.float32),
            pltpu.SemaphoreType.DMA,
            pltpu.SemaphoreType.DMA,
        ],
    )(_make_gather_body(nb))
    return run(p, idxf)



_RC = 512


def _conv_body(pn_ref, q_ref, w2_ref, b2_ref, out_ref):
    q = q_ref[0]
    acc = None
    for k in range(_K):
        h = pn_ref[0, k] + q
        h = jnp.where(h >= 0, h, 0.2 * h)
        h = jnp.dot(h, w2_ref[...],
                    preferred_element_type=jnp.float32) + b2_ref[...]
        h = jnp.where(h >= 0, h, 0.2 * h)
        acc = h if acc is None else jnp.maximum(acc, h)
    out_ref[0] = acc


def _conv_call(pn, q, w2_t, b2r):
    nb = pn.shape[0]
    return pl.pallas_call(
        _conv_body,
        grid=(nb, _N // _RC),
        in_specs=[
            pl.BlockSpec((1, _K, _RC, _CO), lambda b, r: (b, 0, r, 0)),
            pl.BlockSpec((1, _RC, _CO), lambda b, r: (b, r, 0)),
            pl.BlockSpec((_CO, _CO), lambda b, r: (0, 0)),
            pl.BlockSpec((1, _CO), lambda b, r: (0, 0)),
        ],
        out_specs=pl.BlockSpec((1, _RC, _CO), lambda b, r: (b, r, 0)),
        out_shape=jax.ShapeDtypeStruct((nb, _N, _CO), jnp.float32),
    )(pn, q, w2_t, b2r)




def kernel(x, W1, b1, W2, b2):
    w1a = W1[:, :_CI]
    wq = W1[:, _CI:] - w1a
    w1a_t, wq_t, b1r = w1a.T, wq.T, b1.reshape(1, _CO)
    w2_t, b2r = W2.T, b2.reshape(1, _CO)

    nsl = 4
    hb = _B // nsl
    outs, idxs = [], []
    for h in range(nsl):
        xh = lax.slice_in_dim(x, h * hb, (h + 1) * hb, axis=0)
        xth = jnp.swapaxes(xh, 2, 1)
        idx, p, q = _topk_call(xh, xth, w1a_t, wq_t, b1r)
        idxf = jnp.swapaxes(idx, 2, 1).reshape(hb * _K * _N)
        pn = _gather_call(p, idxf).reshape(hb, _K, _N, _CO)
        outs.append(_conv_call(pn, q, w2_t, b2r))
        idxs.append(idx)
    return (jnp.concatenate(outs, axis=0), jnp.concatenate(idxs, axis=0))

# --- scband reference (transcript-rebuilt; emitter-appended) ---
"""Pipeline reference for scband-dgcnnlayer-2044404433240 (READ-ONLY COPY).

The authoritative reference and input builder live on the scoring server;
editing this copy changes nothing except your own understanding.
"""

import jax, jax.numpy as jnp
import numpy as np

B, N, C_IN, C_OUT, K = 8, 2048, 64, 128, 20


def setup_inputs(seed: int = 0) -> dict:
    key = jax.random.key(seed)
    k1, k2, k3 = jax.random.split(key, 3)
    x = jax.random.normal(k1, (B, N, C_IN), dtype=jnp.float32)
    W1 = jax.random.normal(k2, (C_OUT, 2 * C_IN), dtype=jnp.float32) * 0.05
    b1 = jnp.zeros((C_OUT,), dtype=jnp.float32)
    W2 = jax.random.normal(k3, (C_OUT, C_OUT), dtype=jnp.float32) * 0.05
    b2 = jnp.zeros((C_OUT,), dtype=jnp.float32)
    return {"x": x, "W1": W1, "b1": b1, "W2": W2, "b2": b2}


def _knn(xc, k):
    # xc: [B, C, N]
    inner = -2.0 * jnp.matmul(jnp.swapaxes(xc, 2, 1), xc)
    xx = jnp.sum(xc ** 2, axis=1, keepdims=True)
    pairwise_distance = -xx - inner - jnp.swapaxes(xx, 2, 1)
    _, idx = jax.lax.top_k(pairwise_distance, k)
    return idx  # [B, N, k]


def _leaky(x):
    return jnp.where(x >= 0, x, 0.2 * x)


def reference(x, W1, b1, W2, b2):
    # x: [B, N, C_IN]  (surface.x in the original module)
    xc = jnp.swapaxes(x, 2, 1)  # [B, C, N]
    idx = _knn(xc, K)  # [B, N, K]
    b, c, n = xc.shape
    xt = jnp.swapaxes(xc, 2, 1)  # [B, N, C]
    batch_idx = jnp.arange(b)[:, None, None]
    feature = xt[batch_idx, idx, :]  # [B, N, K, C] gather of neighbor features
    xrep = jnp.broadcast_to(xt[:, :, None, :], (b, n, K, c))
    feature = jnp.concatenate([feature - xrep, xrep], axis=3)  # [B, N, K, 2C]
    feature = jnp.transpose(feature, (0, 3, 1, 2))  # [B, 2C, N, K]
    h = _leaky(jnp.einsum('oi,binm->bonm', W1, feature) + b1[None, :, None, None])
    h = _leaky(jnp.einsum('oi,binm->bonm', W2, h) + b2[None, :, None, None])
    h = jnp.max(h, axis=-1)  # [B, C_OUT, N]
    out = jnp.swapaxes(h, 2, 1)  # [B, N, C_OUT]
    return out, idx

if __name__ == "__main__":
    import jax
    _d = setup_inputs()
    print(jax.jit(kernel)(*tuple(_d.values())))

</pallas_src>

<mosaic_0001>
#map = affine_map<(d0, d1) -> (0, 0, 0)>
#map1 = affine_map<(d0, d1) -> (0)>
#map2 = affine_map<(d0, d1) -> (0, 0)>
module attributes {stable_mosaic.version = 14 : i64} {
  func.func @body(%arg0: i32, %arg1: i32, %arg2: memref<2x2048x128xf32, #tpu.memory_space<hbm>>, %arg3: memref<81920xi32, #tpu.memory_space<hbm>>, %arg4: memref<81920x128xf32, #tpu.memory_space<hbm>>, %arg5: memref<2560xi32, #tpu.memory_space<vmem>>, %arg6: memref<128x128xf32, #tpu.memory_space<vmem>>, %arg7: memref<!tpu.dma_semaphore, #tpu.memory_space<semaphore_mem>>, %arg8: memref<!tpu.dma_semaphore, #tpu.memory_space<semaphore_mem>>) attributes {dimension_semantics = [#tpu.dimension_semantics<core_parallel>, #tpu.dimension_semantics<subcore_parallel>], iteration_bounds = array<i64: 2, 16>, scalar_prefetch = 0 : i64, scratch_operands = 4 : i64, tpu.core_type = #tpu.core_type<sc_vector_subcore>, window_params = [{transform_indices = #map}, {transform_indices = #map1}, {transform_indices = #map2}]} {
    %mul3A = arith.constant 2 : i32
    %mul3A_0 = arith.muli %arg1, %mul3A : i32
    %add3A = arith.addi %mul3A_0, %arg0 : i32
    %mul3A_1 = arith.constant 20 : i32
    %mul3A_2 = arith.muli %add3A, %mul3A_1 : i32
    %mul3A_3 = arith.constant 128 : i32
    %mul3A_4 = arith.muli %mul3A_2, %mul3A_3 : i32
    %multiple_of3A = tpu.assume_multiple %mul3A_4, 256 : i32
    "tpu.region"() ({
      %run_scoped3A = tpu.sem_alloc : memref<!tpu.dma_semaphore, #tpu.memory_space<semaphore_mem>>
      %dma_start3A = tpu.memref_slice %arg3[%multiple_of3A] : memref<81920xi32, #tpu.memory_space<hbm>> -> memref<2560xi32, #tpu.memory_space<hbm>>
      %dma_start3A_11 = tpu.memref_slice %arg3[%multiple_of3A] : memref<81920xi32, #tpu.memory_space<hbm>> -> memref<2560xi32, #tpu.memory_space<hbm>>
      tpu.enqueue_dma source(%dma_start3A_11 : memref<2560xi32, #tpu.memory_space<hbm>>) target(%arg5 : memref<2560xi32, #tpu.memory_space<vmem>>) target_semaphore(%run_scoped3A : memref<!tpu.dma_semaphore, #tpu.memory_space<semaphore_mem>>)
      %dma_wait3A = tpu.memref_slice %arg3[%multiple_of3A] : memref<81920xi32, #tpu.memory_space<hbm>> -> memref<2560xi32, #tpu.memory_space<hbm>>
      %dma_wait3A_12 = tpu.memref_slice %arg3[%multiple_of3A] : memref<81920xi32, #tpu.memory_space<hbm>> -> memref<2560xi32, #tpu.memory_space<hbm>>
      tpu.wait_dma2 semaphore(%run_scoped3A : memref<!tpu.dma_semaphore, #tpu.memory_space<semaphore_mem>>) src(%dma_wait3A_12 : memref<2560xi32, #tpu.memory_space<hbm>>) dst(%arg5 : memref<2560xi32, #tpu.memory_space<vmem>>)
      tpu.yield
    }) : () -> ()
    %scan3A = arith.constant 0 : i32
    %scan3A_5 = arith.constant 0 : i32
    %scan3A_6 = arith.constant 20 : i32
    %scan3A_7 = arith.addi %scan3A_5, %scan3A_6 : i32
    %scan3A_8 = arith.constant 1 : i32
    %scan3A_9 = scf.for %scan3A_11 = %scan3A_5 to %scan3A_7 step %scan3A_8 iter_args(%scan3A_12 = %scan3A) -> (i32)  : i32 {
      %add3A_13 = arith.addi %mul3A_2, %scan3A_11 : i32
      %jit3A = arith.constant 320 : i32
      %div3A = arith.divsi %add3A_13, %jit3A : i32
      %sign3A = arith.constant 0 : i32
      %sign3A_14 = arith.cmpi sgt, %add3A_13, %sign3A : i32
      %sign3A_15 = arith.extui %sign3A_14 : i1 to i32
      %sign3A_16 = arith.constant 0 : i32
      %sign3A_17 = arith.cmpi slt, %add3A_13, %sign3A_16 : i32
      %sign3A_18 = arith.extui %sign3A_17 : i1 to i32
      %sign3A_19 = arith.subi %sign3A_15, %sign3A_18 : i32
      %sign3A_20 = arith.constant 0 : i32
      %sign3A_21 = arith.cmpi sgt, %jit3A, %sign3A_20 : i32
      %sign3A_22 = arith.extui %sign3A_21 : i1 to i32
      %sign3A_23 = arith.constant 0 : i32
      %sign3A_24 = arith.cmpi slt, %jit3A, %sign3A_23 : i32
      %sign3A_25 = arith.extui %sign3A_24 : i1 to i32
      %sign3A_26 = arith.subi %sign3A_22, %sign3A_25 : i32
      %ne3A = arith.cmpi ne, %sign3A_19, %sign3A_26 : i32
      %rem3A = arith.remsi %add3A_13, %jit3A : i32
      %ne3A_27 = arith.constant 0 : i32
      %ne3A_28 = arith.cmpi ne, %rem3A, %ne3A_27 : i32
      %and3A = arith.andi %ne3A, %ne3A_28 : i1
      %sub3A = arith.constant 1 : i32
      %sub3A_29 = arith.subi %div3A, %sub3A : i32
      %select_n3A = arith.select %and3A, %sub3A_29, %div3A : i32
      %mul3A_30 = arith.constant 128 : i32
      %mul3A_31 = arith.muli %scan3A_11, %mul3A_30 : i32
      %multiple_of3A_32 = tpu.assume_multiple %mul3A_31, 128 : i32
      %dma_start3A = tpu.memref_slice %arg5[%multiple_of3A_32] : memref<2560xi32, #tpu.memory_space<vmem>> -> memref<128xi32, #tpu.memory_space<vmem>>
      %dma_start3A_33 = arith.constant 0 : i32
      %dma_start3A_34 = arith.constant 0 : i32
      %dma_start3A_35 = tpu.memref_slice %arg2[%select_n3A, %dma_start3A_33, %dma_start3A_34] : memref<2x2048x128xf32, #tpu.memory_space<hbm>> -> memref<1x2048x128xf32, #tpu.memory_space<hbm>>
      %dma_start3A_36 = tpu.memref_squeeze %dma_start3A_35 : memref<1x2048x128xf32, #tpu.memory_space<hbm>> -> memref<2048x128xf32, #tpu.memory_space<hbm>>
      %dma_start3A_37 = arith.constant 0 : i32
      %dma_start3A_38 = arith.constant 0 : i32
      %dma_start3A_39 = tpu.memref_slice %dma_start3A_36[%dma_start3A_37, %dma_start3A_38] : memref<2048x128xf32, #tpu.memory_space<hbm>> -> memref<2048x128xf32, #tpu.memory_space<hbm>>
      tpu.enqueue_indirect_dma source(%dma_start3A_39 : memref<2048x128xf32, #tpu.memory_space<hbm>>) target(%arg6 : memref<128x128xf32, #tpu.memory_space<vmem>>) offsets(%dma_start3A : memref<128xi32, #tpu.memory_space<vmem>>) semaphore(%arg7 : memref<!tpu.dma_semaphore, #tpu.memory_space<semaphore_mem>>)
      %dma_wait3A = tpu.memref_slice %arg5[%multiple_of3A_32] : memref<2560xi32, #tpu.memory_space<vmem>> -> memref<128xi32, #tpu.memory_space<vmem>>
      %dma_wait3A_40 = arith.constant 0 : i32
      %dma_wait3A_41 = arith.constant 0 : i32
      %dma_wait3A_42 = tpu.memref_slice %arg2[%select_n3A, %dma_wait3A_40, %dma_wait3A_41] : memref<2x2048x128xf32, #tpu.memory_space<hbm>> -> memref<1x2048x128xf32, #tpu.memory_space<hbm>>
      %dma_wait3A_43 = tpu.memref_squeeze %dma_wait3A_42 : memref<1x2048x128xf32, #tpu.memory_space<hbm>> -> memref<2048x128xf32, #tpu.memory_space<hbm>>
      %dma_wait3A_44 = arith.constant 0 : i32
      %dma_wait3A_45 = arith.constant 0 : i32
      %dma_wait3A_46 = tpu.memref_slice %dma_wait3A_43[%dma_wait3A_44, %dma_wait3A_45] : memref<2048x128xf32, #tpu.memory_space<hbm>> -> memref<2048x128xf32, #tpu.memory_space<hbm>>
      tpu.wait_indirect_dma semaphore(%arg7 : memref<!tpu.dma_semaphore, #tpu.memory_space<semaphore_mem>>) src(%dma_wait3A_46 : memref<2048x128xf32, #tpu.memory_space<hbm>>) dst(%arg6 : memref<128x128xf32, #tpu.memory_space<vmem>>)
      %mul3A_47 = arith.constant 128 : i32
      %mul3A_48 = arith.muli %add3A_13, %mul3A_47 : i32
      %multiple_of3A_49 = tpu.assume_multiple %mul3A_48, 128 : i32
      %dma_start3A_50 = arith.constant 0 : i32
      %dma_start3A_51 = tpu.memref_slice %arg4[%multiple_of3A_49, %dma_start3A_50] : memref<81920x128xf32, #tpu.memory_space<hbm>> -> memref<128x128xf32, #tpu.memory_space<hbm>>
      %dma_start3A_52 = arith.constant 0 : i32
      %dma_start3A_53 = tpu.memref_slice %arg4[%multiple_of3A_49, %dma_start3A_52] : memref<81920x128xf32, #tpu.memory_space<hbm>> -> memref<128x128xf32, #tpu.memory_space<hbm>>
      tpu.enqueue_dma source(%arg6 : memref<128x128xf32, #tpu.memory_space<vmem>>) target(%dma_start3A_53 : memref<128x128xf32, #tpu.memory_space<hbm>>) target_semaphore(%arg8 : memref<!tpu.dma_semaphore, #tpu.memory_space<semaphore_mem>>)
      %dma_wait3A_54 = arith.constant 0 : i32
      %dma_wait3A_55 = tpu.memref_slice %arg4[%multiple_of3A_49, %dma_wait3A_54] : memref<81920x128xf32, #tpu.memory_space<hbm>> -> memref<128x128xf32, #tpu.memory_space<hbm>>
      %dma_wait3A_56 = arith.constant 0 : i32
      %dma_wait3A_57 = tpu.memref_slice %arg4[%multiple_of3A_49, %dma_wait3A_56] : memref<81920x128xf32, #tpu.memory_space<hbm>> -> memref<128x128xf32, #tpu.memory_space<hbm>>
      tpu.wait_dma2 semaphore(%arg8 : memref<!tpu.dma_semaphore, #tpu.memory_space<semaphore_mem>>) src(%arg6 : memref<128x128xf32, #tpu.memory_space<vmem>>) dst(%dma_wait3A_57 : memref<128x128xf32, #tpu.memory_space<hbm>>)
      %scan3A_58 = arith.constant 0 : i32
      scf.yield %scan3A_58 : i32
    }
    %scan3A_10 = arith.constant 20 : i32
    return
  }
}

#map = affine_map<(d0, d1) -> (0, 0, 0)>
#map1 = affine_map<(d0, d1) -> (0)>
#map2 = affine_map<(d0, d1) -> (0, 0)>
module attributes {stable_mosaic.version = 14 : i64} {
  func.func @body(%arg0: i32, %arg1: i32, %arg2: memref<2x2048x128xf32, #tpu.memory_space<hbm>>, %arg3: memref<81920xi32, #tpu.memory_space<hbm>>, %arg4: memref<81920x128xf32, #tpu.memory_space<hbm>>, %arg5: memref<2560xi32, #tpu.memory_space<vmem>>, %arg6: memref<128x128xf32, #tpu.memory_space<vmem>>, %arg7: memref<!tpu.dma_semaphore, #tpu.memory_space<semaphore_mem>>, %arg8: memref<!tpu.dma_semaphore, #tpu.memory_space<semaphore_mem>>) attributes {dimension_semantics = [#tpu.dimension_semantics<core_parallel>, #tpu.dimension_semantics<subcore_parallel>], iteration_bounds = array<i64: 2, 16>, scalar_prefetch = 0 : i64, scratch_operands = 4 : i64, tpu.core_type = #tpu.core_type<sc_vector_subcore>, window_params = [{transform_indices = #map}, {transform_indices = #map1}, {transform_indices = #map2}]} {
    %mul3A = arith.constant 2 : i32
    %mul3A_0 = arith.muli %arg1, %mul3A : i32
    %add3A = arith.addi %mul3A_0, %arg0 : i32
    %mul3A_1 = arith.constant 20 : i32
    %mul3A_2 = arith.muli %add3A, %mul3A_1 : i32
    %mul3A_3 = arith.constant 128 : i32
    %mul3A_4 = arith.muli %mul3A_2, %mul3A_3 : i32
    %multiple_of3A = tpu.assume_multiple %mul3A_4, 256 : i32
    "tpu.region"() ({
      %run_scoped3A = tpu.sem_alloc : memref<!tpu.dma_semaphore, #tpu.memory_space<semaphore_mem>>
      %dma_start3A = tpu.memref_slice %arg3[%multiple_of3A] : memref<81920xi32, #tpu.memory_space<hbm>> -> memref<2560xi32, #tpu.memory_space<hbm>>
      %dma_start3A_11 = tpu.memref_slice %arg3[%multiple_of3A] : memref<81920xi32, #tpu.memory_space<hbm>> -> memref<2560xi32, #tpu.memory_space<hbm>>
      tpu.enqueue_dma source(%dma_start3A_11 : memref<2560xi32, #tpu.memory_space<hbm>>) target(%arg5 : memref<2560xi32, #tpu.memory_space<vmem>>) target_semaphore(%run_scoped3A : memref<!tpu.dma_semaphore, #tpu.memory_space<semaphore_mem>>)
      %dma_wait3A = tpu.memref_slice %arg3[%multiple_of3A] : memref<81920xi32, #tpu.memory_space<hbm>> -> memref<2560xi32, #tpu.memory_space<hbm>>
      %dma_wait3A_12 = tpu.memref_slice %arg3[%multiple_of3A] : memref<81920xi32, #tpu.memory_space<hbm>> -> memref<2560xi32, #tpu.memory_space<hbm>>
      tpu.wait_dma2 semaphore(%run_scoped3A : memref<!tpu.dma_semaphore, #tpu.memory_space<semaphore_mem>>) src(%dma_wait3A_12 : memref<2560xi32, #tpu.memory_space<hbm>>) dst(%arg5 : memref<2560xi32, #tpu.memory_space<vmem>>)
      tpu.yield
    }) : () -> ()
    %scan3A = arith.constant 0 : i32
    %scan3A_5 = arith.constant 0 : i32
    %scan3A_6 = arith.constant 20 : i32
    %scan3A_7 = arith.addi %scan3A_5, %scan3A_6 : i32
    %scan3A_8 = arith.constant 1 : i32
    %scan3A_9 = scf.for %scan3A_11 = %scan3A_5 to %scan3A_7 step %scan3A_8 iter_args(%scan3A_12 = %scan3A) -> (i32)  : i32 {
      %add3A_13 = arith.addi %mul3A_2, %scan3A_11 : i32
      %jit3A = arith.constant 320 : i32
      %div3A = arith.divsi %add3A_13, %jit3A : i32
      %sign3A = arith.constant 0 : i32
      %sign3A_14 = arith.cmpi sgt, %add3A_13, %sign3A : i32
      %sign3A_15 = arith.extui %sign3A_14 : i1 to i32
      %sign3A_16 = arith.constant 0 : i32
      %sign3A_17 = arith.cmpi slt, %add3A_13, %sign3A_16 : i32
      %sign3A_18 = arith.extui %sign3A_17 : i1 to i32
      %sign3A_19 = arith.subi %sign3A_15, %sign3A_18 : i32
      %sign3A_20 = arith.constant 0 : i32
      %sign3A_21 = arith.cmpi sgt, %jit3A, %sign3A_20 : i32
      %sign3A_22 = arith.extui %sign3A_21 : i1 to i32
      %sign3A_23 = arith.constant 0 : i32
      %sign3A_24 = arith.cmpi slt, %jit3A, %sign3A_23 : i32
      %sign3A_25 = arith.extui %sign3A_24 : i1 to i32
      %sign3A_26 = arith.subi %sign3A_22, %sign3A_25 : i32
      %ne3A = arith.cmpi ne, %sign3A_19, %sign3A_26 : i32
      %rem3A = arith.remsi %add3A_13, %jit3A : i32
      %ne3A_27 = arith.constant 0 : i32
      %ne3A_28 = arith.cmpi ne, %rem3A, %ne3A_27 : i32
      %and3A = arith.andi %ne3A, %ne3A_28 : i1
      %sub3A = arith.constant 1 : i32
      %sub3A_29 = arith.subi %div3A, %sub3A : i32
      %select_n3A = arith.select %and3A, %sub3A_29, %div3A : i32
      %mul3A_30 = arith.constant 128 : i32
      %mul3A_31 = arith.muli %scan3A_11, %mul3A_30 : i32
      %multiple_of3A_32 = tpu.assume_multiple %mul3A_31, 128 : i32
      %dma_start3A = tpu.memref_slice %arg5[%multiple_of3A_32] : memref<2560xi32, #tpu.memory_space<vmem>> -> memref<128xi32, #tpu.memory_space<vmem>>
      %dma_start3A_33 = arith.constant 0 : i32
      %dma_start3A_34 = arith.constant 0 : i32
      %dma_start3A_35 = tpu.memref_slice %arg2[%select_n3A, %dma_start3A_33, %dma_start3A_34] : memref<2x2048x128xf32, #tpu.memory_space<hbm>> -> memref<1x2048x128xf32, #tpu.memory_space<hbm>>
      %dma_start3A_36 = tpu.memref_squeeze %dma_start3A_35 : memref<1x2048x128xf32, #tpu.memory_space<hbm>> -> memref<2048x128xf32, #tpu.memory_space<hbm>>
      %dma_start3A_37 = arith.constant 0 : i32
      %dma_start3A_38 = arith.constant 0 : i32
      %dma_start3A_39 = tpu.memref_slice %dma_start3A_36[%dma_start3A_37, %dma_start3A_38] : memref<2048x128xf32, #tpu.memory_space<hbm>> -> memref<2048x128xf32, #tpu.memory_space<hbm>>
      tpu.enqueue_indirect_dma source(%dma_start3A_39 : memref<2048x128xf32, #tpu.memory_space<hbm>>) target(%arg6 : memref<128x128xf32, #tpu.memory_space<vmem>>) offsets(%dma_start3A : memref<128xi32, #tpu.memory_space<vmem>>) semaphore(%arg7 : memref<!tpu.dma_semaphore, #tpu.memory_space<semaphore_mem>>)
      %dma_wait3A = tpu.memref_slice %arg5[%multiple_of3A_32] : memref<2560xi32, #tpu.memory_space<vmem>> -> memref<128xi32, #tpu.memory_space<vmem>>
      %dma_wait3A_40 = arith.constant 0 : i32
      %dma_wait3A_41 = arith.constant 0 : i32
      %dma_wait3A_42 = tpu.memref_slice %arg2[%select_n3A, %dma_wait3A_40, %dma_wait3A_41] : memref<2x2048x128xf32, #tpu.memory_space<hbm>> -> memref<1x2048x128xf32, #tpu.memory_space<hbm>>
      %dma_wait3A_43 = tpu.memref_squeeze %dma_wait3A_42 : memref<1x2048x128xf32, #tpu.memory_space<hbm>> -> memref<2048x128xf32, #tpu.memory_space<hbm>>
      %dma_wait3A_44 = arith.constant 0 : i32
      %dma_wait3A_45 = arith.constant 0 : i32
      %dma_wait3A_46 = tpu.memref_slice %dma_wait3A_43[%dma_wait3A_44, %dma_wait3A_45] : memref<2048x128xf32, #tpu.memory_space<hbm>> -> memref<2048x128xf32, #tpu.memory_space<hbm>>
      tpu.wait_indirect_dma semaphore(%arg7 : memref<!tpu.dma_semaphore, #tpu.memory_space<semaphore_mem>>) src(%dma_wait3A_46 : memref<2048x128xf32, #tpu.memory_space<hbm>>) dst(%arg6 : memref<128x128xf32, #tpu.memory_space<vmem>>)
      %mul3A_47 = arith.constant 128 : i32
      %mul3A_48 = arith.muli %add3A_13, %mul3A_47 : i32
      %multiple_of3A_49 = tpu.assume_multiple %mul3A_48, 128 : i32
      %dma_start3A_50 = arith.constant 0 : i32
      %dma_start3A_51 = tpu.memref_slice %arg4[%multiple_of3A_49, %dma_start3A_50] : memref<81920x128xf32, #tpu.memory_space<hbm>> -> memref<128x128xf32, #tpu.memory_space<hbm>>
      %dma_start3A_52 = arith.constant 0 : i32
      %dma_start3A_53 = tpu.memref_slice %arg4[%multiple_of3A_49, %dma_start3A_52] : memref<81920x128xf32, #tpu.memory_space<hbm>> -> memref<128x128xf32, #tpu.memory_space<hbm>>
      tpu.enqueue_dma source(%arg6 : memref<128x128xf32, #tpu.memory_space<vmem>>) target(%dma_start3A_53 : memref<128x128xf32, #tpu.memory_space<hbm>>) target_semaphore(%arg8 : memref<!tpu.dma_semaphore, #tpu.memory_space<semaphore_mem>>)
      %dma_wait3A_54 = arith.constant 0 : i32
      %dma_wait3A_55 = tpu.memref_slice %arg4[%multiple_of3A_49, %dma_wait3A_54] : memref<81920x128xf32, #tpu.memory_space<hbm>> -> memref<128x128xf32, #tpu.memory_space<hbm>>
      %dma_wait3A_56 = arith.constant 0 : i32
      %dma_wait3A_57 = tpu.memref_slice %arg4[%multiple_of3A_49, %dma_wait3A_56] : memref<81920x128xf32, #tpu.memory_space<hbm>> -> memref<128x128xf32, #tpu.memory_space<hbm>>
      tpu.wait_dma2 semaphore(%arg8 : memref<!tpu.dma_semaphore, #tpu.memory_space<semaphore_mem>>) src(%arg6 : memref<128x128xf32, #tpu.memory_space<vmem>>) dst(%dma_wait3A_57 : memref<128x128xf32, #tpu.memory_space<hbm>>)
      %scan3A_58 = arith.constant 0 : i32
      scf.yield %scan3A_58 : i32
    }
    %scan3A_10 = arith.constant 20 : i32
    return
  }
}

#map = affine_map<(d0, d1) -> (0, 0, 0)>
#map1 = affine_map<(d0, d1) -> (0)>
#map2 = affine_map<(d0, d1) -> (0, 0)>
module attributes {stable_mosaic.version = 14 : i64} {
  func.func @body(%arg0: i32, %arg1: i32, %arg2: memref<2x2048x128xf32, #tpu.memory_space<hbm>>, %arg3: memref<81920xi32, #tpu.memory_space<hbm>>, %arg4: memref<81920x128xf32, #tpu.memory_space<hbm>>, %arg5: memref<2560xi32, #tpu.memory_space<vmem>>, %arg6: memref<128x128xf32, #tpu.memory_space<vmem>>, %arg7: memref<!tpu.dma_semaphore, #tpu.memory_space<semaphore_mem>>, %arg8: memref<!tpu.dma_semaphore, #tpu.memory_space<semaphore_mem>>) attributes {dimension_semantics = [#tpu.dimension_semantics<core_parallel>, #tpu.dimension_semantics<subcore_parallel>], iteration_bounds = array<i64: 2, 16>, scalar_prefetch = 0 : i64, scratch_operands = 4 : i64, tpu.core_type = #tpu.core_type<sc_vector_subcore>, window_params = [{transform_indices = #map}, {transform_indices = #map1}, {transform_indices = #map2}]} {
    %mul3A = arith.constant 2 : i32
    %mul3A_0 = arith.muli %arg1, %mul3A : i32
    %add3A = arith.addi %mul3A_0, %arg0 : i32
    %mul3A_1 = arith.constant 20 : i32
    %mul3A_2 = arith.muli %add3A, %mul3A_1 : i32
    %mul3A_3 = arith.constant 128 : i32
    %mul3A_4 = arith.muli %mul3A_2, %mul3A_3 : i32
    %multiple_of3A = tpu.assume_multiple %mul3A_4, 256 : i32
    "tpu.region"() ({
      %run_scoped3A = tpu.sem_alloc : memref<!tpu.dma_semaphore, #tpu.memory_space<semaphore_mem>>
      %dma_start3A = tpu.memref_slice %arg3[%multiple_of3A] : memref<81920xi32, #tpu.memory_space<hbm>> -> memref<2560xi32, #tpu.memory_space<hbm>>
      %dma_start3A_11 = tpu.memref_slice %arg3[%multiple_of3A] : memref<81920xi32, #tpu.memory_space<hbm>> -> memref<2560xi32, #tpu.memory_space<hbm>>
      tpu.enqueue_dma source(%dma_start3A_11 : memref<2560xi32, #tpu.memory_space<hbm>>) target(%arg5 : memref<2560xi32, #tpu.memory_space<vmem>>) target_semaphore(%run_scoped3A : memref<!tpu.dma_semaphore, #tpu.memory_space<semaphore_mem>>)
      %dma_wait3A = tpu.memref_slice %arg3[%multiple_of3A] : memref<81920xi32, #tpu.memory_space<hbm>> -> memref<2560xi32, #tpu.memory_space<hbm>>
      %dma_wait3A_12 = tpu.memref_slice %arg3[%multiple_of3A] : memref<81920xi32, #tpu.memory_space<hbm>> -> memref<2560xi32, #tpu.memory_space<hbm>>
      tpu.wait_dma2 semaphore(%run_scoped3A : memref<!tpu.dma_semaphore, #tpu.memory_space<semaphore_mem>>) src(%dma_wait3A_12 : memref<2560xi32, #tpu.memory_space<hbm>>) dst(%arg5 : memref<2560xi32, #tpu.memory_space<vmem>>)
      tpu.yield
    }) : () -> ()
    %scan3A = arith.constant 0 : i32
    %scan3A_5 = arith.constant 0 : i32
    %scan3A_6 = arith.constant 20 : i32
    %scan3A_7 = arith.addi %scan3A_5, %scan3A_6 : i32
    %scan3A_8 = arith.constant 1 : i32
    %scan3A_9 = scf.for %scan3A_11 = %scan3A_5 to %scan3A_7 step %scan3A_8 iter_args(%scan3A_12 = %scan3A) -> (i32)  : i32 {
      %add3A_13 = arith.addi %mul3A_2, %scan3A_11 : i32
      %jit3A = arith.constant 320 : i32
      %div3A = arith.divsi %add3A_13, %jit3A : i32
      %sign3A = arith.constant 0 : i32
      %sign3A_14 = arith.cmpi sgt, %add3A_13, %sign3A : i32
      %sign3A_15 = arith.extui %sign3A_14 : i1 to i32
      %sign3A_16 = arith.constant 0 : i32
      %sign3A_17 = arith.cmpi slt, %add3A_13, %sign3A_16 : i32
      %sign3A_18 = arith.extui %sign3A_17 : i1 to i32
      %sign3A_19 = arith.subi %sign3A_15, %sign3A_18 : i32
      %sign3A_20 = arith.constant 0 : i32
      %sign3A_21 = arith.cmpi sgt, %jit3A, %sign3A_20 : i32
      %sign3A_22 = arith.extui %sign3A_21 : i1 to i32
      %sign3A_23 = arith.constant 0 : i32
      %sign3A_24 = arith.cmpi slt, %jit3A, %sign3A_23 : i32
      %sign3A_25 = arith.extui %sign3A_24 : i1 to i32
      %sign3A_26 = arith.subi %sign3A_22, %sign3A_25 : i32
      %ne3A = arith.cmpi ne, %sign3A_19, %sign3A_26 : i32
      %rem3A = arith.remsi %add3A_13, %jit3A : i32
      %ne3A_27 = arith.constant 0 : i32
      %ne3A_28 = arith.cmpi ne, %rem3A, %ne3A_27 : i32
      %and3A = arith.andi %ne3A, %ne3A_28 : i1
      %sub3A = arith.constant 1 : i32
      %sub3A_29 = arith.subi %div3A, %sub3A : i32
      %select_n3A = arith.select %and3A, %sub3A_29, %div3A : i32
      %mul3A_30 = arith.constant 128 : i32
      %mul3A_31 = arith.muli %scan3A_11, %mul3A_30 : i32
      %multiple_of3A_32 = tpu.assume_multiple %mul3A_31, 128 : i32
      %dma_start3A = tpu.memref_slice %arg5[%multiple_of3A_32] : memref<2560xi32, #tpu.memory_space<vmem>> -> memref<128xi32, #tpu.memory_space<vmem>>
      %dma_start3A_33 = arith.constant 0 : i32
      %dma_start3A_34 = arith.constant 0 : i32
      %dma_start3A_35 = tpu.memref_slice %arg2[%select_n3A, %dma_start3A_33, %dma_start3A_34] : memref<2x2048x128xf32, #tpu.memory_space<hbm>> -> memref<1x2048x128xf32, #tpu.memory_space<hbm>>
      %dma_start3A_36 = tpu.memref_squeeze %dma_start3A_35 : memref<1x2048x128xf32, #tpu.memory_space<hbm>> -> memref<2048x128xf32, #tpu.memory_space<hbm>>
      %dma_start3A_37 = arith.constant 0 : i32
      %dma_start3A_38 = arith.constant 0 : i32
      %dma_start3A_39 = tpu.memref_slice %dma_start3A_36[%dma_start3A_37, %dma_start3A_38] : memref<2048x128xf32, #tpu.memory_space<hbm>> -> memref<2048x128xf32, #tpu.memory_space<hbm>>
      tpu.enqueue_indirect_dma source(%dma_start3A_39 : memref<2048x128xf32, #tpu.memory_space<hbm>>) target(%arg6 : memref<128x128xf32, #tpu.memory_space<vmem>>) offsets(%dma_start3A : memref<128xi32, #tpu.memory_space<vmem>>) semaphore(%arg7 : memref<!tpu.dma_semaphore, #tpu.memory_space<semaphore_mem>>)
      %dma_wait3A = tpu.memref_slice %arg5[%multiple_of3A_32] : memref<2560xi32, #tpu.memory_space<vmem>> -> memref<128xi32, #tpu.memory_space<vmem>>
      %dma_wait3A_40 = arith.constant 0 : i32
      %dma_wait3A_41 = arith.constant 0 : i32
      %dma_wait3A_42 = tpu.memref_slice %arg2[%select_n3A, %dma_wait3A_40, %dma_wait3A_41] : memref<2x2048x128xf32, #tpu.memory_space<hbm>> -> memref<1x2048x128xf32, #tpu.memory_space<hbm>>
      %dma_wait3A_43 = tpu.memref_squeeze %dma_wait3A_42 : memref<1x2048x128xf32, #tpu.memory_space<hbm>> -> memref<2048x128xf32, #tpu.memory_space<hbm>>
      %dma_wait3A_44 = arith.constant 0 : i32
      %dma_wait3A_45 = arith.constant 0 : i32
      %dma_wait3A_46 = tpu.memref_slice %dma_wait3A_43[%dma_wait3A_44, %dma_wait3A_45] : memref<2048x128xf32, #tpu.memory_space<hbm>> -> memref<2048x128xf32, #tpu.memory_space<hbm>>
      tpu.wait_indirect_dma semaphore(%arg7 : memref<!tpu.dma_semaphore, #tpu.memory_space<semaphore_mem>>) src(%dma_wait3A_46 : memref<2048x128xf32, #tpu.memory_space<hbm>>) dst(%arg6 : memref<128x128xf32, #tpu.memory_space<vmem>>)
      %mul3A_47 = arith.constant 128 : i32
      %mul3A_48 = arith.muli %add3A_13, %mul3A_47 : i32
      %multiple_of3A_49 = tpu.assume_multiple %mul3A_48, 128 : i32
      %dma_start3A_50 = arith.constant 0 : i32
      %dma_start3A_51 = tpu.memref_slice %arg4[%multiple_of3A_49, %dma_start3A_50] : memref<81920x128xf32, #tpu.memory_space<hbm>> -> memref<128x128xf32, #tpu.memory_space<hbm>>
      %dma_start3A_52 = arith.constant 0 : i32
      %dma_start3A_53 = tpu.memref_slice %arg4[%multiple_of3A_49, %dma_start3A_52] : memref<81920x128xf32, #tpu.memory_space<hbm>> -> memref<128x128xf32, #tpu.memory_space<hbm>>
      tpu.enqueue_dma source(%arg6 : memref<128x128xf32, #tpu.memory_space<vmem>>) target(%dma_start3A_53 : memref<128x128xf32, #tpu.memory_space<hbm>>) target_semaphore(%arg8 : memref<!tpu.dma_semaphore, #tpu.memory_space<semaphore_mem>>)
      %dma_wait3A_54 = arith.constant 0 : i32
      %dma_wait3A_55 = tpu.memref_slice %arg4[%multiple_of3A_49, %dma_wait3A_54] : memref<81920x128xf32, #tpu.memory_space<hbm>> -> memref<128x128xf32, #tpu.memory_space<hbm>>
      %dma_wait3A_56 = arith.constant 0 : i32
      %dma_wait3A_57 = tpu.memref_slice %arg4[%multiple_of3A_49, %dma_wait3A_56] : memref<81920x128xf32, #tpu.memory_space<hbm>> -> memref<128x128xf32, #tpu.memory_space<hbm>>
      tpu.wait_dma2 semaphore(%arg8 : memref<!tpu.dma_semaphore, #tpu.memory_space<semaphore_mem>>) src(%arg6 : memref<128x128xf32, #tpu.memory_space<vmem>>) dst(%dma_wait3A_57 : memref<128x128xf32, #tpu.memory_space<hbm>>)
      %scan3A_58 = arith.constant 0 : i32
      scf.yield %scan3A_58 : i32
    }
    %scan3A_10 = arith.constant 20 : i32
    return
  }
}

#map = affine_map<(d0, d1) -> (0, 0, 0)>
#map1 = affine_map<(d0, d1) -> (0)>
#map2 = affine_map<(d0, d1) -> (0, 0)>
module attributes {stable_mosaic.version = 14 : i64} {
  func.func @body(%arg0: i32, %arg1: i32, %arg2: memref<2x2048x128xf32, #tpu.memory_space<hbm>>, %arg3: memref<81920xi32, #tpu.memory_space<hbm>>, %arg4: memref<81920x128xf32, #tpu.memory_space<hbm>>, %arg5: memref<2560xi32, #tpu.memory_space<vmem>>, %arg6: memref<128x128xf32, #tpu.memory_space<vmem>>, %arg7: memref<!tpu.dma_semaphore, #tpu.memory_space<semaphore_mem>>, %arg8: memref<!tpu.dma_semaphore, #tpu.memory_space<semaphore_mem>>) attributes {dimension_semantics = [#tpu.dimension_semantics<core_parallel>, #tpu.dimension_semantics<subcore_parallel>], iteration_bounds = array<i64: 2, 16>, scalar_prefetch = 0 : i64, scratch_operands = 4 : i64, tpu.core_type = #tpu.core_type<sc_vector_subcore>, window_params = [{transform_indices = #map}, {transform_indices = #map1}, {transform_indices = #map2}]} {
    %mul3A = arith.constant 2 : i32
    %mul3A_0 = arith.muli %arg1, %mul3A : i32
    %add3A = arith.addi %mul3A_0, %arg0 : i32
    %mul3A_1 = arith.constant 20 : i32
    %mul3A_2 = arith.muli %add3A, %mul3A_1 : i32
    %mul3A_3 = arith.constant 128 : i32
    %mul3A_4 = arith.muli %mul3A_2, %mul3A_3 : i32
    %multiple_of3A = tpu.assume_multiple %mul3A_4, 256 : i32
    "tpu.region"() ({
      %run_scoped3A = tpu.sem_alloc : memref<!tpu.dma_semaphore, #tpu.memory_space<semaphore_mem>>
      %dma_start3A = tpu.memref_slice %arg3[%multiple_of3A] : memref<81920xi32, #tpu.memory_space<hbm>> -> memref<2560xi32, #tpu.memory_space<hbm>>
      %dma_start3A_11 = tpu.memref_slice %arg3[%multiple_of3A] : memref<81920xi32, #tpu.memory_space<hbm>> -> memref<2560xi32, #tpu.memory_space<hbm>>
      tpu.enqueue_dma source(%dma_start3A_11 : memref<2560xi32, #tpu.memory_space<hbm>>) target(%arg5 : memref<2560xi32, #tpu.memory_space<vmem>>) target_semaphore(%run_scoped3A : memref<!tpu.dma_semaphore, #tpu.memory_space<semaphore_mem>>)
      %dma_wait3A = tpu.memref_slice %arg3[%multiple_of3A] : memref<81920xi32, #tpu.memory_space<hbm>> -> memref<2560xi32, #tpu.memory_space<hbm>>
      %dma_wait3A_12 = tpu.memref_slice %arg3[%multiple_of3A] : memref<81920xi32, #tpu.memory_space<hbm>> -> memref<2560xi32, #tpu.memory_space<hbm>>
      tpu.wait_dma2 semaphore(%run_scoped3A : memref<!tpu.dma_semaphore, #tpu.memory_space<semaphore_mem>>) src(%dma_wait3A_12 : memref<2560xi32, #tpu.memory_space<hbm>>) dst(%arg5 : memref<2560xi32, #tpu.memory_space<vmem>>)
      tpu.yield
    }) : () -> ()
    %scan3A = arith.constant 0 : i32
    %scan3A_5 = arith.constant 0 : i32
    %scan3A_6 = arith.constant 20 : i32
    %scan3A_7 = arith.addi %scan3A_5, %scan3A_6 : i32
    %scan3A_8 = arith.constant 1 : i32
    %scan3A_9 = scf.for %scan3A_11 = %scan3A_5 to %scan3A_7 step %scan3A_8 iter_args(%scan3A_12 = %scan3A) -> (i32)  : i32 {
      %add3A_13 = arith.addi %mul3A_2, %scan3A_11 : i32
      %jit3A = arith.constant 320 : i32
      %div3A = arith.divsi %add3A_13, %jit3A : i32
      %sign3A = arith.constant 0 : i32
      %sign3A_14 = arith.cmpi sgt, %add3A_13, %sign3A : i32
      %sign3A_15 = arith.extui %sign3A_14 : i1 to i32
      %sign3A_16 = arith.constant 0 : i32
      %sign3A_17 = arith.cmpi slt, %add3A_13, %sign3A_16 : i32
      %sign3A_18 = arith.extui %sign3A_17 : i1 to i32
      %sign3A_19 = arith.subi %sign3A_15, %sign3A_18 : i32
      %sign3A_20 = arith.constant 0 : i32
      %sign3A_21 = arith.cmpi sgt, %jit3A, %sign3A_20 : i32
      %sign3A_22 = arith.extui %sign3A_21 : i1 to i32
      %sign3A_23 = arith.constant 0 : i32
      %sign3A_24 = arith.cmpi slt, %jit3A, %sign3A_23 : i32
      %sign3A_25 = arith.extui %sign3A_24 : i1 to i32
      %sign3A_26 = arith.subi %sign3A_22, %sign3A_25 : i32
      %ne3A = arith.cmpi ne, %sign3A_19, %sign3A_26 : i32
      %rem3A = arith.remsi %add3A_13, %jit3A : i32
      %ne3A_27 = arith.constant 0 : i32
      %ne3A_28 = arith.cmpi ne, %rem3A, %ne3A_27 : i32
      %and3A = arith.andi %ne3A, %ne3A_28 : i1
      %sub3A = arith.constant 1 : i32
      %sub3A_29 = arith.subi %div3A, %sub3A : i32
      %select_n3A = arith.select %and3A, %sub3A_29, %div3A : i32
      %mul3A_30 = arith.constant 128 : i32
      %mul3A_31 = arith.muli %scan3A_11, %mul3A_30 : i32
      %multiple_of3A_32 = tpu.assume_multiple %mul3A_31, 128 : i32
      %dma_start3A = tpu.memref_slice %arg5[%multiple_of3A_32] : memref<2560xi32, #tpu.memory_space<vmem>> -> memref<128xi32, #tpu.memory_space<vmem>>
      %dma_start3A_33 = arith.constant 0 : i32
      %dma_start3A_34 = arith.constant 0 : i32
      %dma_start3A_35 = tpu.memref_slice %arg2[%select_n3A, %dma_start3A_33, %dma_start3A_34] : memref<2x2048x128xf32, #tpu.memory_space<hbm>> -> memref<1x2048x128xf32, #tpu.memory_space<hbm>>
      %dma_start3A_36 = tpu.memref_squeeze %dma_start3A_35 : memref<1x2048x128xf32, #tpu.memory_space<hbm>> -> memref<2048x128xf32, #tpu.memory_space<hbm>>
      %dma_start3A_37 = arith.constant 0 : i32
      %dma_start3A_38 = arith.constant 0 : i32
      %dma_start3A_39 = tpu.memref_slice %dma_start3A_36[%dma_start3A_37, %dma_start3A_38] : memref<2048x128xf32, #tpu.memory_space<hbm>> -> memref<2048x128xf32, #tpu.memory_space<hbm>>
      tpu.enqueue_indirect_dma source(%dma_start3A_39 : memref<2048x128xf32, #tpu.memory_space<hbm>>) target(%arg6 : memref<128x128xf32, #tpu.memory_space<vmem>>) offsets(%dma_start3A : memref<128xi32, #tpu.memory_space<vmem>>) semaphore(%arg7 : memref<!tpu.dma_semaphore, #tpu.memory_space<semaphore_mem>>)
      %dma_wait3A = tpu.memref_slice %arg5[%multiple_of3A_32] : memref<2560xi32, #tpu.memory_space<vmem>> -> memref<128xi32, #tpu.memory_space<vmem>>
      %dma_wait3A_40 = arith.constant 0 : i32
      %dma_wait3A_41 = arith.constant 0 : i32
      %dma_wait3A_42 = tpu.memref_slice %arg2[%select_n3A, %dma_wait3A_40, %dma_wait3A_41] : memref<2x2048x128xf32, #tpu.memory_space<hbm>> -> memref<1x2048x128xf32, #tpu.memory_space<hbm>>
      %dma_wait3A_43 = tpu.memref_squeeze %dma_wait3A_42 : memref<1x2048x128xf32, #tpu.memory_space<hbm>> -> memref<2048x128xf32, #tpu.memory_space<hbm>>
      %dma_wait3A_44 = arith.constant 0 : i32
      %dma_wait3A_45 = arith.constant 0 : i32
      %dma_wait3A_46 = tpu.memref_slice %dma_wait3A_43[%dma_wait3A_44, %dma_wait3A_45] : memref<2048x128xf32, #tpu.memory_space<hbm>> -> memref<2048x128xf32, #tpu.memory_space<hbm>>
      tpu.wait_indirect_dma semaphore(%arg7 : memref<!tpu.dma_semaphore, #tpu.memory_space<semaphore_mem>>) src(%dma_wait3A_46 : memref<2048x128xf32, #tpu.memory_space<hbm>>) dst(%arg6 : memref<128x128xf32, #tpu.memory_space<vmem>>)
      %mul3A_47 = arith.constant 128 : i32
      %mul3A_48 = arith.muli %add3A_13, %mul3A_47 : i32
      %multiple_of3A_49 = tpu.assume_multiple %mul3A_48, 128 : i32
      %dma_start3A_50 = arith.constant 0 : i32
      %dma_start3A_51 = tpu.memref_slice %arg4[%multiple_of3A_49, %dma_start3A_50] : memref<81920x128xf32, #tpu.memory_space<hbm>> -> memref<128x128xf32, #tpu.memory_space<hbm>>
      %dma_start3A_52 = arith.constant 0 : i32
      %dma_start3A_53 = tpu.memref_slice %arg4[%multiple_of3A_49, %dma_start3A_52] : memref<81920x128xf32, #tpu.memory_space<hbm>> -> memref<128x128xf32, #tpu.memory_space<hbm>>
      tpu.enqueue_dma source(%arg6 : memref<128x128xf32, #tpu.memory_space<vmem>>) target(%dma_start3A_53 : memref<128x128xf32, #tpu.memory_space<hbm>>) target_semaphore(%arg8 : memref<!tpu.dma_semaphore, #tpu.memory_space<semaphore_mem>>)
      %dma_wait3A_54 = arith.constant 0 : i32
      %dma_wait3A_55 = tpu.memref_slice %arg4[%multiple_of3A_49, %dma_wait3A_54] : memref<81920x128xf32, #tpu.memory_space<hbm>> -> memref<128x128xf32, #tpu.memory_space<hbm>>
      %dma_wait3A_56 = arith.constant 0 : i32
      %dma_wait3A_57 = tpu.memref_slice %arg4[%multiple_of3A_49, %dma_wait3A_56] : memref<81920x128xf32, #tpu.memory_space<hbm>> -> memref<128x128xf32, #tpu.memory_space<hbm>>
      tpu.wait_dma2 semaphore(%arg8 : memref<!tpu.dma_semaphore, #tpu.memory_space<semaphore_mem>>) src(%arg6 : memref<128x128xf32, #tpu.memory_space<vmem>>) dst(%dma_wait3A_57 : memref<128x128xf32, #tpu.memory_space<hbm>>)
      %scan3A_58 = arith.constant 0 : i32
      scf.yield %scan3A_58 : i32
    }
    %scan3A_10 = arith.constant 20 : i32
    return
  }
}

module attributes {stable_mosaic.version = 14 : i64} {
  func.func @_topk_body(%arg0: i32, %arg1: i32, %arg2: memref<1x256x64xf32, #tpu.memory_space<vmem>>, %arg3: memref<1x64x2048xf32, #tpu.memory_space<vmem>>, %arg4: memref<64x128xf32, #tpu.memory_space<vmem>>, %arg5: memref<64x128xf32, #tpu.memory_space<vmem>>, %arg6: memref<1x128xf32, #tpu.memory_space<vmem>>, %arg7: memref<1x256x20xi32, #tpu.memory_space<vmem>>, %arg8: memref<1x256x128xf32, #tpu.memory_space<vmem>>, %arg9: memref<1x256x128xf32, #tpu.memory_space<vmem>>) attributes {dimension_semantics = [#tpu.dimension_semantics<arbitrary>, #tpu.dimension_semantics<arbitrary>], iteration_bounds = array<i64: 2, 8>, scalar_prefetch = 0 : i64, scratch_operands = 0 : i64, tpu.core_type = #tpu.core_type<tc>, window_params = [{transform_indices = @transform_0, window_bounds = array<i64: 1, 256, 64>}, {transform_indices = @transform_1, window_bounds = array<i64: 1, 64, 2048>}, {pipeline_mode = #tpu.pipeline_mode<synchronous>, transform_indices = @transform_2, window_bounds = array<i64: 64, 128>}, {pipeline_mode = #tpu.pipeline_mode<synchronous>, transform_indices = @transform_3, window_bounds = array<i64: 64, 128>}, {pipeline_mode = #tpu.pipeline_mode<synchronous>, transform_indices = @transform_4, window_bounds = array<i64: 1, 128>}, {transform_indices = @transform_5, window_bounds = array<i64: 1, 256, 20>}, {transform_indices = @transform_6, window_bounds = array<i64: 1, 256, 128>}, {transform_indices = @transform_7, window_bounds = array<i64: 1, 256, 128>}]} {
    %get3A = arith.constant 0 : index
    %get3A_0 = arith.constant 0 : index
    %get3A_1 = arith.constant 0 : index
    %get3A_2 = vector.load %arg2[%get3A, %get3A_0, %get3A_1] : memref<1x256x64xf32, #tpu.memory_space<vmem>>, vector<1x256x64xf32>
    %get3A_3 = vector.shape_cast %get3A_2 : vector<1x256x64xf32> to vector<256x64xf32>
    %get3A_4 = arith.constant 0 : index
    %get3A_5 = arith.constant 0 : index
    %get3A_6 = arith.constant 0 : index
    %get3A_7 = vector.load %arg3[%get3A_4, %get3A_5, %get3A_6] : memref<1x64x2048xf32, #tpu.memory_space<vmem>>, vector<1x64x2048xf32>
    %get3A_8 = vector.shape_cast %get3A_7 : vector<1x64x2048xf32> to vector<64x2048xf32>
    %get3A_9 = arith.constant 0 : index
    %get3A_10 = arith.constant 0 : index
    %get3A_11 = vector.load %arg4[%get3A_9, %get3A_10] : memref<64x128xf32, #tpu.memory_space<vmem>>, vector<64x128xf32>
    %dot_general3A = arith.constant dense<0.000000e+00> : vector<256x128xf32>
    %dot_general3A_12 = tpu.matmul %get3A_3, %get3A_11, %dot_general3A {dimension_numbers = #tpu.dot_dimension_numbers<[1], [0], [0], [1], [0, 0, 1, 1], [], []>, transpose_lhs_hint = false} : vector<256x64xf32>, vector<64x128xf32>, vector<256x128xf32> -> vector<256x128xf32>
    %swap3A = arith.constant 0 : index
    %swap3A_13 = arith.constant 0 : index
    %swap3A_14 = arith.constant 0 : index
    %swap3A_15 = vector.load %arg8[%swap3A, %swap3A_13, %swap3A_14] : memref<1x256x128xf32, #tpu.memory_space<vmem>>, vector<1x256x128xf32>
    %swap3A_16 = vector.shape_cast %swap3A_15 : vector<1x256x128xf32> to vector<256x128xf32>
    %swap3A_17 = vector.shape_cast %dot_general3A_12 : vector<256x128xf32> to vector<1x256x128xf32>
    tpu.vector_store %arg8[%swap3A, %swap3A_13, %swap3A_14], %swap3A_17 {strides = array<i32>} : memref<1x256x128xf32, #tpu.memory_space<vmem>>, vector<1x256x128xf32>,
    %get3A_18 = arith.constant 0 : index
    %get3A_19 = arith.constant 0 : index
    %get3A_20 = vector.load %arg5[%get3A_18, %get3A_19] : memref<64x128xf32, #tpu.memory_space<vmem>>, vector<64x128xf32>
    %dot_general3A_21 = arith.constant dense<0.000000e+00> : vector<256x128xf32>
    %dot_general3A_22 = tpu.matmul %get3A_3, %get3A_20, %dot_general3A_21 {dimension_numbers = #tpu.dot_dimension_numbers<[1], [0], [0], [1], [0, 0, 1, 1], [], []>, transpose_lhs_hint = false} : vector<256x64xf32>, vector<64x128xf32>, vector<256x128xf32> -> vector<256x128xf32>
    %get3A_23 = arith.constant 0 : index
    %get3A_24 = arith.constant 0 : index
    %get3A_25 = vector.load %arg6[%get3A_23, %get3A_24] : memref<1x128xf32, #tpu.memory_space<vmem>>, vector<1x128xf32>
    %add3A = vector.broadcast %get3A_25 : vector<1x128xf32> to vector<256x128xf32>
    %add3A_26 = arith.addf %dot_general3A_22, %add3A : vector<256x128xf32>
    %swap3A_27 = arith.constant 0 : index
    %swap3A_28 = arith.constant 0 : index
    %swap3A_29 = arith.constant 0 : index
    %swap3A_30 = vector.load %arg9[%swap3A_27, %swap3A_28, %swap3A_29] : memref<1x256x128xf32, #tpu.memory_space<vmem>>, vector<1x256x128xf32>
    %swap3A_31 = vector.shape_cast %swap3A_30 : vector<1x256x128xf32> to vector<256x128xf32>
    %swap3A_32 = vector.shape_cast %add3A_26 : vector<256x128xf32> to vector<1x256x128xf32>
    tpu.vector_store %arg9[%swap3A_27, %swap3A_28, %swap3A_29], %swap3A_32 {strides = array<i32>} : memref<1x256x128xf32, #tpu.memory_space<vmem>>, vector<1x256x128xf32>,
    %dot_general3A_33 = arith.constant dense<0.000000e+00> : vector<256x2048xf32>
    %dot_general3A_34 = tpu.matmul %get3A_3, %get3A_8, %dot_general3A_33 {dimension_numbers = #tpu.dot_dimension_numbers<[1], [0], [0], [1], [0, 0, 1, 1], [], []>, transpose_lhs_hint = false} : vector<256x64xf32>, vector<64x2048xf32>, vector<256x2048xf32> -> vector<256x2048xf32>
    %mul3A = arith.constant -2.000000e+00 : f32
    %mul3A_35 = vector.broadcast %mul3A : f32 to vector<256x2048xf32>
    %mul3A_36 = arith.mulf %mul3A_35, %dot_general3A_34 : vector<256x2048xf32>
    %mul3A_37 = arith.mulf %get3A_8, %get3A_8 : vector<64x2048xf32>
    %slice3A = vector.extract_strided_slice %mul3A_37 {offsets = [0, 0], sizes = [32, 2048], strides = [1, 1]} : vector<64x2048xf32> to vector<32x2048xf32>
    %slice3A_38 = vector.extract_strided_slice %mul3A_37 {offsets = [32, 0], sizes = [32, 2048], strides = [1, 1]} : vector<64x2048xf32> to vector<32x2048xf32>
    %add3A_39 = arith.addf %slice3A, %slice3A_38 : vector<32x2048xf32>
    %slice3A_40 = vector.extract_strided_slice %add3A_39 {offsets = [0, 0], sizes = [16, 2048], strides = [1, 1]} : vector<32x2048xf32> to vector<16x2048xf32>
    %slice3A_41 = vector.extract_strided_slice %add3A_39 {offsets = [16, 0], sizes = [16, 2048], strides = [1, 1]} : vector<32x2048xf32> to vector<16x2048xf32>
    %add3A_42 = arith.addf %slice3A_40, %slice3A_41 : vector<16x2048xf32>
    %slice3A_43 = vector.extract_strided_slice %add3A_42 {offsets = [0, 0], sizes = [8, 2048], strides = [1, 1]} : vector<16x2048xf32> to vector<8x2048xf32>
    %slice3A_44 = vector.extract_strided_slice %add3A_42 {offsets = [8, 0], sizes = [8, 2048], strides = [1, 1]} : vector<16x2048xf32> to vector<8x2048xf32>
    %add3A_45 = arith.addf %slice3A_43, %slice3A_44 : vector<8x2048xf32>
    %slice3A_46 = vector.extract_strided_slice %add3A_45 {offsets = [0, 0], sizes = [4, 2048], strides = [1, 1]} : vector<8x2048xf32> to vector<4x2048xf32>
    %slice3A_47 = vector.extract_strided_slice %add3A_45 {offsets = [4, 0], sizes = [4, 2048], strides = [1, 1]} : vector<8x2048xf32> to vector<4x2048xf32>
    %add3A_48 = arith.addf %slice3A_46, %slice3A_47 : vector<4x2048xf32>
    %slice3A_49 = vector.extract_strided_slice %add3A_48 {offsets = [0, 0], sizes = [2, 2048], strides = [1, 1]} : vector<4x2048xf32> to vector<2x2048xf32>
    %slice3A_50 = vector.extract_strided_slice %add3A_48 {offsets = [2, 0], sizes = [2, 2048], strides = [1, 1]} : vector<4x2048xf32> to vector<2x2048xf32>
    %add3A_51 = arith.addf %slice3A_49, %slice3A_50 : vector<2x2048xf32>
    %slice3A_52 = vector.extract_strided_slice %add3A_51 {offsets = [0, 0], sizes = [1, 2048], strides = [1, 1]} : vector<2x2048xf32> to vector<1x2048xf32>
    %slice3A_53 = vector.extract_strided_slice %add3A_51 {offsets = [1, 0], sizes = [1, 2048], strides = [1, 1]} : vector<2x2048xf32> to vector<1x2048xf32>
    %add3A_54 = arith.addf %slice3A_52, %slice3A_53 : vector<1x2048xf32>
    %mul3A_55 = arith.mulf %get3A_3, %get3A_3 : vector<256x64xf32>
    %slice3A_56 = vector.extract_strided_slice %mul3A_55 {offsets = [0, 0], sizes = [256, 32], strides = [1, 1]} : vector<256x64xf32> to vector<256x32xf32>
    %slice3A_57 = vector.extract_strided_slice %mul3A_55 {offsets = [0, 32], sizes = [256, 32], strides = [1, 1]} : vector<256x64xf32> to vector<256x32xf32>
    %add3A_58 = arith.addf %slice3A_56, %slice3A_57 : vector<256x32xf32>
    %slice3A_59 = vector.extract_strided_slice %add3A_58 {offsets = [0, 0], sizes = [256, 16], strides = [1, 1]} : vector<256x32xf32> to vector<256x16xf32>
    %slice3A_60 = vector.extract_strided_slice %add3A_58 {offsets = [0, 16], sizes = [256, 16], strides = [1, 1]} : vector<256x32xf32> to vector<256x16xf32>
    %add3A_61 = arith.addf %slice3A_59, %slice3A_60 : vector<256x16xf32>
    %slice3A_62 = vector.extract_strided_slice %add3A_61 {offsets = [0, 0], sizes = [256, 8], strides = [1, 1]} : vector<256x16xf32> to vector<256x8xf32>
    %slice3A_63 = vector.extract_strided_slice %add3A_61 {offsets = [0, 8], sizes = [256, 8], strides = [1, 1]} : vector<256x16xf32> to vector<256x8xf32>
    %add3A_64 = arith.addf %slice3A_62, %slice3A_63 : vector<256x8xf32>
    %slice3A_65 = vector.extract_strided_slice %add3A_64 {offsets = [0, 0], sizes = [256, 4], strides = [1, 1]} : vector<256x8xf32> to vector<256x4xf32>
    %slice3A_66 = vector.extract_strided_slice %add3A_64 {offsets = [0, 4], sizes = [256, 4], strides = [1, 1]} : vector<256x8xf32> to vector<256x4xf32>
    %add3A_67 = arith.addf %slice3A_65, %slice3A_66 : vector<256x4xf32>
    %slice3A_68 = vector.extract_strided_slice %add3A_67 {offsets = [0, 0], sizes = [256, 2], strides = [1, 1]} : vector<256x4xf32> to vector<256x2xf32>
    %slice3A_69 = vector.extract_strided_slice %add3A_67 {offsets = [0, 2], sizes = [256, 2], strides = [1, 1]} : vector<256x4xf32> to vector<256x2xf32>
    %add3A_70 = arith.addf %slice3A_68, %slice3A_69 : vector<256x2xf32>
    %slice3A_71 = vector.extract_strided_slice %add3A_70 {offsets = [0, 0], sizes = [256, 1], strides = [1, 1]} : vector<256x2xf32> to vector<256x1xf32>
    %slice3A_72 = vector.extract_strided_slice %add3A_70 {offsets = [0, 1], sizes = [256, 1], strides = [1, 1]} : vector<256x2xf32> to vector<256x1xf32>
    %add3A_73 = arith.addf %slice3A_71, %slice3A_72 : vector<256x1xf32>
    %neg3A = arith.constant 0.000000e+00 : f32
    %neg3A_74 = vector.broadcast %neg3A : f32 to vector<1x2048xf32>
    %neg3A_75 = arith.subf %neg3A_74, %add3A_54 : vector<1x2048xf32>
    %sub3A = vector.broadcast %neg3A_75 : vector<1x2048xf32> to vector<256x2048xf32>
    %sub3A_76 = arith.subf %sub3A, %mul3A_36 : vector<256x2048xf32>
    %sub3A_77 = vector.broadcast %add3A_73 : vector<256x1xf32> to vector<256x2048xf32>
    %sub3A_78 = arith.subf %sub3A_76, %sub3A_77 : vector<256x2048xf32>
    %iota3A = tpu.iota {dimensions = array<i32: 1>} : vector<256x128xi32>
    %convert_element_type3A = arith.sitofp %iota3A : vector<256x128xi32> to vector<256x128xf32>
    %slice3A_79 = vector.extract_strided_slice %sub3A_78 {offsets = [0, 0], sizes = [256, 128], strides = [1, 1]} : vector<256x2048xf32> to vector<256x128xf32>
    %slice3A_80 = vector.extract_strided_slice %sub3A_78 {offsets = [0, 128], sizes = [256, 128], strides = [1, 1]} : vector<256x2048xf32> to vector<256x128xf32>
    %slice3A_81 = vector.extract_strided_slice %sub3A_78 {offsets = [0, 256], sizes = [256, 128], strides = [1, 1]} : vector<256x2048xf32> to vector<256x128xf32>
    %slice3A_82 = vector.extract_strided_slice %sub3A_78 {offsets = [0, 384], sizes = [256, 128], strides = [1, 1]} : vector<256x2048xf32> to vector<256x128xf32>
    %slice3A_83 = vector.extract_strided_slice %sub3A_78 {offsets = [0, 512], sizes = [256, 128], strides = [1, 1]} : vector<256x2048xf32> to vector<256x128xf32>
    %slice3A_84 = vector.extract_strided_slice %sub3A_78 {offsets = [0, 640], sizes = [256, 128], strides = [1, 1]} : vector<256x2048xf32> to vector<256x128xf32>
    %slice3A_85 = vector.extract_strided_slice %sub3A_78 {offsets = [0, 768], sizes = [256, 128], strides = [1, 1]} : vector<256x2048xf32> to vector<256x128xf32>
    %slice3A_86 = vector.extract_strided_slice %sub3A_78 {offsets = [0, 896], sizes = [256, 128], strides = [1, 1]} : vector<256x2048xf32> to vector<256x128xf32>
    %slice3A_87 = vector.extract_strided_slice %sub3A_78 {offsets = [0, 1024], sizes = [256, 128], strides = [1, 1]} : vector<256x2048xf32> to vector<256x128xf32>
    %slice3A_88 = vector.extract_strided_slice %sub3A_78 {offsets = [0, 1152], sizes = [256, 128], strides = [1, 1]} : vector<256x2048xf32> to vector<256x128xf32>
    %slice3A_89 = vector.extract_strided_slice %sub3A_78 {offsets = [0, 1280], sizes = [256, 128], strides = [1, 1]} : vector<256x2048xf32> to vector<256x128xf32>
    %slice3A_90 = vector.extract_strided_slice %sub3A_78 {offsets = [0, 1408], sizes = [256, 128], strides = [1, 1]} : vector<256x2048xf32> to vector<256x128xf32>
    %slice3A_91 = vector.extract_strided_slice %sub3A_78 {offsets = [0, 1536], sizes = [256, 128], strides = [1, 1]} : vector<256x2048xf32> to vector<256x128xf32>
    %slice3A_92 = vector.extract_strided_slice %sub3A_78 {offsets = [0, 1664], sizes = [256, 128], strides = [1, 1]} : vector<256x2048xf32> to vector<256x128xf32>
    %slice3A_93 = vector.extract_strided_slice %sub3A_78 {offsets = [0, 1792], sizes = [256, 128], strides = [1, 1]} : vector<256x2048xf32> to vector<256x128xf32>
    %slice3A_94 = vector.extract_strided_slice %sub3A_78 {offsets = [0, 1920], sizes = [256, 128], strides = [1, 1]} : vector<256x2048xf32> to vector<256x128xf32>
    %max3A = arith.maximumf %slice3A_79, %slice3A_80 : vector<256x128xf32>
    %max3A_95 = arith.maximumf %max3A, %slice3A_81 : vector<256x128xf32>
    %max3A_96 = arith.maximumf %max3A_95, %slice3A_82 : vector<256x128xf32>
    %max3A_97 = arith.maximumf %max3A_96, %slice3A_83 : vector<256x128xf32>
    %max3A_98 = arith.maximumf %max3A_97, %slice3A_84 : vector<256x128xf32>
    %max3A_99 = arith.maximumf %max3A_98, %slice3A_85 : vector<256x128xf32>
    %max3A_100 = arith.maximumf %max3A_99, %slice3A_86 : vector<256x128xf32>
    %max3A_101 = arith.maximumf %max3A_100, %slice3A_87 : vector<256x128xf32>
    %max3A_102 = arith.maximumf %max3A_101, %slice3A_88 : vector<256x128xf32>
    %max3A_103 = arith.maximumf %max3A_102, %slice3A_89 : vector<256x128xf32>
    %max3A_104 = arith.maximumf %max3A_103, %slice3A_90 : vector<256x128xf32>
    %max3A_105 = arith.maximumf %max3A_104, %slice3A_91 : vector<256x128xf32>
    %max3A_106 = arith.maximumf %max3A_105, %slice3A_92 : vector<256x128xf32>
    %max3A_107 = arith.maximumf %max3A_106, %slice3A_93 : vector<256x128xf32>
    %max3A_108 = arith.maximumf %max3A_107, %slice3A_94 : vector<256x128xf32>
    %eq3A = arith.cmpf oeq, %slice3A_79, %max3A_108 : vector<256x128xf32>
    %jit3A = arith.constant 0.000000e+00 : f32
    %jit3A_109 = arith.constant 1.600000e+01 : f32
    %broadcast_in_dim3A = vector.broadcast %jit3A : f32 to vector<256x128xf32>
    %broadcast_in_dim3A_110 = vector.broadcast %jit3A_109 : f32 to vector<256x128xf32>
    %select_n3A = arith.select %eq3A, %broadcast_in_dim3A, %broadcast_in_dim3A_110 : vector<256x128xi1>, vector<256x128xf32>
    %eq3A_111 = arith.cmpf oeq, %slice3A_80, %max3A_108 : vector<256x128xf32>
    %jit3A_112 = arith.constant 1.000000e+00 : f32
    %jit3A_113 = arith.constant 1.600000e+01 : f32
    %broadcast_in_dim3A_114 = vector.broadcast %jit3A_112 : f32 to vector<256x128xf32>
    %broadcast_in_dim3A_115 = vector.broadcast %jit3A_113 : f32 to vector<256x128xf32>
    %select_n3A_116 = arith.select %eq3A_111, %broadcast_in_dim3A_114, %broadcast_in_dim3A_115 : vector<256x128xi1>, vector<256x128xf32>
    %eq3A_117 = arith.cmpf oeq, %slice3A_81, %max3A_108 : vector<256x128xf32>
    %jit3A_118 = arith.constant 2.000000e+00 : f32
    %jit3A_119 = arith.constant 1.600000e+01 : f32
    %broadcast_in_dim3A_120 = vector.broadcast %jit3A_118 : f32 to vector<256x128xf32>
    %broadcast_in_dim3A_121 = vector.broadcast %jit3A_119 : f32 to vector<256x128xf32>
    %select_n3A_122 = arith.select %eq3A_117, %broadcast_in_dim3A_120, %broadcast_in_dim3A_121 : vector<256x128xi1>, vector<256x128xf32>
    %eq3A_123 = arith.cmpf oeq, %slice3A_82, %max3A_108 : vector<256x128xf32>
    %jit3A_124 = arith.constant 3.000000e+00 : f32
    %jit3A_125 = arith.constant 1.600000e+01 : f32
    %broadcast_in_dim3A_126 = vector.broadcast %jit3A_124 : f32 to vector<256x128xf32>
    %broadcast_in_dim3A_127 = vector.broadcast %jit3A_125 : f32 to vector<256x128xf32>
    %select_n3A_128 = arith.select %eq3A_123, %broadcast_in_dim3A_126, %broadcast_in_dim3A_127 : vector<256x128xi1>, vector<256x128xf32>
    %eq3A_129 = arith.cmpf oeq, %slice3A_83, %max3A_108 : vector<256x128xf32>
    %jit3A_130 = arith.constant 4.000000e+00 : f32
    %jit3A_131 = arith.constant 1.600000e+01 : f32
    %broadcast_in_dim3A_132 = vector.broadcast %jit3A_130 : f32 to vector<256x128xf32>
    %broadcast_in_dim3A_133 = vector.broadcast %jit3A_131 : f32 to vector<256x128xf32>
    %select_n3A_134 = arith.select %eq3A_129, %broadcast_in_dim3A_132, %broadcast_in_dim3A_133 : vector<256x128xi1>, vector<256x128xf32>
    %eq3A_135 = arith.cmpf oeq, %slice3A_84, %max3A_108 : vector<256x128xf32>
    %jit3A_136 = arith.constant 5.000000e+00 : f32
    %jit3A_137 = arith.constant 1.600000e+01 : f32
    %broadcast_in_dim3A_138 = vector.broadcast %jit3A_136 : f32 to vector<256x128xf32>
    %broadcast_in_dim3A_139 = vector.broadcast %jit3A_137 : f32 to vector<256x128xf32>
    %select_n3A_140 = arith.select %eq3A_135, %broadcast_in_dim3A_138, %broadcast_in_dim3A_139 : vector<256x128xi1>, vector<256x128xf32>
    %eq3A_141 = arith.cmpf oeq, %slice3A_85, %max3A_108 : vector<256x128xf32>
    %jit3A_142 = arith.constant 6.000000e+00 : f32
    %jit3A_143 = arith.constant 1.600000e+01 : f32
    %broadcast_in_dim3A_144 = vector.broadcast %jit3A_142 : f32 to vector<256x128xf32>
    %broadcast_in_dim3A_145 = vector.broadcast %jit3A_143 : f32 to vector<256x128xf32>
    %select_n3A_146 = arith.select %eq3A_141, %broadcast_in_dim3A_144, %broadcast_in_dim3A_145 : vector<256x128xi1>, vector<256x128xf32>
    %eq3A_147 = arith.cmpf oeq, %slice3A_86, %max3A_108 : vector<256x128xf32>
    %jit3A_148 = arith.constant 7.000000e+00 : f32
    %jit3A_149 = arith.constant 1.600000e+01 : f32
    %broadcast_in_dim3A_150 = vector.broadcast %jit3A_148 : f32 to vector<256x128xf32>
    %broadcast_in_dim3A_151 = vector.broadcast %jit3A_149 : f32 to vector<256x128xf32>
    %select_n3A_152 = arith.select %eq3A_147, %broadcast_in_dim3A_150, %broadcast_in_dim3A_151 : vector<256x128xi1>, vector<256x128xf32>
    %eq3A_153 = arith.cmpf oeq, %slice3A_87, %max3A_108 : vector<256x128xf32>
    %jit3A_154 = arith.constant 8.000000e+00 : f32
    %jit3A_155 = arith.constant 1.600000e+01 : f32
    %broadcast_in_dim3A_156 = vector.broadcast %jit3A_154 : f32 to vector<256x128xf32>
    %broadcast_in_dim3A_157 = vector.broadcast %jit3A_155 : f32 to vector<256x128xf32>
    %select_n3A_158 = arith.select %eq3A_153, %broadcast_in_dim3A_156, %broadcast_in_dim3A_157 : vector<256x128xi1>, vector<256x128xf32>
    %eq3A_159 = arith.cmpf oeq, %slice3A_88, %max3A_108 : vector<256x128xf32>
    %jit3A_160 = arith.constant 9.000000e+00 : f32
    %jit3A_161 = arith.constant 1.600000e+01 : f32
    %broadcast_in_dim3A_162 = vector.broadcast %jit3A_160 : f32 to vector<256x128xf32>
    %broadcast_in_dim3A_163 = vector.broadcast %jit3A_161 : f32 to vector<256x128xf32>
    %select_n3A_164 = arith.select %eq3A_159, %broadcast_in_dim3A_162, %broadcast_in_dim3A_163 : vector<256x128xi1>, vector<256x128xf32>
    %eq3A_165 = arith.cmpf oeq, %slice3A_89, %max3A_108 : vector<256x128xf32>
    %jit3A_166 = arith.constant 1.000000e+01 : f32
    %jit3A_167 = arith.constant 1.600000e+01 : f32
    %broadcast_in_dim3A_168 = vector.broadcast %jit3A_166 : f32 to vector<256x128xf32>
    %broadcast_in_dim3A_169 = vector.broadcast %jit3A_167 : f32 to vector<256x128xf32>
    %select_n3A_170 = arith.select %eq3A_165, %broadcast_in_dim3A_168, %broadcast_in_dim3A_169 : vector<256x128xi1>, vector<256x128xf32>
    %eq3A_171 = arith.cmpf oeq, %slice3A_90, %max3A_108 : vector<256x128xf32>
    %jit3A_172 = arith.constant 1.100000e+01 : f32
    %jit3A_173 = arith.constant 1.600000e+01 : f32
    %broadcast_in_dim3A_174 = vector.broadcast %jit3A_172 : f32 to vector<256x128xf32>
    %broadcast_in_dim3A_175 = vector.broadcast %jit3A_173 : f32 to vector<256x128xf32>
    %select_n3A_176 = arith.select %eq3A_171, %broadcast_in_dim3A_174, %broadcast_in_dim3A_175 : vector<256x128xi1>, vector<256x128xf32>
    %eq3A_177 = arith.cmpf oeq, %slice3A_91, %max3A_108 : vector<256x128xf32>
    %jit3A_178 = arith.constant 1.200000e+01 : f32
    %jit3A_179 = arith.constant 1.600000e+01 : f32
    %broadcast_in_dim3A_180 = vector.broadcast %jit3A_178 : f32 to vector<256x128xf32>
    %broadcast_in_dim3A_181 = vector.broadcast %jit3A_179 : f32 to vector<256x128xf32>
    %select_n3A_182 = arith.select %eq3A_177, %broadcast_in_dim3A_180, %broadcast_in_dim3A_181 : vector<256x128xi1>, vector<256x128xf32>
    %eq3A_183 = arith.cmpf oeq, %slice3A_92, %max3A_108 : vector<256x128xf32>
    %jit3A_184 = arith.constant 1.300000e+01 : f32
    %jit3A_185 = arith.constant 1.600000e+01 : f32
    %broadcast_in_dim3A_186 = vector.broadcast %jit3A_184 : f32 to vector<256x128xf32>
    %broadcast_in_dim3A_187 = vector.broadcast %jit3A_185 : f32 to vector<256x128xf32>
    %select_n3A_188 = arith.select %eq3A_183, %broadcast_in_dim3A_186, %broadcast_in_dim3A_187 : vector<256x128xi1>, vector<256x128xf32>
    %eq3A_189 = arith.cmpf oeq, %slice3A_93, %max3A_108 : vector<256x128xf32>
    %jit3A_190 = arith.constant 1.400000e+01 : f32
    %jit3A_191 = arith.constant 1.600000e+01 : f32
    %broadcast_in_dim3A_192 = vector.broadcast %jit3A_190 : f32 to vector<256x128xf32>
    %broadcast_in_dim3A_193 = vector.broadcast %jit3A_191 : f32 to vector<256x128xf32>
    %select_n3A_194 = arith.select %eq3A_189, %broadcast_in_dim3A_192, %broadcast_in_dim3A_193 : vector<256x128xi1>, vector<256x128xf32>
    %eq3A_195 = arith.cmpf oeq, %slice3A_94, %max3A_108 : vector<256x128xf32>
    %jit3A_196 = arith.constant 1.500000e+01 : f32
    %jit3A_197 = arith.constant 1.600000e+01 : f32
    %broadcast_in_dim3A_198 = vector.broadcast %jit3A_196 : f32 to vector<256x128xf32>
    %broadcast_in_dim3A_199 = vector.broadcast %jit3A_197 : f32 to vector<256x128xf32>
    %select_n3A_200 = arith.select %eq3A_195, %broadcast_in_dim3A_198, %broadcast_in_dim3A_199 : vector<256x128xi1>, vector<256x128xf32>
    %min3A = arith.minimumf %select_n3A, %select_n3A_116 : vector<256x128xf32>
    %min3A_201 = arith.minimumf %min3A, %select_n3A_122 : vector<256x128xf32>
    %min3A_202 = arith.minimumf %min3A_201, %select_n3A_128 : vector<256x128xf32>
    %min3A_203 = arith.minimumf %min3A_202, %select_n3A_134 : vector<256x128xf32>
    %min3A_204 = arith.minimumf %min3A_203, %select_n3A_140 : vector<256x128xf32>
    %min3A_205 = arith.minimumf %min3A_204, %select_n3A_146 : vector<256x128xf32>
    %min3A_206 = arith.minimumf %min3A_205, %select_n3A_152 : vector<256x128xf32>
    %min3A_207 = arith.minimumf %min3A_206, %select_n3A_158 : vector<256x128xf32>
    %min3A_208 = arith.minimumf %min3A_207, %select_n3A_164 : vector<256x128xf32>
    %min3A_209 = arith.minimumf %min3A_208, %select_n3A_170 : vector<256x128xf32>
    %min3A_210 = arith.minimumf %min3A_209, %select_n3A_176 : vector<256x128xf32>
    %min3A_211 = arith.minimumf %min3A_210, %select_n3A_182 : vector<256x128xf32>
    %min3A_212 = arith.minimumf %min3A_211, %select_n3A_188 : vector<256x128xf32>
    %min3A_213 = arith.minimumf %min3A_212, %select_n3A_194 : vector<256x128xf32>
    %min3A_214 = arith.minimumf %min3A_213, %select_n3A_200 : vector<256x128xf32>
    %mul3A_215 = arith.constant 1.280000e+02 : f32
    %mul3A_216 = vector.broadcast %mul3A_215 : f32 to vector<256x128xf32>
    %mul3A_217 = arith.mulf %min3A_214, %mul3A_216 : vector<256x128xf32>
    %add3A_218 = arith.addf %mul3A_217, %convert_element_type3A : vector<256x128xf32>
    %eq3A_219 = arith.cmpf oeq, %select_n3A, %min3A_214 : vector<256x128xf32>
    %jit3A_220 = arith.constant 0xFF800000 : f32
    %broadcast_in_dim3A_221 = vector.broadcast %jit3A_220 : f32 to vector<256x128xf32>
    %select_n3A_222 = arith.select %eq3A_219, %broadcast_in_dim3A_221, %slice3A_79 : vector<256x128xi1>, vector<256x128xf32>
    %eq3A_223 = arith.cmpf oeq, %select_n3A_116, %min3A_214 : vector<256x128xf32>
    %jit3A_224 = arith.constant 0xFF800000 : f32
    %broadcast_in_dim3A_225 = vector.broadcast %jit3A_224 : f32 to vector<256x128xf32>
    %select_n3A_226 = arith.select %eq3A_223, %broadcast_in_dim3A_225, %slice3A_80 : vector<256x128xi1>, vector<256x128xf32>
    %eq3A_227 = arith.cmpf oeq, %select_n3A_122, %min3A_214 : vector<256x128xf32>
    %jit3A_228 = arith.constant 0xFF800000 : f32
    %broadcast_in_dim3A_229 = vector.broadcast %jit3A_228 : f32 to vector<256x128xf32>
    %select_n3A_230 = arith.select %eq3A_227, %broadcast_in_dim3A_229, %slice3A_81 : vector<256x128xi1>, vector<256x128xf32>
    %eq3A_231 = arith.cmpf oeq, %select_n3A_128, %min3A_214 : vector<256x128xf32>
    %jit3A_232 = arith.constant 0xFF800000 : f32
    %broadcast_in_dim3A_233 = vector.broadcast %jit3A_232 : f32 to vector<256x128xf32>
    %select_n3A_234 = arith.select %eq3A_231, %broadcast_in_dim3A_233, %slice3A_82 : vector<256x128xi1>, vector<256x128xf32>
    %eq3A_235 = arith.cmpf oeq, %select_n3A_134, %min3A_214 : vector<256x128xf32>
    %jit3A_236 = arith.constant 0xFF800000 : f32
    %broadcast_in_dim3A_237 = vector.broadcast %jit3A_236 : f32 to vector<256x128xf32>
    %select_n3A_238 = arith.select %eq3A_235, %broadcast_in_dim3A_237, %slice3A_83 : vector<256x128xi1>, vector<256x128xf32>
    %eq3A_239 = arith.cmpf oeq, %select_n3A_140, %min3A_214 : vector<256x128xf32>
    %jit3A_240 = arith.constant 0xFF800000 : f32
    %broadcast_in_dim3A_241 = vector.broadcast %jit3A_240 : f32 to vector<256x128xf32>
    %select_n3A_242 = arith.select %eq3A_239, %broadcast_in_dim3A_241, %slice3A_84 : vector<256x128xi1>, vector<256x128xf32>
    %eq3A_243 = arith.cmpf oeq, %select_n3A_146, %min3A_214 : vector<256x128xf32>
    %jit3A_244 = arith.constant 0xFF800000 : f32
    %broadcast_in_dim3A_245 = vector.broadcast %jit3A_244 : f32 to vector<256x128xf32>
    %select_n3A_246 = arith.select %eq3A_243, %broadcast_in_dim3A_245, %slice3A_85 : vector<256x128xi1>, vector<256x128xf32>
    %eq3A_247 = arith.cmpf oeq, %select_n3A_152, %min3A_214 : vector<256x128xf32>
    %jit3A_248 = arith.constant 0xFF800000 : f32
    %broadcast_in_dim3A_249 = vector.broadcast %jit3A_248 : f32 to vector<256x128xf32>
    %select_n3A_250 = arith.select %eq3A_247, %broadcast_in_dim3A_249, %slice3A_86 : vector<256x128xi1>, vector<256x128xf32>
    %eq3A_251 = arith.cmpf oeq, %select_n3A_158, %min3A_214 : vector<256x128xf32>
    %jit3A_252 = arith.constant 0xFF800000 : f32
    %broadcast_in_dim3A_253 = vector.broadcast %jit3A_252 : f32 to vector<256x128xf32>
    %select_n3A_254 = arith.select %eq3A_251, %broadcast_in_dim3A_253, %slice3A_87 : vector<256x128xi1>, vector<256x128xf32>
    %eq3A_255 = arith.cmpf oeq, %select_n3A_164, %min3A_214 : vector<256x128xf32>
    %jit3A_256 = arith.constant 0xFF800000 : f32
    %broadcast_in_dim3A_257 = vector.broadcast %jit3A_256 : f32 to vector<256x128xf32>
    %select_n3A_258 = arith.select %eq3A_255, %broadcast_in_dim3A_257, %slice3A_88 : vector<256x128xi1>, vector<256x128xf32>
    %eq3A_259 = arith.cmpf oeq, %select_n3A_170, %min3A_214 : vector<256x128xf32>
    %jit3A_260 = arith.constant 0xFF800000 : f32
    %broadcast_in_dim3A_261 = vector.broadcast %jit3A_260 : f32 to vector<256x128xf32>
    %select_n3A_262 = arith.select %eq3A_259, %broadcast_in_dim3A_261, %slice3A_89 : vector<256x128xi1>, vector<256x128xf32>
    %eq3A_263 = arith.cmpf oeq, %select_n3A_176, %min3A_214 : vector<256x128xf32>
    %jit3A_264 = arith.constant 0xFF800000 : f32
    %broadcast_in_dim3A_265 = vector.broadcast %jit3A_264 : f32 to vector<256x128xf32>
    %select_n3A_266 = arith.select %eq3A_263, %broadcast_in_dim3A_265, %slice3A_90 : vector<256x128xi1>, vector<256x128xf32>
    %eq3A_267 = arith.cmpf oeq, %select_n3A_182, %min3A_214 : vector<256x128xf32>
    %jit3A_268 = arith.constant 0xFF800000 : f32
    %broadcast_in_dim3A_269 = vector.broadcast %jit3A_268 : f32 to vector<256x128xf32>
    %select_n3A_270 = arith.select %eq3A_267, %broadcast_in_dim3A_269, %slice3A_91 : vector<256x128xi1>, vector<256x128xf32>
    %eq3A_271 = arith.cmpf oeq, %select_n3A_188, %min3A_214 : vector<256x128xf32>
    %jit3A_272 = arith.constant 0xFF800000 : f32
    %broadcast_in_dim3A_273 = vector.broadcast %jit3A_272 : f32 to vector<256x128xf32>
    %select_n3A_274 = arith.select %eq3A_271, %broadcast_in_dim3A_273, %slice3A_92 : vector<256x128xi1>, vector<256x128xf32>
    %eq3A_275 = arith.cmpf oeq, %select_n3A_194, %min3A_214 : vector<256x128xf32>
    %jit3A_276 = arith.constant 0xFF800000 : f32
    %broadcast_in_dim3A_277 = vector.broadcast %jit3A_276 : f32 to vector<256x128xf32>
    %select_n3A_278 = arith.select %eq3A_275, %broadcast_in_dim3A_277, %slice3A_93 : vector<256x128xi1>, vector<256x128xf32>
    %eq3A_279 = arith.cmpf oeq, %select_n3A_200, %min3A_214 : vector<256x128xf32>
    %jit3A_280 = arith.constant 0xFF800000 : f32
    %broadcast_in_dim3A_281 = vector.broadcast %jit3A_280 : f32 to vector<256x128xf32>
    %select_n3A_282 = arith.select %eq3A_279, %broadcast_in_dim3A_281, %slice3A_94 : vector<256x128xi1>, vector<256x128xf32>
    %max3A_283 = arith.maximumf %select_n3A_222, %select_n3A_226 : vector<256x128xf32>
    %max3A_284 = arith.maximumf %max3A_283, %select_n3A_230 : vector<256x128xf32>
    %max3A_285 = arith.maximumf %max3A_284, %select_n3A_234 : vector<256x128xf32>
    %max3A_286 = arith.maximumf %max3A_285, %select_n3A_238 : vector<256x128xf32>
    %max3A_287 = arith.maximumf %max3A_286, %select_n3A_242 : vector<256x128xf32>
    %max3A_288 = arith.maximumf %max3A_287, %select_n3A_246 : vector<256x128xf32>
    %max3A_289 = arith.maximumf %max3A_288, %select_n3A_250 : vector<256x128xf32>
    %max3A_290 = arith.maximumf %max3A_289, %select_n3A_254 : vector<256x128xf32>
    %max3A_291 = arith.maximumf %max3A_290, %select_n3A_258 : vector<256x128xf32>
    %max3A_292 = arith.maximumf %max3A_291, %select_n3A_262 : vector<256x128xf32>
    %max3A_293 = arith.maximumf %max3A_292, %select_n3A_266 : vector<256x128xf32>
    %max3A_294 = arith.maximumf %max3A_293, %select_n3A_270 : vector<256x128xf32>
    %max3A_295 = arith.maximumf %max3A_294, %select_n3A_274 : vector<256x128xf32>
    %max3A_296 = arith.maximumf %max3A_295, %select_n3A_278 : vector<256x128xf32>
    %max3A_297 = arith.maximumf %max3A_296, %select_n3A_282 : vector<256x128xf32>
    %eq3A_298 = arith.cmpf oeq, %select_n3A_222, %max3A_297 : vector<256x128xf32>
    %jit3A_299 = arith.constant 0.000000e+00 : f32
    %jit3A_300 = arith.constant 1.600000e+01 : f32
    %broadcast_in_dim3A_301 = vector.broadcast %jit3A_299 : f32 to vector<256x128xf32>
    %broadcast_in_dim3A_302 = vector.broadcast %jit3A_300 : f32 to vector<256x128xf32>
    %select_n3A_303 = arith.select %eq3A_298, %broadcast_in_dim3A_301, %broadcast_in_dim3A_302 : vector<256x128xi1>, vector<256x128xf32>
    %eq3A_304 = arith.cmpf oeq, %select_n3A_226, %max3A_297 : vector<256x128xf32>
    %jit3A_305 = arith.constant 1.000000e+00 : f32
    %jit3A_306 = arith.constant 1.600000e+01 : f32
    %broadcast_in_dim3A_307 = vector.broadcast %jit3A_305 : f32 to vector<256x128xf32>
    %broadcast_in_dim3A_308 = vector.broadcast %jit3A_306 : f32 to vector<256x128xf32>
    %select_n3A_309 = arith.select %eq3A_304, %broadcast_in_dim3A_307, %broadcast_in_dim3A_308 : vector<256x128xi1>, vector<256x128xf32>
    %eq3A_310 = arith.cmpf oeq, %select_n3A_230, %max3A_297 : vector<256x128xf32>
    %jit3A_311 = arith.constant 2.000000e+00 : f32
    %jit3A_312 = arith.constant 1.600000e+01 : f32
    %broadcast_in_dim3A_313 = vector.broadcast %jit3A_311 : f32 to vector<256x128xf32>
    %broadcast_in_dim3A_314 = vector.broadcast %jit3A_312 : f32 to vector<256x128xf32>
    %select_n3A_315 = arith.select %eq3A_310, %broadcast_in_dim3A_313, %broadcast_in_dim3A_314 : vector<256x128xi1>, vector<256x128xf32>
    %eq3A_316 = arith.cmpf oeq, %select_n3A_234, %max3A_297 : vector<256x128xf32>
    %jit3A_317 = arith.constant 3.000000e+00 : f32
    %jit3A_318 = arith.constant 1.600000e+01 : f32
    %broadcast_in_dim3A_319 = vector.broadcast %jit3A_317 : f32 to vector<256x128xf32>
    %broadcast_in_dim3A_320 = vector.broadcast %jit3A_318 : f32 to vector<256x128xf32>
    %select_n3A_321 = arith.select %eq3A_316, %broadcast_in_dim3A_319, %broadcast_in_dim3A_320 : vector<256x128xi1>, vector<256x128xf32>
    %eq3A_322 = arith.cmpf oeq, %select_n3A_238, %max3A_297 : vector<256x128xf32>
    %jit3A_323 = arith.constant 4.000000e+00 : f32
    %jit3A_324 = arith.constant 1.600000e+01 : f32
    %broadcast_in_dim3A_325 = vector.broadcast %jit3A_323 : f32 to vector<256x128xf32>
    %broadcast_in_dim3A_326 = vector.broadcast %jit3A_324 : f32 to vector<256x128xf32>
    %select_n3A_327 = arith.select %eq3A_322, %broadcast_in_dim3A_325, %broadcast_in_dim3A_326 : vector<256x128xi1>, vector<256x128xf32>
    %eq3A_328 = arith.cmpf oeq, %select_n3A_242, %max3A_297 : vector<256x128xf32>
    %jit3A_329 = arith.constant 5.000000e+00 : f32
    %jit3A_330 = arith.constant 1.600000e+01 : f32
    %broadcast_in_dim3A_331 = vector.broadcast %jit3A_329 : f32 to vector<256x128xf32>
    %broadcast_in_dim3A_332 = vector.broadcast %jit3A_330 : f32 to vector<256x128xf32>
    %select_n3A_333 = arith.select %eq3A_328, %broadcast_in_dim3A_331, %broadcast_in_dim3A_332 : vector<256x128xi1>, vector<256x128xf32>
    %eq3A_334 = arith.cmpf oeq, %select_n3A_246, %max3A_297 : vector<256x128xf32>
    %jit3A_335 = arith.constant 6.000000e+00 : f32
    %jit3A_336 = arith.constant 1.600000e+01 : f32
    %broadcast_in_dim3A_337 = vector.broadcast %jit3A_335 : f32 to vector<256x128xf32>
    %broadcast_in_dim3A_338 = vector.broadcast %jit3A_336 : f32 to vector<256x128xf32>
    %select_n3A_339 = arith.select %eq3A_334, %broadcast_in_dim3A_337, %broadcast_in_dim3A_338 : vector<256x128xi1>, vector<256x128xf32>
    %eq3A_340 = arith.cmpf oeq, %select_n3A_250, %max3A_297 : vector<256x128xf32>
    %jit3A_341 = arith.constant 7.000000e+00 : f32
    %jit3A_342 = arith.constant 1.600000e+01 : f32
    %broadcast_in_dim3A_343 = vector.broadcast %jit3A_341 : f32 to vector<256x128xf32>
    %broadcast_in_dim3A_344 = vector.broadcast %jit3A_342 : f32 to vector<256x128xf32>
    %select_n3A_345 = arith.select %eq3A_340, %broadcast_in_dim3A_343, %broadcast_in_dim3A_344 : vector<256x128xi1>, vector<256x128xf32>
    %eq3A_346 = arith.cmpf oeq, %select_n3A_254, %max3A_297 : vector<256x128xf32>
    %jit3A_347 = arith.constant 8.000000e+00 : f32
    %jit3A_348 = arith.constant 1.600000e+01 : f32
    %broadcast_in_dim3A_349 = vector.broadcast %jit3A_347 : f32 to vector<256x128xf32>
    %broadcast_in_dim3A_350 = vector.broadcast %jit3A_348 : f32 to vector<256x128xf32>
    %select_n3A_351 = arith.select %eq3A_346, %broadcast_in_dim3A_349, %broadcast_in_dim3A_350 : vector<256x128xi1>, vector<256x128xf32>
    %eq3A_352 = arith.cmpf oeq, %select_n3A_258, %max3A_297 : vector<256x128xf32>
    %jit3A_353 = arith.constant 9.000000e+00 : f32
    %jit3A_354 = arith.constant 1.600000e+01 : f32
    %broadcast_in_dim3A_355 = vector.broadcast %jit3A_353 : f32 to vector<256x128xf32>
    %broadcast_in_dim3A_356 = vector.broadcast %jit3A_354 : f32 to vector<256x128xf32>
    %select_n3A_357 = arith.select %eq3A_352, %broadcast_in_dim3A_355, %broadcast_in_dim3A_356 : vector<256x128xi1>, vector<256x128xf32>
    %eq3A_358 = arith.cmpf oeq, %select_n3A_262, %max3A_297 : vector<256x128xf32>
    %jit3A_359 = arith.constant 1.000000e+01 : f32
    %jit3A_360 = arith.constant 1.600000e+01 : f32
    %broadcast_in_dim3A_361 = vector.broadcast %jit3A_359 : f32 to vector<256x128xf32>
    %broadcast_in_dim3A_362 = vector.broadcast %jit3A_360 : f32 to vector<256x128xf32>
    %select_n3A_363 = arith.select %eq3A_358, %broadcast_in_dim3A_361, %broadcast_in_dim3A_362 : vector<256x128xi1>, vector<256x128xf32>
    %eq3A_364 = arith.cmpf oeq, %select_n3A_266, %max3A_297 : vector<256x128xf32>
    %jit3A_365 = arith.constant 1.100000e+01 : f32
    %jit3A_366 = arith.constant 1.600000e+01 : f32
    %broadcast_in_dim3A_367 = vector.broadcast %jit3A_365 : f32 to vector<256x128xf32>
    %broadcast_in_dim3A_368 = vector.broadcast %jit3A_366 : f32 to vector<256x128xf32>
    %select_n3A_369 = arith.select %eq3A_364, %broadcast_in_dim3A_367, %broadcast_in_dim3A_368 : vector<256x128xi1>, vector<256x128xf32>
    %eq3A_370 = arith.cmpf oeq, %select_n3A_270, %max3A_297 : vector<256x128xf32>
    %jit3A_371 = arith.constant 1.200000e+01 : f32
    %jit3A_372 = arith.constant 1.600000e+01 : f32
    %broadcast_in_dim3A_373 = vector.broadcast %jit3A_371 : f32 to vector<256x128xf32>
    %broadcast_in_dim3A_374 = vector.broadcast %jit3A_372 : f32 to vector<256x128xf32>
    %select_n3A_375 = arith.select %eq3A_370, %broadcast_in_dim3A_373, %broadcast_in_dim3A_374 : vector<256x128xi1>, vector<256x128xf32>
    %eq3A_376 = arith.cmpf oeq, %select_n3A_274, %max3A_297 : vector<256x128xf32>
    %jit3A_377 = arith.constant 1.300000e+01 : f32
    %jit3A_378 = arith.constant 1.600000e+01 : f32
    %broadcast_in_dim3A_379 = vector.broadcast %jit3A_377 : f32 to vector<256x128xf32>
    %broadcast_in_dim3A_380 = vector.broadcast %jit3A_378 : f32 to vector<256x128xf32>
    %select_n3A_381 = arith.select %eq3A_376, %broadcast_in_dim3A_379, %broadcast_in_dim3A_380 : vector<256x128xi1>, vector<256x128xf32>
    %eq3A_382 = arith.cmpf oeq, %select_n3A_278, %max3A_297 : vector<256x128xf32>
    %jit3A_383 = arith.constant 1.400000e+01 : f32
    %jit3A_384 = arith.constant 1.600000e+01 : f32
    %broadcast_in_dim3A_385 = vector.broadcast %jit3A_383 : f32 to vector<256x128xf32>
    %broadcast_in_dim3A_386 = vector.broadcast %jit3A_384 : f32 to vector<256x128xf32>
    %select_n3A_387 = arith.select %eq3A_382, %broadcast_in_dim3A_385, %broadcast_in_dim3A_386 : vector<256x128xi1>, vector<256x128xf32>
    %eq3A_388 = arith.cmpf oeq, %select_n3A_282, %max3A_297 : vector<256x128xf32>
    %jit3A_389 = arith.constant 1.500000e+01 : f32
    %jit3A_390 = arith.constant 1.600000e+01 : f32
    %broadcast_in_dim3A_391 = vector.broadcast %jit3A_389 : f32 to vector<256x128xf32>
    %broadcast_in_dim3A_392 = vector.broadcast %jit3A_390 : f32 to vector<256x128xf32>
    %select_n3A_393 = arith.select %eq3A_388, %broadcast_in_dim3A_391, %broadcast_in_dim3A_392 : vector<256x128xi1>, vector<256x128xf32>
    %min3A_394 = arith.minimumf %select_n3A_303, %select_n3A_309 : vector<256x128xf32>
    %min3A_395 = arith.minimumf %min3A_394, %select_n3A_315 : vector<256x128xf32>
    %min3A_396 = arith.minimumf %min3A_395, %select_n3A_321 : vector<256x128xf32>
    %min3A_397 = arith.minimumf %min3A_396, %select_n3A_327 : vector<256x128xf32>
    %min3A_398 = arith.minimumf %min3A_397, %select_n3A_333 : vector<256x128xf32>
    %min3A_399 = arith.minimumf %min3A_398, %select_n3A_339 : vector<256x128xf32>
    %min3A_400 = arith.minimumf %min3A_399, %select_n3A_345 : vector<256x128xf32>
    %min3A_401 = arith.minimumf %min3A_400, %select_n3A_351 : vector<256x128xf32>
    %min3A_402 = arith.minimumf %min3A_401, %select_n3A_357 : vector<256x128xf32>
    %min3A_403 = arith.minimumf %min3A_402, %select_n3A_363 : vector<256x128xf32>
    %min3A_404 = arith.minimumf %min3A_403, %select_n3A_369 : vector<256x128xf32>
    %min3A_405 = arith.minimumf %min3A_404, %select_n3A_375 : vector<256x128xf32>
    %min3A_406 = arith.minimumf %min3A_405, %select_n3A_381 : vector<256x128xf32>
    %min3A_407 = arith.minimumf %min3A_406, %select_n3A_387 : vector<256x128xf32>
    %min3A_408 = arith.minimumf %min3A_407, %select_n3A_393 : vector<256x128xf32>
    %mul3A_409 = arith.constant 1.280000e+02 : f32
    %mul3A_410 = vector.broadcast %mul3A_409 : f32 to vector<256x128xf32>
    %mul3A_411 = arith.mulf %min3A_408, %mul3A_410 : vector<256x128xf32>
    %add3A_412 = arith.addf %mul3A_411, %convert_element_type3A : vector<256x128xf32>
    %eq3A_413 = arith.cmpf oeq, %select_n3A_303, %min3A_408 : vector<256x128xf32>
    %jit3A_414 = arith.constant 0xFF800000 : f32
    %broadcast_in_dim3A_415 = vector.broadcast %jit3A_414 : f32 to vector<256x128xf32>
    %select_n3A_416 = arith.select %eq3A_413, %broadcast_in_dim3A_415, %select_n3A_222 : vector<256x128xi1>, vector<256x128xf32>
    %eq3A_417 = arith.cmpf oeq, %select_n3A_309, %min3A_408 : vector<256x128xf32>
    %jit3A_418 = arith.constant 0xFF800000 : f32
    %broadcast_in_dim3A_419 = vector.broadcast %jit3A_418 : f32 to vector<256x128xf32>
    %select_n3A_420 = arith.select %eq3A_417, %broadcast_in_dim3A_419, %select_n3A_226 : vector<256x128xi1>, vector<256x128xf32>
    %eq3A_421 = arith.cmpf oeq, %select_n3A_315, %min3A_408 : vector<256x128xf32>
    %jit3A_422 = arith.constant 0xFF800000 : f32
    %broadcast_in_dim3A_423 = vector.broadcast %jit3A_422 : f32 to vector<256x128xf32>
    %select_n3A_424 = arith.select %eq3A_421, %broadcast_in_dim3A_423, %select_n3A_230 : vector<256x128xi1>, vector<256x128xf32>
    %eq3A_425 = arith.cmpf oeq, %select_n3A_321, %min3A_408 : vector<256x128xf32>
    %jit3A_426 = arith.constant 0xFF800000 : f32
    %broadcast_in_dim3A_427 = vector.broadcast %jit3A_426 : f32 to vector<256x128xf32>
    %select_n3A_428 = arith.select %eq3A_425, %broadcast_in_dim3A_427, %select_n3A_234 : vector<256x128xi1>, vector<256x128xf32>
    %eq3A_429 = arith.cmpf oeq, %select_n3A_327, %min3A_408 : vector<256x128xf32>
    %jit3A_430 = arith.constant 0xFF800000 : f32
    %broadcast_in_dim3A_431 = vector.broadcast %jit3A_430 : f32 to vector<256x128xf32>
    %select_n3A_432 = arith.select %eq3A_429, %broadcast_in_dim3A_431, %select_n3A_238 : vector<256x128xi1>, vector<256x128xf32>
    %eq3A_433 = arith.cmpf oeq, %select_n3A_333, %min3A_408 : vector<256x128xf32>
    %jit3A_434 = arith.constant 0xFF800000 : f32
    %broadcast_in_dim3A_435 = vector.broadcast %jit3A_434 : f32 to vector<256x128xf32>
    %select_n3A_436 = arith.select %eq3A_433, %broadcast_in_dim3A_435, %select_n3A_242 : vector<256x128xi1>, vector<256x128xf32>
    %eq3A_437 = arith.cmpf oeq, %select_n3A_339, %min3A_408 : vector<256x128xf32>
    %jit3A_438 = arith.constant 0xFF800000 : f32
    %broadcast_in_dim3A_439 = vector.broadcast %jit3A_438 : f32 to vector<256x128xf32>
    %select_n3A_440 = arith.select %eq3A_437, %broadcast_in_dim3A_439, %select_n3A_246 : vector<256x128xi1>, vector<256x128xf32>
    %eq3A_441 = arith.cmpf oeq, %select_n3A_345, %min3A_408 : vector<256x128xf32>
    %jit3A_442 = arith.constant 0xFF800000 : f32
    %broadcast_in_dim3A_443 = vector.broadcast %jit3A_442 : f32 to vector<256x128xf32>
    %select_n3A_444 = arith.select %eq3A_441, %broadcast_in_dim3A_443, %select_n3A_250 : vector<256x128xi1>, vector<256x128xf32>
    %eq3A_445 = arith.cmpf oeq, %select_n3A_351, %min3A_408 : vector<256x128xf32>
    %jit3A_446 = arith.constant 0xFF800000 : f32
    %broadcast_in_dim3A_447 = vector.broadcast %jit3A_446 : f32 to vector<256x128xf32>
    %select_n3A_448 = arith.select %eq3A_445, %broadcast_in_dim3A_447, %select_n3A_254 : vector<256x128xi1>, vector<256x128xf32>
    %eq3A_449 = arith.cmpf oeq, %select_n3A_357, %min3A_408 : vector<256x128xf32>
    %jit3A_450 = arith.constant 0xFF800000 : f32
    %broadcast_in_dim3A_451 = vector.broadcast %jit3A_450 : f32 to vector<256x128xf32>
    %select_n3A_452 = arith.select %eq3A_449, %broadcast_in_dim3A_451, %select_n3A_258 : vector<256x128xi1>, vector<256x128xf32>
    %eq3A_453 = arith.cmpf oeq, %select_n3A_363, %min3A_408 : vector<256x128xf32>
    %jit3A_454 = arith.constant 0xFF800000 : f32
    %broadcast_in_dim3A_455 = vector.broadcast %jit3A_454 : f32 to vector<256x128xf32>
    %select_n3A_456 = arith.select %eq3A_453, %broadcast_in_dim3A_455, %select_n3A_262 : vector<256x128xi1>, vector<256x128xf32>
    %eq3A_457 = arith.cmpf oeq, %select_n3A_369, %min3A_408 : vector<256x128xf32>
    %jit3A_458 = arith.constant 0xFF800000 : f32
    %broadcast_in_dim3A_459 = vector.broadcast %jit3A_458 : f32 to vector<256x128xf32>
    %select_n3A_460 = arith.select %eq3A_457, %broadcast_in_dim3A_459, %select_n3A_266 : vector<256x128xi1>, vector<256x128xf32>
    %eq3A_461 = arith.cmpf oeq, %select_n3A_375, %min3A_408 : vector<256x128xf32>
    %jit3A_462 = arith.constant 0xFF800000 : f32
    %broadcast_in_dim3A_463 = vector.broadcast %jit3A_462 : f32 to vector<256x128xf32>
    %select_n3A_464 = arith.select %eq3A_461, %broadcast_in_dim3A_463, %select_n3A_270 : vector<256x128xi1>, vector<256x128xf32>
    %eq3A_465 = arith.cmpf oeq, %select_n3A_381, %min3A_408 : vector<256x128xf32>
    %jit3A_466 = arith.constant 0xFF800000 : f32
    %broadcast_in_dim3A_467 = vector.broadcast %jit3A_466 : f32 to vector<256x128xf32>
    %select_n3A_468 = arith.select %eq3A_465, %broadcast_in_dim3A_467, %select_n3A_274 : vector<256x128xi1>, vector<256x128xf32>
    %eq3A_469 = arith.cmpf oeq, %select_n3A_387, %min3A_408 : vector<256x128xf32>
    %jit3A_470 = arith.constant 0xFF800000 : f32
    %broadcast_in_dim3A_471 = vector.broadcast %jit3A_470 : f32 to vector<256x128xf32>
    %select_n3A_472 = arith.select %eq3A_469, %broadcast_in_dim3A_471, %select_n3A_278 : vector<256x128xi1>, vector<256x128xf32>
    %eq3A_473 = arith.cmpf oeq, %select_n3A_393, %min3A_408 : vector<256x128xf32>
    %jit3A_474 = arith.constant 0xFF800000 : f32
    %broadcast_in_dim3A_475 = vector.broadcast %jit3A_474 : f32 to vector<256x128xf32>
    %select_n3A_476 = arith.select %eq3A_473, %broadcast_in_dim3A_475, %select_n3A_282 : vector<256x128xi1>, vector<256x128xf32>
    %max3A_477 = arith.maximumf %select_n3A_416, %select_n3A_420 : vector<256x128xf32>
    %max3A_478 = arith.maximumf %max3A_477, %select_n3A_424 : vector<256x128xf32>
    %max3A_479 = arith.maximumf %max3A_478, %select_n3A_428 : vector<256x128xf32>
    %max3A_480 = arith.maximumf %max3A_479, %select_n3A_432 : vector<256x128xf32>
    %max3A_481 = arith.maximumf %max3A_480, %select_n3A_436 : vector<256x128xf32>
    %max3A_482 = arith.maximumf %max3A_481, %select_n3A_440 : vector<256x128xf32>
    %max3A_483 = arith.maximumf %max3A_482, %select_n3A_444 : vector<256x128xf32>
    %max3A_484 = arith.maximumf %max3A_483, %select_n3A_448 : vector<256x128xf32>
    %max3A_485 = arith.maximumf %max3A_484, %select_n3A_452 : vector<256x128xf32>
    %max3A_486 = arith.maximumf %max3A_485, %select_n3A_456 : vector<256x128xf32>
    %max3A_487 = arith.maximumf %max3A_486, %select_n3A_460 : vector<256x128xf32>
    %max3A_488 = arith.maximumf %max3A_487, %select_n3A_464 : vector<256x128xf32>
    %max3A_489 = arith.maximumf %max3A_488, %select_n3A_468 : vector<256x128xf32>
    %max3A_490 = arith.maximumf %max3A_489, %select_n3A_472 : vector<256x128xf32>
    %max3A_491 = arith.maximumf %max3A_490, %select_n3A_476 : vector<256x128xf32>
    %eq3A_492 = arith.cmpf oeq, %select_n3A_416, %max3A_491 : vector<256x128xf32>
    %jit3A_493 = arith.constant 0.000000e+00 : f32
    %jit3A_494 = arith.constant 1.600000e+01 : f32
    %broadcast_in_dim3A_495 = vector.broadcast %jit3A_493 : f32 to vector<256x128xf32>
    %broadcast_in_dim3A_496 = vector.broadcast %jit3A_494 : f32 to vector<256x128xf32>
    %select_n3A_497 = arith.select %eq3A_492, %broadcast_in_dim3A_495, %broadcast_in_dim3A_496 : vector<256x128xi1>, vector<256x128xf32>
    %eq3A_498 = arith.cmpf oeq, %select_n3A_420, %max3A_491 : vector<256x128xf32>
    %jit3A_499 = arith.constant 1.000000e+00 : f32
    %jit3A_500 = arith.constant 1.600000e+01 : f32
    %broadcast_in_dim3A_501 = vector.broadcast %jit3A_499 : f32 to vector<256x128xf32>
    %broadcast_in_dim3A_502 = vector.broadcast %jit3A_500 : f32 to vector<256x128xf32>
    %select_n3A_503 = arith.select %eq3A_498, %broadcast_in_dim3A_501, %broadcast_in_dim3A_502 : vector<256x128xi1>, vector<256x128xf32>
    %eq3A_504 = arith.cmpf oeq, %select_n3A_424, %max3A_491 : vector<256x128xf32>
    %jit3A_505 = arith.constant 2.000000e+00 : f32
    %jit3A_506 = arith.constant 1.600000e+01 : f32
    %broadcast_in_dim3A_507 = vector.broadcast %jit3A_505 : f32 to vector<256x128xf32>
    %broadcast_in_dim3A_508 = vector.broadcast %jit3A_506 : f32 to vector<256x128xf32>
    %select_n3A_509 = arith.select %eq3A_504, %broadcast_in_dim3A_507, %broadcast_in_dim3A_508 : vector<256x128xi1>, vector<256x128xf32>
    %eq3A_510 = arith.cmpf oeq, %select_n3A_428, %max3A_491 : vector<256x128xf32>
    %jit3A_511 = arith.constant 3.000000e+00 : f32
    %jit3A_512 = arith.constant 1.600000e+01 : f32
    %broadcast_in_dim3A_513 = vector.broadcast %jit3A_511 : f32 to vector<256x128xf32>
    %broadcast_in_dim3A_514 = vector.broadcast %jit3A_512 : f32 to vector<256x128xf32>
    %select_n3A_515 = arith.select %eq3A_510, %broadcast_in_dim3A_513, %broadcast_in_dim3A_514 : vector<256x128xi1>, vector<256x128xf32>
    %eq3A_516 = arith.cmpf oeq, %select_n3A_432, %max3A_491 : vector<256x128xf32>
    %jit3A_517 = arith.constant 4.000000e+00 : f32
    %jit3A_518 = arith.constant 1.600000e+01 : f32
    %broadcast_in_dim3A_519 = vector.broadcast %jit3A_517 : f32 to vector<256x128xf32>
    %broadcast_in_dim3A_520 = vector.broadcast %jit3A_518 : f32 to vector<256x128xf32>
    %select_n3A_521 = arith.select %eq3A_516, %broadcast_in_dim3A_519, %broadcast_in_dim3A_520 : vector<256x128xi1>, vector<256x128xf32>
    %eq3A_522 = arith.cmpf oeq, %select_n3A_436, %max3A_491 : vector<256x128xf32>
    %jit3A_523 = arith.constant 5.000000e+00 : f32
    %jit3A_524 = arith.constant 1.600000e+01 : f32
    %broadcast_in_dim3A_525 = vector.broadcast %jit3A_523 : f32 to vector<256x128xf32>
    %broadcast_in_dim3A_526 = vector.broadcast %jit3A_524 : f32 to vector<256x128xf32>
    %select_n3A_527 = arith.select %eq3A_522, %broadcast_in_dim3A_525, %broadcast_in_dim3A_526 : vector<256x128xi1>, vector<256x128xf32>
    %eq3A_528 = arith.cmpf oeq, %select_n3A_440, %max3A_491 : vector<256x128xf32>
    %jit3A_529 = arith.constant 6.000000e+00 : f32
    %jit3A_530 = arith.constant 1.600000e+01 : f32
    %broadcast_in_dim3A_531 = vector.broadcast %jit3A_529 : f32 to vector<256x128xf32>
    %broadcast_in_dim3A_532 = vector.broadcast %jit3A_530 : f32 to vector<256x128xf32>
    %select_n3A_533 = arith.select %eq3A_528, %broadcast_in_dim3A_531, %broadcast_in_dim3A_532 : vector<256x128xi1>, vector<256x128xf32>
    %eq3A_534 = arith.cmpf oeq, %select_n3A_444, %max3A_491 : vector<256x128xf32>
    %jit3A_535 = arith.constant 7.000000e+00 : f32
    %jit3A_536 = arith.constant 1.600000e+01 : f32
    %broadcast_in_dim3A_537 = vector.broadcast %jit3A_535 : f32 to vector<256x128xf32>
    %broadcast_in_dim3A_538 = vector.broadcast %jit3A_536 : f32 to vector<256x128xf32>
    %select_n3A_539 = arith.select %eq3A_534, %broadcast_in_dim3A_537, %broadcast_in_dim3A_538 : vector<256x128xi1>, vector<256x128xf32>
    %eq3A_540 = arith.cmpf oeq, %select_n3A_448, %max3A_491 : vector<256x128xf32>
    %jit3A_541 = arith.constant 8.000000e+00 : f32
    %jit3A_542 = arith.constant 1.600000e+01 : f32
    %broadcast_in_dim3A_543 = vector.broadcast %jit3A_541 : f32 to vector<256x128xf32>
    %broadcast_in_dim3A_544 = vector.broadcast %jit3A_542 : f32 to vector<256x128xf32>
    %select_n3A_545 = arith.select %eq3A_540, %broadcast_in_dim3A_543, %broadcast_in_dim3A_544 : vector<256x128xi1>, vector<256x128xf32>
    %eq3A_546 = arith.cmpf oeq, %select_n3A_452, %max3A_491 : vector<256x128xf32>
    %jit3A_547 = arith.constant 9.000000e+00 : f32
    %jit3A_548 = arith.constant 1.600000e+01 : f32
    %broadcast_in_dim3A_549 = vector.broadcast %jit3A_547 : f32 to vector<256x128xf32>
    %broadcast_in_dim3A_550 = vector.broadcast %jit3A_548 : f32 to vector<256x128xf32>
    %select_n3A_551 = arith.select %eq3A_546, %broadcast_in_dim3A_549, %broadcast_in_dim3A_550 : vector<256x128xi1>, vector<256x128xf32>
    %eq3A_552 = arith.cmpf oeq, %select_n3A_456, %max3A_491 : vector<256x128xf32>
    %jit3A_553 = arith.constant 1.000000e+01 : f32
    %jit3A_554 = arith.constant 1.600000e+01 : f32
    %broadcast_in_dim3A_555 = vector.broadcast %jit3A_553 : f32 to vector<256x128xf32>
    %broadcast_in_dim3A_556 = vector.broadcast %jit3A_554 : f32 to vector<256x128xf32>
    %select_n3A_557 = arith.select %eq3A_552, %broadcast_in_dim3A_555, %broadcast_in_dim3A_556 : vector<256x128xi1>, vector<256x128xf32>
    %eq3A_558 = arith.cmpf oeq, %select_n3A_460, %max3A_491 : vector<256x128xf32>
    %jit3A_559 = arith.constant 1.100000e+01 : f32
    %jit3A_560 = arith.constant 1.600000e+01 : f32
    %broadcast_in_dim3A_561 = vector.broadcast %jit3A_559 : f32 to vector<256x128xf32>
    %broadcast_in_dim3A_562 = vector.broadcast %jit3A_560 : f32 to vector<256x128xf32>
    %select_n3A_563 = arith.select %eq3A_558, %broadcast_in_dim3A_561, %broadcast_in_dim3A_562 : vector<256x128xi1>, vector<256x128xf32>
    %eq3A_564 = arith.cmpf oeq, %select_n3A_464, %max3A_491 : vector<256x128xf32>
    %jit3A_565 = arith.constant 1.200000e+01 : f32
    %jit3A_566 = arith.constant 1.600000e+01 : f32
    %broadcast_in_dim3A_567 = vector.broadcast %jit3A_565 : f32 to vector<256x128xf32>
    %broadcast_in_dim3A_568 = vector.broadcast %jit3A_566 : f32 to vector<256x128xf32>
    %select_n3A_569 = arith.select %eq3A_564, %broadcast_in_dim3A_567, %broadcast_in_dim3A_568 : vector<256x128xi1>, vector<256x128xf32>
    %eq3A_570 = arith.cmpf oeq, %select_n3A_468, %max3A_491 : vector<256x128xf32>
    %jit3A_571 = arith.constant 1.300000e+01 : f32
    %jit3A_572 = arith.constant 1.600000e+01 : f32
    %broadcast_in_dim3A_573 = vector.broadcast %jit3A_571 : f32 to vector<256x128xf32>
    %broadcast_in_dim3A_574 = vector.broadcast %jit3A_572 : f32 to vector<256x128xf32>
    %select_n3A_575 = arith.select %eq3A_570, %broadcast_in_dim3A_573, %broadcast_in_dim3A_574 : vector<256x128xi1>, vector<256x128xf32>
    %eq3A_576 = arith.cmpf oeq, %select_n3A_472, %max3A_491 : vector<256x128xf32>
    %jit3A_577 = arith.constant 1.400000e+01 : f32
    %jit3A_578 = arith.constant 1.600000e+01 : f32
    %broadcast_in_dim3A_579 = vector.broadcast %jit3A_577 : f32 to vector<256x128xf32>
    %broadcast_in_dim3A_580 = vector.broadcast %jit3A_578 : f32 to vector<256x128xf32>
    %select_n3A_581 = arith.select %eq3A_576, %broadcast_in_dim3A_579, %broadcast_in_dim3A_580 : vector<256x128xi1>, vector<256x128xf32>
    %eq3A_582 = arith.cmpf oeq, %select_n3A_476, %max3A_491 : vector<256x128xf32>
    %jit3A_583 = arith.constant 1.500000e+01 : f32
    %jit3A_584 = arith.constant 1.600000e+01 : f32
    %broadcast_in_dim3A_585 = vector.broadcast %jit3A_583 : f32 to vector<256x128xf32>
    %broadcast_in_dim3A_586 = vector.broadcast %jit3A_584 : f32 to vector<256x128xf32>
    %select_n3A_587 = arith.select %eq3A_582, %broadcast_in_dim3A_585, %broadcast_in_dim3A_586 : vector<256x128xi1>, vector<256x128xf32>
    %min3A_588 = arith.minimumf %select_n3A_497, %select_n3A_503 : vector<256x128xf32>
    %min3A_589 = arith.minimumf %min3A_588, %select_n3A_509 : vector<256x128xf32>
    %min3A_590 = arith.minimumf %min3A_589, %select_n3A_515 : vector<256x128xf32>
    %min3A_591 = arith.minimumf %min3A_590, %select_n3A_521 : vector<256x128xf32>
    %min3A_592 = arith.minimumf %min3A_591, %select_n3A_527 : vector<256x128xf32>
    %min3A_593 = arith.minimumf %min3A_592, %select_n3A_533 : vector<256x128xf32>
    %min3A_594 = arith.minimumf %min3A_593, %select_n3A_539 : vector<256x128xf32>
    %min3A_595 = arith.minimumf %min3A_594, %select_n3A_545 : vector<256x128xf32>
    %min3A_596 = arith.minimumf %min3A_595, %select_n3A_551 : vector<256x128xf32>
    %min3A_597 = arith.minimumf %min3A_596, %select_n3A_557 : vector<256x128xf32>
    %min3A_598 = arith.minimumf %min3A_597, %select_n3A_563 : vector<256x128xf32>
    %min3A_599 = arith.minimumf %min3A_598, %select_n3A_569 : vector<256x128xf32>
    %min3A_600 = arith.minimumf %min3A_599, %select_n3A_575 : vector<256x128xf32>
    %min3A_601 = arith.minimumf %min3A_600, %select_n3A_581 : vector<256x128xf32>
    %min3A_602 = arith.minimumf %min3A_601, %select_n3A_587 : vector<256x128xf32>
    %mul3A_603 = arith.constant 1.280000e+02 : f32
    %mul3A_604 = vector.broadcast %mul3A_603 : f32 to vector<256x128xf32>
    %mul3A_605 = arith.mulf %min3A_602, %mul3A_604 : vector<256x128xf32>
    %add3A_606 = arith.addf %mul3A_605, %convert_element_type3A : vector<256x128xf32>
    %eq3A_607 = arith.cmpf oeq, %select_n3A_497, %min3A_602 : vector<256x128xf32>
    %jit3A_608 = arith.constant 0xFF800000 : f32
    %broadcast_in_dim3A_609 = vector.broadcast %jit3A_608 : f32 to vector<256x128xf32>
    %select_n3A_610 = arith.select %eq3A_607, %broadcast_in_dim3A_609, %select_n3A_416 : vector<256x128xi1>, vector<256x128xf32>
    %eq3A_611 = arith.cmpf oeq, %select_n3A_503, %min3A_602 : vector<256x128xf32>
    %jit3A_612 = arith.constant 0xFF800000 : f32
    %broadcast_in_dim3A_613 = vector.broadcast %jit3A_612 : f32 to vector<256x128xf32>
    %select_n3A_614 = arith.select %eq3A_611, %broadcast_in_dim3A_613, %select_n3A_420 : vector<256x128xi1>, vector<256x128xf32>
    %eq3A_615 = arith.cmpf oeq, %select_n3A_509, %min3A_602 : vector<256x128xf32>
    %jit3A_616 = arith.constant 0xFF800000 : f32
    %broadcast_in_dim3A_617 = vector.broadcast %jit3A_616 : f32 to vector<256x128xf32>
    %select_n3A_618 = arith.select %eq3A_615, %broadcast_in_dim3A_617, %select_n3A_424 : vector<256x128xi1>, vector<256x128xf32>
    %eq3A_619 = arith.cmpf oeq, %select_n3A_515, %min3A_602 : vector<256x128xf32>
    %jit3A_620 = arith.constant 0xFF800000 : f32
    %broadcast_in_dim3A_621 = vector.broadcast %jit3A_620 : f32 to vector<256x128xf32>
    %select_n3A_622 = arith.select %eq3A_619, %broadcast_in_dim3A_621, %select_n3A_428 : vector<256x128xi1>, vector<256x128xf32>
    %eq3A_623 = arith.cmpf oeq, %select_n3A_521, %min3A_602 : vector<256x128xf32>
    %jit3A_624 = arith.constant 0xFF800000 : f32
    %broadcast_in_dim3A_625 = vector.broadcast %jit3A_624 : f32 to vector<256x128xf32>
    %select_n3A_626 = arith.select %eq3A_623, %broadcast_in_dim3A_625, %select_n3A_432 : vector<256x128xi1>, vector<256x128xf32>
    %eq3A_627 = arith.cmpf oeq, %select_n3A_527, %min3A_602 : vector<256x128xf32>
    %jit3A_628 = arith.constant 0xFF800000 : f32
    %broadcast_in_dim3A_629 = vector.broadcast %jit3A_628 : f32 to vector<256x128xf32>
    %select_n3A_630 = arith.select %eq3A_627, %broadcast_in_dim3A_629, %select_n3A_436 : vector<256x128xi1>, vector<256x128xf32>
    %eq3A_631 = arith.cmpf oeq, %select_n3A_533, %min3A_602 : vector<256x128xf32>
    %jit3A_632 = arith.constant 0xFF800000 : f32
    %broadcast_in_dim3A_633 = vector.broadcast %jit3A_632 : f32 to vector<256x128xf32>
    %select_n3A_634 = arith.select %eq3A_631, %broadcast_in_dim3A_633, %select_n3A_440 : vector<256x128xi1>, vector<256x128xf32>
    %eq3A_635 = arith.cmpf oeq, %select_n3A_539, %min3A_602 : vector<256x128xf32>
    %jit3A_636 = arith.constant 0xFF800000 : f32
    %broadcast_in_dim3A_637 = vector.broadcast %jit3A_636 : f32 to vector<256x128xf32>
    %select_n3A_638 = arith.select %eq3A_635, %broadcast_in_dim3A_637, %select_n3A_444 : vector<256x128xi1>, vector<256x128xf32>
    %eq3A_639 = arith.cmpf oeq, %select_n3A_545, %min3A_602 : vector<256x128xf32>
    %jit3A_640 = arith.constant 0xFF800000 : f32
    %broadcast_in_dim3A_641 = vector.broadcast %jit3A_640 : f32 to vector<256x128xf32>
    %select_n3A_642 = arith.select %eq3A_639, %broadcast_in_dim3A_641, %select_n3A_448 : vector<256x128xi1>, vector<256x128xf32>
    %eq3A_643 = arith.cmpf oeq, %select_n3A_551, %min3A_602 : vector<256x128xf32>
    %jit3A_644 = arith.constant 0xFF800000 : f32
    %broadcast_in_dim3A_645 = vector.broadcast %jit3A_644 : f32 to vector<256x128xf32>
    %select_n3A_646 = arith.select %eq3A_643, %broadcast_in_dim3A_645, %select_n3A_452 : vector<256x128xi1>, vector<256x128xf32>
    %eq3A_647 = arith.cmpf oeq, %select_n3A_557, %min3A_602 : vector<256x128xf32>
    %jit3A_648 = arith.constant 0xFF800000 : f32
    %broadcast_in_dim3A_649 = vector.broadcast %jit3A_648 : f32 to vector<256x128xf32>
    %select_n3A_650 = arith.select %eq3A_647, %broadcast_in_dim3A_649, %select_n3A_456 : vector<256x128xi1>, vector<256x128xf32>
    %eq3A_651 = arith.cmpf oeq, %select_n3A_563, %min3A_602 : vector<256x128xf32>
    %jit3A_652 = arith.constant 0xFF800000 : f32
    %broadcast_in_dim3A_653 = vector.broadcast %jit3A_652 : f32 to vector<256x128xf32>
    %select_n3A_654 = arith.select %eq3A_651, %broadcast_in_dim3A_653, %select_n3A_460 : vector<256x128xi1>, vector<256x128xf32>
    %eq3A_655 = arith.cmpf oeq, %select_n3A_569, %min3A_602 : vector<256x128xf32>
    %jit3A_656 = arith.constant 0xFF800000 : f32
    %broadcast_in_dim3A_657 = vector.broadcast %jit3A_656 : f32 to vector<256x128xf32>
    %select_n3A_658 = arith.select %eq3A_655, %broadcast_in_dim3A_657, %select_n3A_464 : vector<256x128xi1>, vector<256x128xf32>
    %eq3A_659 = arith.cmpf oeq, %select_n3A_575, %min3A_602 : vector<256x128xf32>
    %jit3A_660 = arith.constant 0xFF800000 : f32
    %broadcast_in_dim3A_661 = vector.broadcast %jit3A_660 : f32 to vector<256x128xf32>
    %select_n3A_662 = arith.select %eq3A_659, %broadcast_in_dim3A_661, %select_n3A_468 : vector<256x128xi1>, vector<256x128xf32>
    %eq3A_663 = arith.cmpf oeq, %select_n3A_581, %min3A_602 : vector<256x128xf32>
    %jit3A_664 = arith.constant 0xFF800000 : f32
    %broadcast_in_dim3A_665 = vector.broadcast %jit3A_664 : f32 to vector<256x128xf32>
    %select_n3A_666 = arith.select %eq3A_663, %broadcast_in_dim3A_665, %select_n3A_472 : vector<256x128xi1>, vector<256x128xf32>
    %eq3A_667 = arith.cmpf oeq, %select_n3A_587, %min3A_602 : vector<256x128xf32>
    %jit3A_668 = arith.constant 0xFF800000 : f32
    %broadcast_in_dim3A_669 = vector.broadcast %jit3A_668 : f32 to vector<256x128xf32>
    %select_n3A_670 = arith.select %eq3A_667, %broadcast_in_dim3A_669, %select_n3A_476 : vector<256x128xi1>, vector<256x128xf32>
    %max3A_671 = arith.maximumf %select_n3A_610, %select_n3A_614 : vector<256x128xf32>
    %max3A_672 = arith.maximumf %max3A_671, %select_n3A_618 : vector<256x128xf32>
    %max3A_673 = arith.maximumf %max3A_672, %select_n3A_622 : vector<256x128xf32>
    %max3A_674 = arith.maximumf %max3A_673, %select_n3A_626 : vector<256x128xf32>
    %max3A_675 = arith.maximumf %max3A_674, %select_n3A_630 : vector<256x128xf32>
    %max3A_676 = arith.maximumf %max3A_675, %select_n3A_634 : vector<256x128xf32>
    %max3A_677 = arith.maximumf %max3A_676, %select_n3A_638 : vector<256x128xf32>
    %max3A_678 = arith.maximumf %max3A_677, %select_n3A_642 : vector<256x128xf32>
    %max3A_679 = arith.maximumf %max3A_678, %select_n3A_646 : vector<256x128xf32>
    %max3A_680 = arith.maximumf %max3A_679, %select_n3A_650 : vector<256x128xf32>
    %max3A_681 = arith.maximumf %max3A_680, %select_n3A_654 : vector<256x128xf32>
    %max3A_682 = arith.maximumf %max3A_681, %select_n3A_658 : vector<256x128xf32>
    %max3A_683 = arith.maximumf %max3A_682, %select_n3A_662 : vector<256x128xf32>
    %max3A_684 = arith.maximumf %max3A_683, %select_n3A_666 : vector<256x128xf32>
    %max3A_685 = arith.maximumf %max3A_684, %select_n3A_670 : vector<256x128xf32>
    %eq3A_686 = arith.cmpf oeq, %select_n3A_610, %max3A_685 : vector<256x128xf32>
    %jit3A_687 = arith.constant 0.000000e+00 : f32
    %jit3A_688 = arith.constant 1.600000e+01 : f32
    %broadcast_in_dim3A_689 = vector.broadcast %jit3A_687 : f32 to vector<256x128xf32>
    %broadcast_in_dim3A_690 = vector.broadcast %jit3A_688 : f32 to vector<256x128xf32>
    %select_n3A_691 = arith.select %eq3A_686, %broadcast_in_dim3A_689, %broadcast_in_dim3A_690 : vector<256x128xi1>, vector<256x128xf32>
    %eq3A_692 = arith.cmpf oeq, %select_n3A_614, %max3A_685 : vector<256x128xf32>
    %jit3A_693 = arith.constant 1.000000e+00 : f32
    %jit3A_694 = arith.constant 1.600000e+01 : f32
    %broadcast_in_dim3A_695 = vector.broadcast %jit3A_693 : f32 to vector<256x128xf32>
    %broadcast_in_dim3A_696 = vector.broadcast %jit3A_694 : f32 to vector<256x128xf32>
    %select_n3A_697 = arith.select %eq3A_692, %broadcast_in_dim3A_695, %broadcast_in_dim3A_696 : vector<256x128xi1>, vector<256x128xf32>
    %eq3A_698 = arith.cmpf oeq, %select_n3A_618, %max3A_685 : vector<256x128xf32>
    %jit3A_699 = arith.constant 2.000000e+00 : f32
    %jit3A_700 = arith.constant 1.600000e+01 : f32
    %broadcast_in_dim3A_701 = vector.broadcast %jit3A_699 : f32 to vector<256x128xf32>
    %broadcast_in_dim3A_702 = vector.broadcast %jit3A_700 : f32 to vector<256x128xf32>
    %select_n3A_703 = arith.select %eq3A_698, %broadcast_in_dim3A_701, %broadcast_in_dim3A_702 : vector<256x128xi1>, vector<256x128xf32>
    %eq3A_704 = arith.cmpf oeq, %select_n3A_622, %max3A_685 : vector<256x128xf32>
    %jit3A_705 = arith.constant 3.000000e+00 : f32
    %jit3A_706 = arith.constant 1.600000e+01 : f32
    %broadcast_in_dim3A_707 = vector.broadcast %jit3A_705 : f32 to vector<256x128xf32>
    %broadcast_in_dim3A_708 = vector.broadcast %jit3A_706 : f32 to vector<256x128xf32>
    %select_n3A_709 = arith.select %eq3A_704, %broadcast_in_dim3A_707, %broadcast_in_dim3A_708 : vector<256x128xi1>, vector<256x128xf32>
    %eq3A_710 = arith.cmpf oeq, %select_n3A_626, %max3A_685 : vector<256x128xf32>
    %jit3A_711 = arith.constant 4.000000e+00 : f32
    %jit3A_712 = arith.constant 1.600000e+01 : f32
    %broadcast_in_dim3A_713 = vector.broadcast %jit3A_711 : f32 to vector<256x128xf32>
    %broadcast_in_dim3A_714 = vector.broadcast %jit3A_712 : f32 to vector<256x128xf32>
    %select_n3A_715 = arith.select %eq3A_710, %broadcast_in_dim3A_713, %broadcast_in_dim3A_714 : vector<256x128xi1>, vector<256x128xf32>
    %eq3A_716 = arith.cmpf oeq, %select_n3A_630, %max3A_685 : vector<256x128xf32>
    %jit3A_717 = arith.constant 5.000000e+00 : f32
    %jit3A_718 = arith.constant 1.600000e+01 : f32
    %broadcast_in_dim3A_719 = vector.broadcast %jit3A_717 : f32 to vector<256x128xf32>
    %broadcast_in_dim3A_720 = vector.broadcast %jit3A_718 : f32 to vector<256x128xf32>
    %select_n3A_721 = arith.select %eq3A_716, %broadcast_in_dim3A_719, %broadcast_in_dim3A_720 : vector<256x128xi1>, vector<256x128xf32>
    %eq3A_722 = arith.cmpf oeq, %select_n3A_634, %max3A_685 : vector<256x128xf32>
    %jit3A_723 = arith.constant 6.000000e+00 : f32
    %jit3A_724 = arith.constant 1.600000e+01 : f32
    %broadcast_in_dim3A_725 = vector.broadcast %jit3A_723 : f32 to vector<256x128xf32>
    %broadcast_in_dim3A_726 = vector.broadcast %jit3A_724 : f32 to vector<256x128xf32>
    %select_n3A_727 = arith.select %eq3A_722, %broadcast_in_dim3A_725, %broadcast_in_dim3A_726 : vector<256x128xi1>, vector<256x128xf32>
    %eq3A_728 = arith.cmpf oeq, %select_n3A_638, %max3A_685 : vector<256x128xf32>
    %jit3A_729 = arith.constant 7.000000e+00 : f32
    %jit3A_730 = arith.constant 1.600000e+01 : f32
    %broadcast_in_dim3A_731 = vector.broadcast %jit3A_729 : f32 to vector<256x128xf32>
    %broadcast_in_dim3A_732 = vector.broadcast %jit3A_730 : f32 to vector<256x128xf32>
    %select_n3A_733 = arith.select %eq3A_728, %broadcast_in_dim3A_731, %broadcast_in_dim3A_732 : vector<256x128xi1>, vector<256x128xf32>
    %eq3A_734 = arith.cmpf oeq, %select_n3A_642, %max3A_685 : vector<256x128xf32>
    %jit3A_735 = arith.constant 8.000000e+00 : f32
    %jit3A_736 = arith.constant 1.600000e+01 : f32
    %broadcast_in_dim3A_737 = vector.broadcast %jit3A_735 : f32 to vector<256x128xf32>
    %broadcast_in_dim3A_738 = vector.broadcast %jit3A_736 : f32 to vector<256x128xf32>
    %select_n3A_739 = arith.select %eq3A_734, %broadcast_in_dim3A_737, %broadcast_in_dim3A_738 : vector<256x128xi1>, vector<256x128xf32>
    %eq3A_740 = arith.cmpf oeq, %select_n3A_646, %max3A_685 : vector<256x128xf32>
    %jit3A_741 = arith.constant 9.000000e+00 : f32
    %jit3A_742 = arith.constant 1.600000e+01 : f32
    %broadcast_in_dim3A_743 = vector.broadcast %jit3A_741 : f32 to vector<256x128xf32>
    %broadcast_in_dim3A_744 = vector.broadcast %jit3A_742 : f32 to vector<256x128xf32>
    %select_n3A_745 = arith.select %eq3A_740, %broadcast_in_dim3A_743, %broadcast_in_dim3A_744 : vector<256x128xi1>, vector<256x128xf32>
    %eq3A_746 = arith.cmpf oeq, %select_n3A_650, %max3A_685 : vector<256x128xf32>
    %jit3A_747 = arith.constant 1.000000e+01 : f32
    %jit3A_748 = arith.constant 1.600000e+01 : f32
    %broadcast_in_dim3A_749 = vector.broadcast %jit3A_747 : f32 to vector<256x128xf32>
    %broadcast_in_dim3A_750 = vector.broadcast %jit3A_748 : f32 to vector<256x128xf32>
    %select_n3A_751 = arith.select %eq3A_746, %broadcast_in_dim3A_749, %broadcast_in_dim3A_750 : vector<256x128xi1>, vector<256x128xf32>
    %eq3A_752 = arith.cmpf oeq, %select_n3A_654, %max3A_685 : vector<256x128xf32>
    %jit3A_753 = arith.constant 1.100000e+01 : f32
    %jit3A_754 = arith.constant 1.600000e+01 : f32
    %broadcast_in_dim3A_755 = vector.broadcast %jit3A_753 : f32 to vector<256x128xf32>
    %broadcast_in_dim3A_756 = vector.broadcast %jit3A_754 : f32 to vector<256x128xf32>
    %select_n3A_757 = arith.select %eq3A_752, %broadcast_in_dim3A_755, %broadcast_in_dim3A_756 : vector<256x128xi1>, vector<256x128xf32>
    %eq3A_758 = arith.cmpf oeq, %select_n3A_658, %max3A_685 : vector<256x128xf32>
    %jit3A_759 = arith.constant 1.200000e+01 : f32
    %jit3A_760 = arith.constant 1.600000e+01 : f32
    %broadcast_in_dim3A_761 = vector.broadcast %jit3A_759 : f32 to vector<256x128xf32>
    %broadcast_in_dim3A_762 = vector.broadcast %jit3A_760 : f32 to vector<256x128xf32>
    %select_n3A_763 = arith.select %eq3A_758, %broadcast_in_dim3A_761, %broadcast_in_dim3A_762 : vector<256x128xi1>, vector<256x128xf32>
    %eq3A_764 = arith.cmpf oeq, %select_n3A_662, %max3A_685 : vector<256x128xf32>
    %jit3A_765 = arith.constant 1.300000e+01 : f32
    %jit3A_766 = arith.constant 1.600000e+01 : f32
    %broadcast_in_dim3A_767 = vector.broadcast %jit3A_765 : f32 to vector<256x128xf32>
    %broadcast_in_dim3A_768 = vector.broadcast %jit3A_766 : f32 to vector<256x128xf32>
    %select_n3A_769 = arith.select %eq3A_764, %broadcast_in_dim3A_767, %broadcast_in_dim3A_768 : vector<256x128xi1>, vector<256x128xf32>
    %eq3A_770 = arith.cmpf oeq, %select_n3A_666, %max3A_685 : vector<256x128xf32>
    %jit3A_771 = arith.constant 1.400000e+01 : f32
    %jit3A_772 = arith.constant 1.600000e+01 : f32
    %broadcast_in_dim3A_773 = vector.broadcast %jit3A_771 : f32 to vector<256x128xf32>
    %broadcast_in_dim3A_774 = vector.broadcast %jit3A_772 : f32 to vector<256x128xf32>
    %select_n3A_775 = arith.select %eq3A_770, %broadcast_in_dim3A_773, %broadcast_in_dim3A_774 : vector<256x128xi1>, vector<256x128xf32>
    %eq3A_776 = arith.cmpf oeq, %select_n3A_670, %max3A_685 : vector<256x128xf32>
    %jit3A_777 = arith.constant 1.500000e+01 : f32
    %jit3A_778 = arith.constant 1.600000e+01 : f32
    %broadcast_in_dim3A_779 = vector.broadcast %jit3A_777 : f32 to vector<256x128xf32>
    %broadcast_in_dim3A_780 = vector.broadcast %jit3A_778 : f32 to vector<256x128xf32>
    %select_n3A_781 = arith.select %eq3A_776, %broadcast_in_dim3A_779, %broadcast_in_dim3A_780 : vector<256x128xi1>, vector<256x128xf32>
    %min3A_782 = arith.minimumf %select_n3A_691, %select_n3A_697 : vector<256x128xf32>
    %min3A_783 = arith.minimumf %min3A_782, %select_n3A_703 : vector<256x128xf32>
    %min3A_784 = arith.minimumf %min3A_783, %select_n3A_709 : vector<256x128xf32>
    %min3A_785 = arith.minimumf %min3A_784, %select_n3A_715 : vector<256x128xf32>
    %min3A_786 = arith.minimumf %min3A_785, %select_n3A_721 : vector<256x128xf32>
    %min3A_787 = arith.minimumf %min3A_786, %select_n3A_727 : vector<256x128xf32>
    %min3A_788 = arith.minimumf %min3A_787, %select_n3A_733 : vector<256x128xf32>
    %min3A_789 = arith.minimumf %min3A_788, %select_n3A_739 : vector<256x128xf32>
    %min3A_790 = arith.minimumf %min3A_789, %select_n3A_745 : vector<256x128xf32>
    %min3A_791 = arith.minimumf %min3A_790, %select_n3A_751 : vector<256x128xf32>
    %min3A_792 = arith.minimumf %min3A_791, %select_n3A_757 : vector<256x128xf32>
    %min3A_793 = arith.minimumf %min3A_792, %select_n3A_763 : vector<256x128xf32>
    %min3A_794 = arith.minimumf %min3A_793, %select_n3A_769 : vector<256x128xf32>
    %min3A_795 = arith.minimumf %min3A_794, %select_n3A_775 : vector<256x128xf32>
    %min3A_796 = arith.minimumf %min3A_795, %select_n3A_781 : vector<256x128xf32>
    %mul3A_797 = arith.constant 1.280000e+02 : f32
    %mul3A_798 = vector.broadcast %mul3A_797 : f32 to vector<256x128xf32>
    %mul3A_799 = arith.mulf %min3A_796, %mul3A_798 : vector<256x128xf32>
    %add3A_800 = arith.addf %mul3A_799, %convert_element_type3A : vector<256x128xf32>
    %lt3A = arith.cmpf olt, %max3A_108, %max3A_297 : vector<256x128xf32>
    %eq3A_801 = arith.cmpf oeq, %max3A_108, %max3A_297 : vector<256x128xf32>
    %gt3A = arith.cmpf ogt, %add3A_218, %add3A_412 : vector<256x128xf32>
    %and3A = arith.andi %eq3A_801, %gt3A : vector<256x128xi1>
    %or3A = arith.ori %lt3A, %and3A : vector<256x128xi1>
    %select_n3A_802 = arith.select %or3A, %max3A_297, %max3A_108 : vector<256x128xi1>, vector<256x128xf32>
    %select_n3A_803 = arith.select %or3A, %max3A_108, %max3A_297 : vector<256x128xi1>, vector<256x128xf32>
    %select_n3A_804 = arith.select %or3A, %add3A_412, %add3A_218 : vector<256x128xi1>, vector<256x128xf32>
    %select_n3A_805 = arith.select %or3A, %add3A_218, %add3A_412 : vector<256x128xi1>, vector<256x128xf32>
    %lt3A_806 = arith.cmpf olt, %max3A_491, %max3A_685 : vector<256x128xf32>
    %eq3A_807 = arith.cmpf oeq, %max3A_491, %max3A_685 : vector<256x128xf32>
    %gt3A_808 = arith.cmpf ogt, %add3A_606, %add3A_800 : vector<256x128xf32>
    %and3A_809 = arith.andi %eq3A_807, %gt3A_808 : vector<256x128xi1>
    %or3A_810 = arith.ori %lt3A_806, %and3A_809 : vector<256x128xi1>
    %select_n3A_811 = arith.select %or3A_810, %max3A_685, %max3A_491 : vector<256x128xi1>, vector<256x128xf32>
    %select_n3A_812 = arith.select %or3A_810, %max3A_491, %max3A_685 : vector<256x128xi1>, vector<256x128xf32>
    %select_n3A_813 = arith.select %or3A_810, %add3A_800, %add3A_606 : vector<256x128xi1>, vector<256x128xf32>
    %select_n3A_814 = arith.select %or3A_810, %add3A_606, %add3A_800 : vector<256x128xi1>, vector<256x128xf32>
    %lt3A_815 = arith.cmpf olt, %select_n3A_802, %select_n3A_811 : vector<256x128xf32>
    %eq3A_816 = arith.cmpf oeq, %select_n3A_802, %select_n3A_811 : vector<256x128xf32>
    %gt3A_817 = arith.cmpf ogt, %select_n3A_804, %select_n3A_813 : vector<256x128xf32>
    %and3A_818 = arith.andi %eq3A_816, %gt3A_817 : vector<256x128xi1>
    %or3A_819 = arith.ori %lt3A_815, %and3A_818 : vector<256x128xi1>
    %select_n3A_820 = arith.select %or3A_819, %select_n3A_811, %select_n3A_802 : vector<256x128xi1>, vector<256x128xf32>
    %select_n3A_821 = arith.select %or3A_819, %select_n3A_802, %select_n3A_811 : vector<256x128xi1>, vector<256x128xf32>
    %select_n3A_822 = arith.select %or3A_819, %select_n3A_813, %select_n3A_804 : vector<256x128xi1>, vector<256x128xf32>
    %select_n3A_823 = arith.select %or3A_819, %select_n3A_804, %select_n3A_813 : vector<256x128xi1>, vector<256x128xf32>
    %lt3A_824 = arith.cmpf olt, %select_n3A_803, %select_n3A_812 : vector<256x128xf32>
    %eq3A_825 = arith.cmpf oeq, %select_n3A_803, %select_n3A_812 : vector<256x128xf32>
    %gt3A_826 = arith.cmpf ogt, %select_n3A_805, %select_n3A_814 : vector<256x128xf32>
    %and3A_827 = arith.andi %eq3A_825, %gt3A_826 : vector<256x128xi1>
    %or3A_828 = arith.ori %lt3A_824, %and3A_827 : vector<256x128xi1>
    %select_n3A_829 = arith.select %or3A_828, %select_n3A_812, %select_n3A_803 : vector<256x128xi1>, vector<256x128xf32>
    %select_n3A_830 = arith.select %or3A_828, %select_n3A_803, %select_n3A_812 : vector<256x128xi1>, vector<256x128xf32>
    %select_n3A_831 = arith.select %or3A_828, %select_n3A_814, %select_n3A_805 : vector<256x128xi1>, vector<256x128xf32>
    %select_n3A_832 = arith.select %or3A_828, %select_n3A_805, %select_n3A_814 : vector<256x128xi1>, vector<256x128xf32>
    %lt3A_833 = arith.cmpf olt, %select_n3A_829, %select_n3A_821 : vector<256x128xf32>
    %eq3A_834 = arith.cmpf oeq, %select_n3A_829, %select_n3A_821 : vector<256x128xf32>
    %gt3A_835 = arith.cmpf ogt, %select_n3A_831, %select_n3A_823 : vector<256x128xf32>
    %and3A_836 = arith.andi %eq3A_834, %gt3A_835 : vector<256x128xi1>
    %or3A_837 = arith.ori %lt3A_833, %and3A_836 : vector<256x128xi1>
    %select_n3A_838 = arith.select %or3A_837, %select_n3A_821, %select_n3A_829 : vector<256x128xi1>, vector<256x128xf32>
    %select_n3A_839 = arith.select %or3A_837, %select_n3A_829, %select_n3A_821 : vector<256x128xi1>, vector<256x128xf32>
    %select_n3A_840 = arith.select %or3A_837, %select_n3A_823, %select_n3A_831 : vector<256x128xi1>, vector<256x128xf32>
    %select_n3A_841 = arith.select %or3A_837, %select_n3A_831, %select_n3A_823 : vector<256x128xi1>, vector<256x128xf32>
    %reduce_max3A = arith.constant dense<0xFF800000> : vector<256xf32>
    %reduce_max3A_842 = vector.multi_reduction <maximumf>, %select_n3A_820, %reduce_max3A [1] : vector<256x128xf32> to vector<256xf32>
    %broadcast_in_dim3A_843 = vector.shape_cast %reduce_max3A_842 : vector<256xf32> to vector<256x1xf32>
    %eq3A_844 = vector.broadcast %broadcast_in_dim3A_843 : vector<256x1xf32> to vector<256x128xf32>
    %eq3A_845 = arith.cmpf oeq, %select_n3A_820, %eq3A_844 : vector<256x128xf32>
    %jit3A_846 = arith.constant 2.048000e+03 : f32
    %broadcast_in_dim3A_847 = vector.broadcast %jit3A_846 : f32 to vector<256x128xf32>
    %select_n3A_848 = arith.select %eq3A_845, %select_n3A_822, %broadcast_in_dim3A_847 : vector<256x128xi1>, vector<256x128xf32>
    %reduce_min3A = arith.constant dense<0x7F800000> : vector<256xf32>
    %reduce_min3A_849 = vector.multi_reduction <minimumf>, %select_n3A_848, %reduce_min3A [1] : vector<256x128xf32> to vector<256xf32>
    %broadcast_in_dim3A_850 = vector.shape_cast %reduce_min3A_849 : vector<256xf32> to vector<256x1xf32>
    %eq3A_851 = vector.broadcast %broadcast_in_dim3A_850 : vector<256x1xf32> to vector<256x128xf32>
    %eq3A_852 = arith.cmpf oeq, %select_n3A_848, %eq3A_851 : vector<256x128xf32>
    %select_n3A_853 = arith.select %eq3A_852, %select_n3A_838, %select_n3A_820 : vector<256x128xi1>, vector<256x128xf32>
    %select_n3A_854 = arith.select %eq3A_852, %select_n3A_840, %select_n3A_822 : vector<256x128xi1>, vector<256x128xf32>
    %select_n3A_855 = arith.select %eq3A_852, %select_n3A_839, %select_n3A_838 : vector<256x128xi1>, vector<256x128xf32>
    %select_n3A_856 = arith.select %eq3A_852, %select_n3A_841, %select_n3A_840 : vector<256x128xi1>, vector<256x128xf32>
    %select_n3A_857 = arith.select %eq3A_852, %select_n3A_830, %select_n3A_839 : vector<256x128xi1>, vector<256x128xf32>
    %select_n3A_858 = arith.select %eq3A_852, %select_n3A_832, %select_n3A_841 : vector<256x128xi1>, vector<256x128xf32>
    %jit3A_859 = arith.constant 0xFF800000 : f32
    %broadcast_in_dim3A_860 = vector.broadcast %jit3A_859 : f32 to vector<256x128xf32>
    %select_n3A_861 = arith.select %eq3A_852, %broadcast_in_dim3A_860, %select_n3A_830 : vector<256x128xi1>, vector<256x128xf32>
    %reduce_max3A_862 = arith.constant dense<0xFF800000> : vector<256xf32>
    %reduce_max3A_863 = vector.multi_reduction <maximumf>, %select_n3A_853, %reduce_max3A_862 [1] : vector<256x128xf32> to vector<256xf32>
    %broadcast_in_dim3A_864 = vector.shape_cast %reduce_max3A_863 : vector<256xf32> to vector<256x1xf32>
    %eq3A_865 = vector.broadcast %broadcast_in_dim3A_864 : vector<256x1xf32> to vector<256x128xf32>
    %eq3A_866 = arith.cmpf oeq, %select_n3A_853, %eq3A_865 : vector<256x128xf32>
    %jit3A_867 = arith.constant 2.048000e+03 : f32
    %broadcast_in_dim3A_868 = vector.broadcast %jit3A_867 : f32 to vector<256x128xf32>
    %select_n3A_869 = arith.select %eq3A_866, %select_n3A_854, %broadcast_in_dim3A_868 : vector<256x128xi1>, vector<256x128xf32>
    %reduce_min3A_870 = arith.constant dense<0x7F800000> : vector<256xf32>
    %reduce_min3A_871 = vector.multi_reduction <minimumf>, %select_n3A_869, %reduce_min3A_870 [1] : vector<256x128xf32> to vector<256xf32>
    %broadcast_in_dim3A_872 = vector.shape_cast %reduce_min3A_871 : vector<256xf32> to vector<256x1xf32>
    %eq3A_873 = vector.broadcast %broadcast_in_dim3A_872 : vector<256x1xf32> to vector<256x128xf32>
    %eq3A_874 = arith.cmpf oeq, %select_n3A_869, %eq3A_873 : vector<256x128xf32>
    %select_n3A_875 = arith.select %eq3A_874, %select_n3A_855, %select_n3A_853 : vector<256x128xi1>, vector<256x128xf32>
    %select_n3A_876 = arith.select %eq3A_874, %select_n3A_856, %select_n3A_854 : vector<256x128xi1>, vector<256x128xf32>
    %select_n3A_877 = arith.select %eq3A_874, %select_n3A_857, %select_n3A_855 : vector<256x128xi1>, vector<256x128xf32>
    %select_n3A_878 = arith.select %eq3A_874, %select_n3A_858, %select_n3A_856 : vector<256x128xi1>, vector<256x128xf32>
    %select_n3A_879 = arith.select %eq3A_874, %select_n3A_861, %select_n3A_857 : vector<256x128xi1>, vector<256x128xf32>
    %select_n3A_880 = arith.select %eq3A_874, %select_n3A_832, %select_n3A_858 : vector<256x128xi1>, vector<256x128xf32>
    %jit3A_881 = arith.constant 0xFF800000 : f32
    %broadcast_in_dim3A_882 = vector.broadcast %jit3A_881 : f32 to vector<256x128xf32>
    %select_n3A_883 = arith.select %eq3A_874, %broadcast_in_dim3A_882, %select_n3A_861 : vector<256x128xi1>, vector<256x128xf32>
    %reduce_max3A_884 = arith.constant dense<0xFF800000> : vector<256xf32>
    %reduce_max3A_885 = vector.multi_reduction <maximumf>, %select_n3A_875, %reduce_max3A_884 [1] : vector<256x128xf32> to vector<256xf32>
    %broadcast_in_dim3A_886 = vector.shape_cast %reduce_max3A_885 : vector<256xf32> to vector<256x1xf32>
    %eq3A_887 = vector.broadcast %broadcast_in_dim3A_886 : vector<256x1xf32> to vector<256x128xf32>
    %eq3A_888 = arith.cmpf oeq, %select_n3A_875, %eq3A_887 : vector<256x128xf32>
    %jit3A_889 = arith.constant 2.048000e+03 : f32
    %broadcast_in_dim3A_890 = vector.broadcast %jit3A_889 : f32 to vector<256x128xf32>
    %select_n3A_891 = arith.select %eq3A_888, %select_n3A_876, %broadcast_in_dim3A_890 : vector<256x128xi1>, vector<256x128xf32>
    %reduce_min3A_892 = arith.constant dense<0x7F800000> : vector<256xf32>
    %reduce_min3A_893 = vector.multi_reduction <minimumf>, %select_n3A_891, %reduce_min3A_892 [1] : vector<256x128xf32> to vector<256xf32>
    %broadcast_in_dim3A_894 = vector.shape_cast %reduce_min3A_893 : vector<256xf32> to vector<256x1xf32>
    %eq3A_895 = vector.broadcast %broadcast_in_dim3A_894 : vector<256x1xf32> to vector<256x128xf32>
    %eq3A_896 = arith.cmpf oeq, %select_n3A_891, %eq3A_895 : vector<256x128xf32>
    %select_n3A_897 = arith.select %eq3A_896, %select_n3A_877, %select_n3A_875 : vector<256x128xi1>, vector<256x128xf32>
    %select_n3A_898 = arith.select %eq3A_896, %select_n3A_878, %select_n3A_876 : vector<256x128xi1>, vector<256x128xf32>
    %select_n3A_899 = arith.select %eq3A_896, %select_n3A_879, %select_n3A_877 : vector<256x128xi1>, vector<256x128xf32>
    %select_n3A_900 = arith.select %eq3A_896, %select_n3A_880, %select_n3A_878 : vector<256x128xi1>, vector<256x128xf32>
    %select_n3A_901 = arith.select %eq3A_896, %select_n3A_883, %select_n3A_879 : vector<256x128xi1>, vector<256x128xf32>
    %select_n3A_902 = arith.select %eq3A_896, %select_n3A_832, %select_n3A_880 : vector<256x128xi1>, vector<256x128xf32>
    %jit3A_903 = arith.constant 0xFF800000 : f32
    %broadcast_in_dim3A_904 = vector.broadcast %jit3A_903 : f32 to vector<256x128xf32>
    %select_n3A_905 = arith.select %eq3A_896, %broadcast_in_dim3A_904, %select_n3A_883 : vector<256x128xi1>, vector<256x128xf32>
    %reduce_max3A_906 = arith.constant dense<0xFF800000> : vector<256xf32>
    %reduce_max3A_907 = vector.multi_reduction <maximumf>, %select_n3A_897, %reduce_max3A_906 [1] : vector<256x128xf32> to vector<256xf32>
    %broadcast_in_dim3A_908 = vector.shape_cast %reduce_max3A_907 : vector<256xf32> to vector<256x1xf32>
    %eq3A_909 = vector.broadcast %broadcast_in_dim3A_908 : vector<256x1xf32> to vector<256x128xf32>
    %eq3A_910 = arith.cmpf oeq, %select_n3A_897, %eq3A_909 : vector<256x128xf32>
    %jit3A_911 = arith.constant 2.048000e+03 : f32
    %broadcast_in_dim3A_912 = vector.broadcast %jit3A_911 : f32 to vector<256x128xf32>
    %select_n3A_913 = arith.select %eq3A_910, %select_n3A_898, %broadcast_in_dim3A_912 : vector<256x128xi1>, vector<256x128xf32>
    %reduce_min3A_914 = arith.constant dense<0x7F800000> : vector<256xf32>
    %reduce_min3A_915 = vector.multi_reduction <minimumf>, %select_n3A_913, %reduce_min3A_914 [1] : vector<256x128xf32> to vector<256xf32>
    %broadcast_in_dim3A_916 = vector.shape_cast %reduce_min3A_915 : vector<256xf32> to vector<256x1xf32>
    %eq3A_917 = vector.broadcast %broadcast_in_dim3A_916 : vector<256x1xf32> to vector<256x128xf32>
    %eq3A_918 = arith.cmpf oeq, %select_n3A_913, %eq3A_917 : vector<256x128xf32>
    %select_n3A_919 = arith.select %eq3A_918, %select_n3A_899, %select_n3A_897 : vector<256x128xi1>, vector<256x128xf32>
    %select_n3A_920 = arith.select %eq3A_918, %select_n3A_900, %select_n3A_898 : vector<256x128xi1>, vector<256x128xf32>
    %select_n3A_921 = arith.select %eq3A_918, %select_n3A_901, %select_n3A_899 : vector<256x128xi1>, vector<256x128xf32>
    %select_n3A_922 = arith.select %eq3A_918, %select_n3A_902, %select_n3A_900 : vector<256x128xi1>, vector<256x128xf32>
    %select_n3A_923 = arith.select %eq3A_918, %select_n3A_905, %select_n3A_901 : vector<256x128xi1>, vector<256x128xf32>
    %select_n3A_924 = arith.select %eq3A_918, %select_n3A_832, %select_n3A_902 : vector<256x128xi1>, vector<256x128xf32>
    %jit3A_925 = arith.constant 0xFF800000 : f32
    %broadcast_in_dim3A_926 = vector.broadcast %jit3A_925 : f32 to vector<256x128xf32>
    %select_n3A_927 = arith.select %eq3A_918, %broadcast_in_dim3A_926, %select_n3A_905 : vector<256x128xi1>, vector<256x128xf32>
    %reduce_max3A_928 = arith.constant dense<0xFF800000> : vector<256xf32>
    %reduce_max3A_929 = vector.multi_reduction <maximumf>, %select_n3A_919, %reduce_max3A_928 [1] : vector<256x128xf32> to vector<256xf32>
    %broadcast_in_dim3A_930 = vector.shape_cast %reduce_max3A_929 : vector<256xf32> to vector<256x1xf32>
    %eq3A_931 = vector.broadcast %broadcast_in_dim3A_930 : vector<256x1xf32> to vector<256x128xf32>
    %eq3A_932 = arith.cmpf oeq, %select_n3A_919, %eq3A_931 : vector<256x128xf32>
    %jit3A_933 = arith.constant 2.048000e+03 : f32
    %broadcast_in_dim3A_934 = vector.broadcast %jit3A_933 : f32 to vector<256x128xf32>
    %select_n3A_935 = arith.select %eq3A_932, %select_n3A_920, %broadcast_in_dim3A_934 : vector<256x128xi1>, vector<256x128xf32>
    %reduce_min3A_936 = arith.constant dense<0x7F800000> : vector<256xf32>
    %reduce_min3A_937 = vector.multi_reduction <minimumf>, %select_n3A_935, %reduce_min3A_936 [1] : vector<256x128xf32> to vector<256xf32>
    %broadcast_in_dim3A_938 = vector.shape_cast %reduce_min3A_937 : vector<256xf32> to vector<256x1xf32>
    %eq3A_939 = vector.broadcast %broadcast_in_dim3A_938 : vector<256x1xf32> to vector<256x128xf32>
    %eq3A_940 = arith.cmpf oeq, %select_n3A_935, %eq3A_939 : vector<256x128xf32>
    %select_n3A_941 = arith.select %eq3A_940, %select_n3A_921, %select_n3A_919 : vector<256x128xi1>, vector<256x128xf32>
    %select_n3A_942 = arith.select %eq3A_940, %select_n3A_922, %select_n3A_920 : vector<256x128xi1>, vector<256x128xf32>
    %select_n3A_943 = arith.select %eq3A_940, %select_n3A_923, %select_n3A_921 : vector<256x128xi1>, vector<256x128xf32>
    %select_n3A_944 = arith.select %eq3A_940, %select_n3A_924, %select_n3A_922 : vector<256x128xi1>, vector<256x128xf32>
    %select_n3A_945 = arith.select %eq3A_940, %select_n3A_927, %select_n3A_923 : vector<256x128xi1>, vector<256x128xf32>
    %select_n3A_946 = arith.select %eq3A_940, %select_n3A_832, %select_n3A_924 : vector<256x128xi1>, vector<256x128xf32>
    %jit3A_947 = arith.constant 0xFF800000 : f32
    %broadcast_in_dim3A_948 = vector.broadcast %jit3A_947 : f32 to vector<256x128xf32>
    %select_n3A_949 = arith.select %eq3A_940, %broadcast_in_dim3A_948, %select_n3A_927 : vector<256x128xi1>, vector<256x128xf32>
    %reduce_max3A_950 = arith.constant dense<0xFF800000> : vector<256xf32>
    %reduce_max3A_951 = vector.multi_reduction <maximumf>, %select_n3A_941, %reduce_max3A_950 [1] : vector<256x128xf32> to vector<256xf32>
    %broadcast_in_dim3A_952 = vector.shape_cast %reduce_max3A_951 : vector<256xf32> to vector<256x1xf32>
    %eq3A_953 = vector.broadcast %broadcast_in_dim3A_952 : vector<256x1xf32> to vector<256x128xf32>
    %eq3A_954 = arith.cmpf oeq, %select_n3A_941, %eq3A_953 : vector<256x128xf32>
    %jit3A_955 = arith.constant 2.048000e+03 : f32
    %broadcast_in_dim3A_956 = vector.broadcast %jit3A_955 : f32 to vector<256x128xf32>
    %select_n3A_957 = arith.select %eq3A_954, %select_n3A_942, %broadcast_in_dim3A_956 : vector<256x128xi1>, vector<256x128xf32>
    %reduce_min3A_958 = arith.constant dense<0x7F800000> : vector<256xf32>
    %reduce_min3A_959 = vector.multi_reduction <minimumf>, %select_n3A_957, %reduce_min3A_958 [1] : vector<256x128xf32> to vector<256xf32>
    %broadcast_in_dim3A_960 = vector.shape_cast %reduce_min3A_959 : vector<256xf32> to vector<256x1xf32>
    %eq3A_961 = vector.broadcast %broadcast_in_dim3A_960 : vector<256x1xf32> to vector<256x128xf32>
    %eq3A_962 = arith.cmpf oeq, %select_n3A_957, %eq3A_961 : vector<256x128xf32>
    %select_n3A_963 = arith.select %eq3A_962, %select_n3A_943, %select_n3A_941 : vector<256x128xi1>, vector<256x128xf32>
    %select_n3A_964 = arith.select %eq3A_962, %select_n3A_944, %select_n3A_942 : vector<256x128xi1>, vector<256x128xf32>
    %select_n3A_965 = arith.select %eq3A_962, %select_n3A_945, %select_n3A_943 : vector<256x128xi1>, vector<256x128xf32>
    %select_n3A_966 = arith.select %eq3A_962, %select_n3A_946, %select_n3A_944 : vector<256x128xi1>, vector<256x128xf32>
    %select_n3A_967 = arith.select %eq3A_962, %select_n3A_949, %select_n3A_945 : vector<256x128xi1>, vector<256x128xf32>
    %select_n3A_968 = arith.select %eq3A_962, %select_n3A_832, %select_n3A_946 : vector<256x128xi1>, vector<256x128xf32>
    %jit3A_969 = arith.constant 0xFF800000 : f32
    %broadcast_in_dim3A_970 = vector.broadcast %jit3A_969 : f32 to vector<256x128xf32>
    %select_n3A_971 = arith.select %eq3A_962, %broadcast_in_dim3A_970, %select_n3A_949 : vector<256x128xi1>, vector<256x128xf32>
    %reduce_max3A_972 = arith.constant dense<0xFF800000> : vector<256xf32>
    %reduce_max3A_973 = vector.multi_reduction <maximumf>, %select_n3A_963, %reduce_max3A_972 [1] : vector<256x128xf32> to vector<256xf32>
    %broadcast_in_dim3A_974 = vector.shape_cast %reduce_max3A_973 : vector<256xf32> to vector<256x1xf32>
    %eq3A_975 = vector.broadcast %broadcast_in_dim3A_974 : vector<256x1xf32> to vector<256x128xf32>
    %eq3A_976 = arith.cmpf oeq, %select_n3A_963, %eq3A_975 : vector<256x128xf32>
    %jit3A_977 = arith.constant 2.048000e+03 : f32
    %broadcast_in_dim3A_978 = vector.broadcast %jit3A_977 : f32 to vector<256x128xf32>
    %select_n3A_979 = arith.select %eq3A_976, %select_n3A_964, %broadcast_in_dim3A_978 : vector<256x128xi1>, vector<256x128xf32>
    %reduce_min3A_980 = arith.constant dense<0x7F800000> : vector<256xf32>
    %reduce_min3A_981 = vector.multi_reduction <minimumf>, %select_n3A_979, %reduce_min3A_980 [1] : vector<256x128xf32> to vector<256xf32>
    %broadcast_in_dim3A_982 = vector.shape_cast %reduce_min3A_981 : vector<256xf32> to vector<256x1xf32>
    %eq3A_983 = vector.broadcast %broadcast_in_dim3A_982 : vector<256x1xf32> to vector<256x128xf32>
    %eq3A_984 = arith.cmpf oeq, %select_n3A_979, %eq3A_983 : vector<256x128xf32>
    %select_n3A_985 = arith.select %eq3A_984, %select_n3A_965, %select_n3A_963 : vector<256x128xi1>, vector<256x128xf32>
    %select_n3A_986 = arith.select %eq3A_984, %select_n3A_966, %select_n3A_964 : vector<256x128xi1>, vector<256x128xf32>
    %select_n3A_987 = arith.select %eq3A_984, %select_n3A_967, %select_n3A_965 : vector<256x128xi1>, vector<256x128xf32>
    %select_n3A_988 = arith.select %eq3A_984, %select_n3A_968, %select_n3A_966 : vector<256x128xi1>, vector<256x128xf32>
    %select_n3A_989 = arith.select %eq3A_984, %select_n3A_971, %select_n3A_967 : vector<256x128xi1>, vector<256x128xf32>
    %select_n3A_990 = arith.select %eq3A_984, %select_n3A_832, %select_n3A_968 : vector<256x128xi1>, vector<256x128xf32>
    %jit3A_991 = arith.constant 0xFF800000 : f32
    %broadcast_in_dim3A_992 = vector.broadcast %jit3A_991 : f32 to vector<256x128xf32>
    %select_n3A_993 = arith.select %eq3A_984, %broadcast_in_dim3A_992, %select_n3A_971 : vector<256x128xi1>, vector<256x128xf32>
    %reduce_max3A_994 = arith.constant dense<0xFF800000> : vector<256xf32>
    %reduce_max3A_995 = vector.multi_reduction <maximumf>, %select_n3A_985, %reduce_max3A_994 [1] : vector<256x128xf32> to vector<256xf32>
    %broadcast_in_dim3A_996 = vector.shape_cast %reduce_max3A_995 : vector<256xf32> to vector<256x1xf32>
    %eq3A_997 = vector.broadcast %broadcast_in_dim3A_996 : vector<256x1xf32> to vector<256x128xf32>
    %eq3A_998 = arith.cmpf oeq, %select_n3A_985, %eq3A_997 : vector<256x128xf32>
    %jit3A_999 = arith.constant 2.048000e+03 : f32
    %broadcast_in_dim3A_1000 = vector.broadcast %jit3A_999 : f32 to vector<256x128xf32>
    %select_n3A_1001 = arith.select %eq3A_998, %select_n3A_986, %broadcast_in_dim3A_1000 : vector<256x128xi1>, vector<256x128xf32>
    %reduce_min3A_1002 = arith.constant dense<0x7F800000> : vector<256xf32>
    %reduce_min3A_1003 = vector.multi_reduction <minimumf>, %select_n3A_1001, %reduce_min3A_1002 [1] : vector<256x128xf32> to vector<256xf32>
    %broadcast_in_dim3A_1004 = vector.shape_cast %reduce_min3A_1003 : vector<256xf32> to vector<256x1xf32>
    %eq3A_1005 = vector.broadcast %broadcast_in_dim3A_1004 : vector<256x1xf32> to vector<256x128xf32>
    %eq3A_1006 = arith.cmpf oeq, %select_n3A_1001, %eq3A_1005 : vector<256x128xf32>
    %select_n3A_1007 = arith.select %eq3A_1006, %select_n3A_987, %select_n3A_985 : vector<256x128xi1>, vector<256x128xf32>
    %select_n3A_1008 = arith.select %eq3A_1006, %select_n3A_988, %select_n3A_986 : vector<256x128xi1>, vector<256x128xf32>
    %select_n3A_1009 = arith.select %eq3A_1006, %select_n3A_989, %select_n3A_987 : vector<256x128xi1>, vector<256x128xf32>
    %select_n3A_1010 = arith.select %eq3A_1006, %select_n3A_990, %select_n3A_988 : vector<256x128xi1>, vector<256x128xf32>
    %select_n3A_1011 = arith.select %eq3A_1006, %select_n3A_993, %select_n3A_989 : vector<256x128xi1>, vector<256x128xf32>
    %select_n3A_1012 = arith.select %eq3A_1006, %select_n3A_832, %select_n3A_990 : vector<256x128xi1>, vector<256x128xf32>
    %jit3A_1013 = arith.constant 0xFF800000 : f32
    %broadcast_in_dim3A_1014 = vector.broadcast %jit3A_1013 : f32 to vector<256x128xf32>
    %select_n3A_1015 = arith.select %eq3A_1006, %broadcast_in_dim3A_1014, %select_n3A_993 : vector<256x128xi1>, vector<256x128xf32>
    %reduce_max3A_1016 = arith.constant dense<0xFF800000> : vector<256xf32>
    %reduce_max3A_1017 = vector.multi_reduction <maximumf>, %select_n3A_1007, %reduce_max3A_1016 [1] : vector<256x128xf32> to vector<256xf32>
    %broadcast_in_dim3A_1018 = vector.shape_cast %reduce_max3A_1017 : vector<256xf32> to vector<256x1xf32>
    %eq3A_1019 = vector.broadcast %broadcast_in_dim3A_1018 : vector<256x1xf32> to vector<256x128xf32>
    %eq3A_1020 = arith.cmpf oeq, %select_n3A_1007, %eq3A_1019 : vector<256x128xf32>
    %jit3A_1021 = arith.constant 2.048000e+03 : f32
    %broadcast_in_dim3A_1022 = vector.broadcast %jit3A_1021 : f32 to vector<256x128xf32>
    %select_n3A_1023 = arith.select %eq3A_1020, %select_n3A_1008, %broadcast_in_dim3A_1022 : vector<256x128xi1>, vector<256x128xf32>
    %reduce_min3A_1024 = arith.constant dense<0x7F800000> : vector<256xf32>
    %reduce_min3A_1025 = vector.multi_reduction <minimumf>, %select_n3A_1023, %reduce_min3A_1024 [1] : vector<256x128xf32> to vector<256xf32>
    %broadcast_in_dim3A_1026 = vector.shape_cast %reduce_min3A_1025 : vector<256xf32> to vector<256x1xf32>
    %eq3A_1027 = vector.broadcast %broadcast_in_dim3A_1026 : vector<256x1xf32> to vector<256x128xf32>
    %eq3A_1028 = arith.cmpf oeq, %select_n3A_1023, %eq3A_1027 : vector<256x128xf32>
    %select_n3A_1029 = arith.select %eq3A_1028, %select_n3A_1009, %select_n3A_1007 : vector<256x128xi1>, vector<256x128xf32>
    %select_n3A_1030 = arith.select %eq3A_1028, %select_n3A_1010, %select_n3A_1008 : vector<256x128xi1>, vector<256x128xf32>
    %select_n3A_1031 = arith.select %eq3A_1028, %select_n3A_1011, %select_n3A_1009 : vector<256x128xi1>, vector<256x128xf32>
    %select_n3A_1032 = arith.select %eq3A_1028, %select_n3A_1012, %select_n3A_1010 : vector<256x128xi1>, vector<256x128xf32>
    %select_n3A_1033 = arith.select %eq3A_1028, %select_n3A_1015, %select_n3A_1011 : vector<256x128xi1>, vector<256x128xf32>
    %select_n3A_1034 = arith.select %eq3A_1028, %select_n3A_832, %select_n3A_1012 : vector<256x128xi1>, vector<256x128xf32>
    %jit3A_1035 = arith.constant 0xFF800000 : f32
    %broadcast_in_dim3A_1036 = vector.broadcast %jit3A_1035 : f32 to vector<256x128xf32>
    %select_n3A_1037 = arith.select %eq3A_1028, %broadcast_in_dim3A_1036, %select_n3A_1015 : vector<256x128xi1>, vector<256x128xf32>
    %reduce_max3A_1038 = arith.constant dense<0xFF800000> : vector<256xf32>
    %reduce_max3A_1039 = vector.multi_reduction <maximumf>, %select_n3A_1029, %reduce_max3A_1038 [1] : vector<256x128xf32> to vector<256xf32>
    %broadcast_in_dim3A_1040 = vector.shape_cast %reduce_max3A_1039 : vector<256xf32> to vector<256x1xf32>
    %eq3A_1041 = vector.broadcast %broadcast_in_dim3A_1040 : vector<256x1xf32> to vector<256x128xf32>
    %eq3A_1042 = arith.cmpf oeq, %select_n3A_1029, %eq3A_1041 : vector<256x128xf32>
    %jit3A_1043 = arith.constant 2.048000e+03 : f32
    %broadcast_in_dim3A_1044 = vector.broadcast %jit3A_1043 : f32 to vector<256x128xf32>
    %select_n3A_1045 = arith.select %eq3A_1042, %select_n3A_1030, %broadcast_in_dim3A_1044 : vector<256x128xi1>, vector<256x128xf32>
    %reduce_min3A_1046 = arith.constant dense<0x7F800000> : vector<256xf32>
    %reduce_min3A_1047 = vector.multi_reduction <minimumf>, %select_n3A_1045, %reduce_min3A_1046 [1] : vector<256x128xf32> to vector<256xf32>
    %broadcast_in_dim3A_1048 = vector.shape_cast %reduce_min3A_1047 : vector<256xf32> to vector<256x1xf32>
    %eq3A_1049 = vector.broadcast %broadcast_in_dim3A_1048 : vector<256x1xf32> to vector<256x128xf32>
    %eq3A_1050 = arith.cmpf oeq, %select_n3A_1045, %eq3A_1049 : vector<256x128xf32>
    %select_n3A_1051 = arith.select %eq3A_1050, %select_n3A_1031, %select_n3A_1029 : vector<256x128xi1>, vector<256x128xf32>
    %select_n3A_1052 = arith.select %eq3A_1050, %select_n3A_1032, %select_n3A_1030 : vector<256x128xi1>, vector<256x128xf32>
    %select_n3A_1053 = arith.select %eq3A_1050, %select_n3A_1033, %select_n3A_1031 : vector<256x128xi1>, vector<256x128xf32>
    %select_n3A_1054 = arith.select %eq3A_1050, %select_n3A_1034, %select_n3A_1032 : vector<256x128xi1>, vector<256x128xf32>
    %select_n3A_1055 = arith.select %eq3A_1050, %select_n3A_1037, %select_n3A_1033 : vector<256x128xi1>, vector<256x128xf32>
    %select_n3A_1056 = arith.select %eq3A_1050, %select_n3A_832, %select_n3A_1034 : vector<256x128xi1>, vector<256x128xf32>
    %jit3A_1057 = arith.constant 0xFF800000 : f32
    %broadcast_in_dim3A_1058 = vector.broadcast %jit3A_1057 : f32 to vector<256x128xf32>
    %select_n3A_1059 = arith.select %eq3A_1050, %broadcast_in_dim3A_1058, %select_n3A_1037 : vector<256x128xi1>, vector<256x128xf32>
    %reduce_max3A_1060 = arith.constant dense<0xFF800000> : vector<256xf32>
    %reduce_max3A_1061 = vector.multi_reduction <maximumf>, %select_n3A_1051, %reduce_max3A_1060 [1] : vector<256x128xf32> to vector<256xf32>
    %broadcast_in_dim3A_1062 = vector.shape_cast %reduce_max3A_1061 : vector<256xf32> to vector<256x1xf32>
    %eq3A_1063 = vector.broadcast %broadcast_in_dim3A_1062 : vector<256x1xf32> to vector<256x128xf32>
    %eq3A_1064 = arith.cmpf oeq, %select_n3A_1051, %eq3A_1063 : vector<256x128xf32>
    %jit3A_1065 = arith.constant 2.048000e+03 : f32
    %broadcast_in_dim3A_1066 = vector.broadcast %jit3A_1065 : f32 to vector<256x128xf32>
    %select_n3A_1067 = arith.select %eq3A_1064, %select_n3A_1052, %broadcast_in_dim3A_1066 : vector<256x128xi1>, vector<256x128xf32>
    %reduce_min3A_1068 = arith.constant dense<0x7F800000> : vector<256xf32>
    %reduce_min3A_1069 = vector.multi_reduction <minimumf>, %select_n3A_1067, %reduce_min3A_1068 [1] : vector<256x128xf32> to vector<256xf32>
    %broadcast_in_dim3A_1070 = vector.shape_cast %reduce_min3A_1069 : vector<256xf32> to vector<256x1xf32>
    %eq3A_1071 = vector.broadcast %broadcast_in_dim3A_1070 : vector<256x1xf32> to vector<256x128xf32>
    %eq3A_1072 = arith.cmpf oeq, %select_n3A_1067, %eq3A_1071 : vector<256x128xf32>
    %select_n3A_1073 = arith.select %eq3A_1072, %select_n3A_1053, %select_n3A_1051 : vector<256x128xi1>, vector<256x128xf32>
    %select_n3A_1074 = arith.select %eq3A_1072, %select_n3A_1054, %select_n3A_1052 : vector<256x128xi1>, vector<256x128xf32>
    %select_n3A_1075 = arith.select %eq3A_1072, %select_n3A_1055, %select_n3A_1053 : vector<256x128xi1>, vector<256x128xf32>
    %select_n3A_1076 = arith.select %eq3A_1072, %select_n3A_1056, %select_n3A_1054 : vector<256x128xi1>, vector<256x128xf32>
    %select_n3A_1077 = arith.select %eq3A_1072, %select_n3A_1059, %select_n3A_1055 : vector<256x128xi1>, vector<256x128xf32>
    %select_n3A_1078 = arith.select %eq3A_1072, %select_n3A_832, %select_n3A_1056 : vector<256x128xi1>, vector<256x128xf32>
    %jit3A_1079 = arith.constant 0xFF800000 : f32
    %broadcast_in_dim3A_1080 = vector.broadcast %jit3A_1079 : f32 to vector<256x128xf32>
    %select_n3A_1081 = arith.select %eq3A_1072, %broadcast_in_dim3A_1080, %select_n3A_1059 : vector<256x128xi1>, vector<256x128xf32>
    %reduce_max3A_1082 = arith.constant dense<0xFF800000> : vector<256xf32>
    %reduce_max3A_1083 = vector.multi_reduction <maximumf>, %select_n3A_1073, %reduce_max3A_1082 [1] : vector<256x128xf32> to vector<256xf32>
    %broadcast_in_dim3A_1084 = vector.shape_cast %reduce_max3A_1083 : vector<256xf32> to vector<256x1xf32>
    %eq3A_1085 = vector.broadcast %broadcast_in_dim3A_1084 : vector<256x1xf32> to vector<256x128xf32>
    %eq3A_1086 = arith.cmpf oeq, %select_n3A_1073, %eq3A_1085 : vector<256x128xf32>
    %jit3A_1087 = arith.constant 2.048000e+03 : f32
    %broadcast_in_dim3A_1088 = vector.broadcast %jit3A_1087 : f32 to vector<256x128xf32>
    %select_n3A_1089 = arith.select %eq3A_1086, %select_n3A_1074, %broadcast_in_dim3A_1088 : vector<256x128xi1>, vector<256x128xf32>
    %reduce_min3A_1090 = arith.constant dense<0x7F800000> : vector<256xf32>
    %reduce_min3A_1091 = vector.multi_reduction <minimumf>, %select_n3A_1089, %reduce_min3A_1090 [1] : vector<256x128xf32> to vector<256xf32>
    %broadcast_in_dim3A_1092 = vector.shape_cast %reduce_min3A_1091 : vector<256xf32> to vector<256x1xf32>
    %eq3A_1093 = vector.broadcast %broadcast_in_dim3A_1092 : vector<256x1xf32> to vector<256x128xf32>
    %eq3A_1094 = arith.cmpf oeq, %select_n3A_1089, %eq3A_1093 : vector<256x128xf32>
    %select_n3A_1095 = arith.select %eq3A_1094, %select_n3A_1075, %select_n3A_1073 : vector<256x128xi1>, vector<256x128xf32>
    %select_n3A_1096 = arith.select %eq3A_1094, %select_n3A_1076, %select_n3A_1074 : vector<256x128xi1>, vector<256x128xf32>
    %select_n3A_1097 = arith.select %eq3A_1094, %select_n3A_1077, %select_n3A_1075 : vector<256x128xi1>, vector<256x128xf32>
    %select_n3A_1098 = arith.select %eq3A_1094, %select_n3A_1078, %select_n3A_1076 : vector<256x128xi1>, vector<256x128xf32>
    %select_n3A_1099 = arith.select %eq3A_1094, %select_n3A_1081, %select_n3A_1077 : vector<256x128xi1>, vector<256x128xf32>
    %select_n3A_1100 = arith.select %eq3A_1094, %select_n3A_832, %select_n3A_1078 : vector<256x128xi1>, vector<256x128xf32>
    %jit3A_1101 = arith.constant 0xFF800000 : f32
    %broadcast_in_dim3A_1102 = vector.broadcast %jit3A_1101 : f32 to vector<256x128xf32>
    %select_n3A_1103 = arith.select %eq3A_1094, %broadcast_in_dim3A_1102, %select_n3A_1081 : vector<256x128xi1>, vector<256x128xf32>
    %reduce_max3A_1104 = arith.constant dense<0xFF800000> : vector<256xf32>
    %reduce_max3A_1105 = vector.multi_reduction <maximumf>, %select_n3A_1095, %reduce_max3A_1104 [1] : vector<256x128xf32> to vector<256xf32>
    %broadcast_in_dim3A_1106 = vector.shape_cast %reduce_max3A_1105 : vector<256xf32> to vector<256x1xf32>
    %eq3A_1107 = vector.broadcast %broadcast_in_dim3A_1106 : vector<256x1xf32> to vector<256x128xf32>
    %eq3A_1108 = arith.cmpf oeq, %select_n3A_1095, %eq3A_1107 : vector<256x128xf32>
    %jit3A_1109 = arith.constant 2.048000e+03 : f32
    %broadcast_in_dim3A_1110 = vector.broadcast %jit3A_1109 : f32 to vector<256x128xf32>
    %select_n3A_1111 = arith.select %eq3A_1108, %select_n3A_1096, %broadcast_in_dim3A_1110 : vector<256x128xi1>, vector<256x128xf32>
    %reduce_min3A_1112 = arith.constant dense<0x7F800000> : vector<256xf32>
    %reduce_min3A_1113 = vector.multi_reduction <minimumf>, %select_n3A_1111, %reduce_min3A_1112 [1] : vector<256x128xf32> to vector<256xf32>
    %broadcast_in_dim3A_1114 = vector.shape_cast %reduce_min3A_1113 : vector<256xf32> to vector<256x1xf32>
    %eq3A_1115 = vector.broadcast %broadcast_in_dim3A_1114 : vector<256x1xf32> to vector<256x128xf32>
    %eq3A_1116 = arith.cmpf oeq, %select_n3A_1111, %eq3A_1115 : vector<256x128xf32>
    %select_n3A_1117 = arith.select %eq3A_1116, %select_n3A_1097, %select_n3A_1095 : vector<256x128xi1>, vector<256x128xf32>
    %select_n3A_1118 = arith.select %eq3A_1116, %select_n3A_1098, %select_n3A_1096 : vector<256x128xi1>, vector<256x128xf32>
    %select_n3A_1119 = arith.select %eq3A_1116, %select_n3A_1099, %select_n3A_1097 : vector<256x128xi1>, vector<256x128xf32>
    %select_n3A_1120 = arith.select %eq3A_1116, %select_n3A_1100, %select_n3A_1098 : vector<256x128xi1>, vector<256x128xf32>
    %select_n3A_1121 = arith.select %eq3A_1116, %select_n3A_1103, %select_n3A_1099 : vector<256x128xi1>, vector<256x128xf32>
    %select_n3A_1122 = arith.select %eq3A_1116, %select_n3A_832, %select_n3A_1100 : vector<256x128xi1>, vector<256x128xf32>
    %jit3A_1123 = arith.constant 0xFF800000 : f32
    %broadcast_in_dim3A_1124 = vector.broadcast %jit3A_1123 : f32 to vector<256x128xf32>
    %select_n3A_1125 = arith.select %eq3A_1116, %broadcast_in_dim3A_1124, %select_n3A_1103 : vector<256x128xi1>, vector<256x128xf32>
    %reduce_max3A_1126 = arith.constant dense<0xFF800000> : vector<256xf32>
    %reduce_max3A_1127 = vector.multi_reduction <maximumf>, %select_n3A_1117, %reduce_max3A_1126 [1] : vector<256x128xf32> to vector<256xf32>
    %broadcast_in_dim3A_1128 = vector.shape_cast %reduce_max3A_1127 : vector<256xf32> to vector<256x1xf32>
    %eq3A_1129 = vector.broadcast %broadcast_in_dim3A_1128 : vector<256x1xf32> to vector<256x128xf32>
    %eq3A_1130 = arith.cmpf oeq, %select_n3A_1117, %eq3A_1129 : vector<256x128xf32>
    %jit3A_1131 = arith.constant 2.048000e+03 : f32
    %broadcast_in_dim3A_1132 = vector.broadcast %jit3A_1131 : f32 to vector<256x128xf32>
    %select_n3A_1133 = arith.select %eq3A_1130, %select_n3A_1118, %broadcast_in_dim3A_1132 : vector<256x128xi1>, vector<256x128xf32>
    %reduce_min3A_1134 = arith.constant dense<0x7F800000> : vector<256xf32>
    %reduce_min3A_1135 = vector.multi_reduction <minimumf>, %select_n3A_1133, %reduce_min3A_1134 [1] : vector<256x128xf32> to vector<256xf32>
    %broadcast_in_dim3A_1136 = vector.shape_cast %reduce_min3A_1135 : vector<256xf32> to vector<256x1xf32>
    %eq3A_1137 = vector.broadcast %broadcast_in_dim3A_1136 : vector<256x1xf32> to vector<256x128xf32>
    %eq3A_1138 = arith.cmpf oeq, %select_n3A_1133, %eq3A_1137 : vector<256x128xf32>
    %select_n3A_1139 = arith.select %eq3A_1138, %select_n3A_1119, %select_n3A_1117 : vector<256x128xi1>, vector<256x128xf32>
    %select_n3A_1140 = arith.select %eq3A_1138, %select_n3A_1120, %select_n3A_1118 : vector<256x128xi1>, vector<256x128xf32>
    %select_n3A_1141 = arith.select %eq3A_1138, %select_n3A_1121, %select_n3A_1119 : vector<256x128xi1>, vector<256x128xf32>
    %select_n3A_1142 = arith.select %eq3A_1138, %select_n3A_1122, %select_n3A_1120 : vector<256x128xi1>, vector<256x128xf32>
    %select_n3A_1143 = arith.select %eq3A_1138, %select_n3A_1125, %select_n3A_1121 : vector<256x128xi1>, vector<256x128xf32>
    %select_n3A_1144 = arith.select %eq3A_1138, %select_n3A_832, %select_n3A_1122 : vector<256x128xi1>, vector<256x128xf32>
    %jit3A_1145 = arith.constant 0xFF800000 : f32
    %broadcast_in_dim3A_1146 = vector.broadcast %jit3A_1145 : f32 to vector<256x128xf32>
    %select_n3A_1147 = arith.select %eq3A_1138, %broadcast_in_dim3A_1146, %select_n3A_1125 : vector<256x128xi1>, vector<256x128xf32>
    %reduce_max3A_1148 = arith.constant dense<0xFF800000> : vector<256xf32>
    %reduce_max3A_1149 = vector.multi_reduction <maximumf>, %select_n3A_1139, %reduce_max3A_1148 [1] : vector<256x128xf32> to vector<256xf32>
    %broadcast_in_dim3A_1150 = vector.shape_cast %reduce_max3A_1149 : vector<256xf32> to vector<256x1xf32>
    %eq3A_1151 = vector.broadcast %broadcast_in_dim3A_1150 : vector<256x1xf32> to vector<256x128xf32>
    %eq3A_1152 = arith.cmpf oeq, %select_n3A_1139, %eq3A_1151 : vector<256x128xf32>
    %jit3A_1153 = arith.constant 2.048000e+03 : f32
    %broadcast_in_dim3A_1154 = vector.broadcast %jit3A_1153 : f32 to vector<256x128xf32>
    %select_n3A_1155 = arith.select %eq3A_1152, %select_n3A_1140, %broadcast_in_dim3A_1154 : vector<256x128xi1>, vector<256x128xf32>
    %reduce_min3A_1156 = arith.constant dense<0x7F800000> : vector<256xf32>
    %reduce_min3A_1157 = vector.multi_reduction <minimumf>, %select_n3A_1155, %reduce_min3A_1156 [1] : vector<256x128xf32> to vector<256xf32>
    %broadcast_in_dim3A_1158 = vector.shape_cast %reduce_min3A_1157 : vector<256xf32> to vector<256x1xf32>
    %eq3A_1159 = vector.broadcast %broadcast_in_dim3A_1158 : vector<256x1xf32> to vector<256x128xf32>
    %eq3A_1160 = arith.cmpf oeq, %select_n3A_1155, %eq3A_1159 : vector<256x128xf32>
    %select_n3A_1161 = arith.select %eq3A_1160, %select_n3A_1141, %select_n3A_1139 : vector<256x128xi1>, vector<256x128xf32>
    %select_n3A_1162 = arith.select %eq3A_1160, %select_n3A_1142, %select_n3A_1140 : vector<256x128xi1>, vector<256x128xf32>
    %select_n3A_1163 = arith.select %eq3A_1160, %select_n3A_1143, %select_n3A_1141 : vector<256x128xi1>, vector<256x128xf32>
    %select_n3A_1164 = arith.select %eq3A_1160, %select_n3A_1144, %select_n3A_1142 : vector<256x128xi1>, vector<256x128xf32>
    %select_n3A_1165 = arith.select %eq3A_1160, %select_n3A_1147, %select_n3A_1143 : vector<256x128xi1>, vector<256x128xf32>
    %select_n3A_1166 = arith.select %eq3A_1160, %select_n3A_832, %select_n3A_1144 : vector<256x128xi1>, vector<256x128xf32>
    %jit3A_1167 = arith.constant 0xFF800000 : f32
    %broadcast_in_dim3A_1168 = vector.broadcast %jit3A_1167 : f32 to vector<256x128xf32>
    %select_n3A_1169 = arith.select %eq3A_1160, %broadcast_in_dim3A_1168, %select_n3A_1147 : vector<256x128xi1>, vector<256x128xf32>
    %reduce_max3A_1170 = arith.constant dense<0xFF800000> : vector<256xf32>
    %reduce_max3A_1171 = vector.multi_reduction <maximumf>, %select_n3A_1161, %reduce_max3A_1170 [1] : vector<256x128xf32> to vector<256xf32>
    %broadcast_in_dim3A_1172 = vector.shape_cast %reduce_max3A_1171 : vector<256xf32> to vector<256x1xf32>
    %eq3A_1173 = vector.broadcast %broadcast_in_dim3A_1172 : vector<256x1xf32> to vector<256x128xf32>
    %eq3A_1174 = arith.cmpf oeq, %select_n3A_1161, %eq3A_1173 : vector<256x128xf32>
    %jit3A_1175 = arith.constant 2.048000e+03 : f32
    %broadcast_in_dim3A_1176 = vector.broadcast %jit3A_1175 : f32 to vector<256x128xf32>
    %select_n3A_1177 = arith.select %eq3A_1174, %select_n3A_1162, %broadcast_in_dim3A_1176 : vector<256x128xi1>, vector<256x128xf32>
    %reduce_min3A_1178 = arith.constant dense<0x7F800000> : vector<256xf32>
    %reduce_min3A_1179 = vector.multi_reduction <minimumf>, %select_n3A_1177, %reduce_min3A_1178 [1] : vector<256x128xf32> to vector<256xf32>
    %broadcast_in_dim3A_1180 = vector.shape_cast %reduce_min3A_1179 : vector<256xf32> to vector<256x1xf32>
    %eq3A_1181 = vector.broadcast %broadcast_in_dim3A_1180 : vector<256x1xf32> to vector<256x128xf32>
    %eq3A_1182 = arith.cmpf oeq, %select_n3A_1177, %eq3A_1181 : vector<256x128xf32>
    %select_n3A_1183 = arith.select %eq3A_1182, %select_n3A_1163, %select_n3A_1161 : vector<256x128xi1>, vector<256x128xf32>
    %select_n3A_1184 = arith.select %eq3A_1182, %select_n3A_1164, %select_n3A_1162 : vector<256x128xi1>, vector<256x128xf32>
    %select_n3A_1185 = arith.select %eq3A_1182, %select_n3A_1165, %select_n3A_1163 : vector<256x128xi1>, vector<256x128xf32>
    %select_n3A_1186 = arith.select %eq3A_1182, %select_n3A_1166, %select_n3A_1164 : vector<256x128xi1>, vector<256x128xf32>
    %select_n3A_1187 = arith.select %eq3A_1182, %select_n3A_1169, %select_n3A_1165 : vector<256x128xi1>, vector<256x128xf32>
    %select_n3A_1188 = arith.select %eq3A_1182, %select_n3A_832, %select_n3A_1166 : vector<256x128xi1>, vector<256x128xf32>
    %jit3A_1189 = arith.constant 0xFF800000 : f32
    %broadcast_in_dim3A_1190 = vector.broadcast %jit3A_1189 : f32 to vector<256x128xf32>
    %select_n3A_1191 = arith.select %eq3A_1182, %broadcast_in_dim3A_1190, %select_n3A_1169 : vector<256x128xi1>, vector<256x128xf32>
    %reduce_max3A_1192 = arith.constant dense<0xFF800000> : vector<256xf32>
    %reduce_max3A_1193 = vector.multi_reduction <maximumf>, %select_n3A_1183, %reduce_max3A_1192 [1] : vector<256x128xf32> to vector<256xf32>
    %broadcast_in_dim3A_1194 = vector.shape_cast %reduce_max3A_1193 : vector<256xf32> to vector<256x1xf32>
    %eq3A_1195 = vector.broadcast %broadcast_in_dim3A_1194 : vector<256x1xf32> to vector<256x128xf32>
    %eq3A_1196 = arith.cmpf oeq, %select_n3A_1183, %eq3A_1195 : vector<256x128xf32>
    %jit3A_1197 = arith.constant 2.048000e+03 : f32
    %broadcast_in_dim3A_1198 = vector.broadcast %jit3A_1197 : f32 to vector<256x128xf32>
    %select_n3A_1199 = arith.select %eq3A_1196, %select_n3A_1184, %broadcast_in_dim3A_1198 : vector<256x128xi1>, vector<256x128xf32>
    %reduce_min3A_1200 = arith.constant dense<0x7F800000> : vector<256xf32>
    %reduce_min3A_1201 = vector.multi_reduction <minimumf>, %select_n3A_1199, %reduce_min3A_1200 [1] : vector<256x128xf32> to vector<256xf32>
    %broadcast_in_dim3A_1202 = vector.shape_cast %reduce_min3A_1201 : vector<256xf32> to vector<256x1xf32>
    %eq3A_1203 = vector.broadcast %broadcast_in_dim3A_1202 : vector<256x1xf32> to vector<256x128xf32>
    %eq3A_1204 = arith.cmpf oeq, %select_n3A_1199, %eq3A_1203 : vector<256x128xf32>
    %select_n3A_1205 = arith.select %eq3A_1204, %select_n3A_1185, %select_n3A_1183 : vector<256x128xi1>, vector<256x128xf32>
    %select_n3A_1206 = arith.select %eq3A_1204, %select_n3A_1186, %select_n3A_1184 : vector<256x128xi1>, vector<256x128xf32>
    %select_n3A_1207 = arith.select %eq3A_1204, %select_n3A_1187, %select_n3A_1185 : vector<256x128xi1>, vector<256x128xf32>
    %select_n3A_1208 = arith.select %eq3A_1204, %select_n3A_1188, %select_n3A_1186 : vector<256x128xi1>, vector<256x128xf32>
    %select_n3A_1209 = arith.select %eq3A_1204, %select_n3A_1191, %select_n3A_1187 : vector<256x128xi1>, vector<256x128xf32>
    %select_n3A_1210 = arith.select %eq3A_1204, %select_n3A_832, %select_n3A_1188 : vector<256x128xi1>, vector<256x128xf32>
    %reduce_max3A_1211 = arith.constant dense<0xFF800000> : vector<256xf32>
    %reduce_max3A_1212 = vector.multi_reduction <maximumf>, %select_n3A_1205, %reduce_max3A_1211 [1] : vector<256x128xf32> to vector<256xf32>
    %broadcast_in_dim3A_1213 = vector.shape_cast %reduce_max3A_1212 : vector<256xf32> to vector<256x1xf32>
    %eq3A_1214 = vector.broadcast %broadcast_in_dim3A_1213 : vector<256x1xf32> to vector<256x128xf32>
    %eq3A_1215 = arith.cmpf oeq, %select_n3A_1205, %eq3A_1214 : vector<256x128xf32>
    %jit3A_1216 = arith.constant 2.048000e+03 : f32
    %broadcast_in_dim3A_1217 = vector.broadcast %jit3A_1216 : f32 to vector<256x128xf32>
    %select_n3A_1218 = arith.select %eq3A_1215, %select_n3A_1206, %broadcast_in_dim3A_1217 : vector<256x128xi1>, vector<256x128xf32>
    %reduce_min3A_1219 = arith.constant dense<0x7F800000> : vector<256xf32>
    %reduce_min3A_1220 = vector.multi_reduction <minimumf>, %select_n3A_1218, %reduce_min3A_1219 [1] : vector<256x128xf32> to vector<256xf32>
    %broadcast_in_dim3A_1221 = vector.shape_cast %reduce_min3A_1220 : vector<256xf32> to vector<256x1xf32>
    %eq3A_1222 = vector.broadcast %broadcast_in_dim3A_1221 : vector<256x1xf32> to vector<256x128xf32>
    %eq3A_1223 = arith.cmpf oeq, %select_n3A_1218, %eq3A_1222 : vector<256x128xf32>
    %select_n3A_1224 = arith.select %eq3A_1223, %select_n3A_1207, %select_n3A_1205 : vector<256x128xi1>, vector<256x128xf32>
    %select_n3A_1225 = arith.select %eq3A_1223, %select_n3A_1208, %select_n3A_1206 : vector<256x128xi1>, vector<256x128xf32>
    %select_n3A_1226 = arith.select %eq3A_1223, %select_n3A_1209, %select_n3A_1207 : vector<256x128xi1>, vector<256x128xf32>
    %select_n3A_1227 = arith.select %eq3A_1223, %select_n3A_1210, %select_n3A_1208 : vector<256x128xi1>, vector<256x128xf32>
    %reduce_max3A_1228 = arith.constant dense<0xFF800000> : vector<256xf32>
    %reduce_max3A_1229 = vector.multi_reduction <maximumf>, %select_n3A_1224, %reduce_max3A_1228 [1] : vector<256x128xf32> to vector<256xf32>
    %broadcast_in_dim3A_1230 = vector.shape_cast %reduce_max3A_1229 : vector<256xf32> to vector<256x1xf32>
    %eq3A_1231 = vector.broadcast %broadcast_in_dim3A_1230 : vector<256x1xf32> to vector<256x128xf32>
    %eq3A_1232 = arith.cmpf oeq, %select_n3A_1224, %eq3A_1231 : vector<256x128xf32>
    %jit3A_1233 = arith.constant 2.048000e+03 : f32
    %broadcast_in_dim3A_1234 = vector.broadcast %jit3A_1233 : f32 to vector<256x128xf32>
    %select_n3A_1235 = arith.select %eq3A_1232, %select_n3A_1225, %broadcast_in_dim3A_1234 : vector<256x128xi1>, vector<256x128xf32>
    %reduce_min3A_1236 = arith.constant dense<0x7F800000> : vector<256xf32>
    %reduce_min3A_1237 = vector.multi_reduction <minimumf>, %select_n3A_1235, %reduce_min3A_1236 [1] : vector<256x128xf32> to vector<256xf32>
    %broadcast_in_dim3A_1238 = vector.shape_cast %reduce_min3A_1237 : vector<256xf32> to vector<256x1xf32>
    %eq3A_1239 = vector.broadcast %broadcast_in_dim3A_1238 : vector<256x1xf32> to vector<256x128xf32>
    %eq3A_1240 = arith.cmpf oeq, %select_n3A_1235, %eq3A_1239 : vector<256x128xf32>
    %select_n3A_1241 = arith.select %eq3A_1240, %select_n3A_1226, %select_n3A_1224 : vector<256x128xi1>, vector<256x128xf32>
    %select_n3A_1242 = arith.select %eq3A_1240, %select_n3A_1227, %select_n3A_1225 : vector<256x128xi1>, vector<256x128xf32>
    %reduce_max3A_1243 = arith.constant dense<0xFF800000> : vector<256xf32>
    %reduce_max3A_1244 = vector.multi_reduction <maximumf>, %select_n3A_1241, %reduce_max3A_1243 [1] : vector<256x128xf32> to vector<256xf32>
    %broadcast_in_dim3A_1245 = vector.shape_cast %reduce_max3A_1244 : vector<256xf32> to vector<256x1xf32>
    %eq3A_1246 = vector.broadcast %broadcast_in_dim3A_1245 : vector<256x1xf32> to vector<256x128xf32>
    %eq3A_1247 = arith.cmpf oeq, %select_n3A_1241, %eq3A_1246 : vector<256x128xf32>
    %jit3A_1248 = arith.constant 2.048000e+03 : f32
    %broadcast_in_dim3A_1249 = vector.broadcast %jit3A_1248 : f32 to vector<256x128xf32>
    %select_n3A_1250 = arith.select %eq3A_1247, %select_n3A_1242, %broadcast_in_dim3A_1249 : vector<256x128xi1>, vector<256x128xf32>
    %reduce_min3A_1251 = arith.constant dense<0x7F800000> : vector<256xf32>
    %reduce_min3A_1252 = vector.multi_reduction <minimumf>, %select_n3A_1250, %reduce_min3A_1251 [1] : vector<256x128xf32> to vector<256xf32>
    %broadcast_in_dim3A_1253 = vector.shape_cast %reduce_min3A_1252 : vector<256xf32> to vector<256x1xf32>
    %concatenate3A = tpu.concatenate %broadcast_in_dim3A_850, %broadcast_in_dim3A_872, %broadcast_in_dim3A_894, %broadcast_in_dim3A_916, %broadcast_in_dim3A_938, %broadcast_in_dim3A_960, %broadcast_in_dim3A_982, %broadcast_in_dim3A_1004, %broadcast_in_dim3A_1026, %broadcast_in_dim3A_1048, %broadcast_in_dim3A_1070, %broadcast_in_dim3A_1092, %broadcast_in_dim3A_1114, %broadcast_in_dim3A_1136, %broadcast_in_dim3A_1158, %broadcast_in_dim3A_1180, %broadcast_in_dim3A_1202, %broadcast_in_dim3A_1221, %broadcast_in_dim3A_1238, %broadcast_in_dim3A_1253 in 1 : vector<256x1xf32>, vector<256x1xf32>, vector<256x1xf32>, vector<256x1xf32>, vector<256x1xf32>, vector<256x1xf32>, vector<256x1xf32>, vector<256x1xf32>, vector<256x1xf32>, vector<256x1xf32>, vector<256x1xf32>, vector<256x1xf32>, vector<256x1xf32>, vector<256x1xf32>, vector<256x1xf32>, vector<256x1xf32>, vector<256x1xf32>, vector<256x1xf32>, vector<256x1xf32>, vector<256x1xf32> -> vector<256x20xf32>
    %convert_element_type3A_1254 = arith.fptosi %concatenate3A : vector<256x20xf32> to vector<256x20xi32>
    %swap3A_1255 = arith.constant 0 : index
    %swap3A_1256 = arith.constant 0 : index
    %swap3A_1257 = arith.constant 0 : index
    %swap3A_1258 = vector.load %arg7[%swap3A_1255, %swap3A_1256, %swap3A_1257] : memref<1x256x20xi32, #tpu.memory_space<vmem>>, vector<1x256x20xi32>
    %swap3A_1259 = vector.shape_cast %swap3A_1258 : vector<1x256x20xi32> to vector<256x20xi32>
    %swap3A_1260 = vector.shape_cast %convert_element_type3A_1254 : vector<256x20xi32> to vector<1x256x20xi32>
    tpu.vector_store %arg7[%swap3A_1255, %swap3A_1256, %swap3A_1257], %swap3A_1260 {strides = array<i32>} : memref<1x256x20xi32, #tpu.memory_space<vmem>>, vector<1x256x20xi32>,
    return
  }
  func.func @transform_0(%arg0: i32, %arg1: i32) -> (i32, i32, i32) {
    %c0_i32 = arith.constant 0 : i32
    %c0_i32_0 = arith.constant 0 : i32
    return %arg0, %arg1, %c0_i32 : i32, i32, i32
  }
  func.func @transform_1(%arg0: i32, %arg1: i32) -> (i32, i32, i32) {
    %c0_i32 = arith.constant 0 : i32
    %c0_i32_0 = arith.constant 0 : i32
    %c0_i32_1 = arith.constant 0 : i32
    return %arg0, %c0_i32, %c0_i32_0 : i32, i32, i32
  }
  func.func @transform_2(%arg0: i32, %arg1: i32) -> (i32, i32) {
    %c0_i32 = arith.constant 0 : i32
    %c0_i32_0 = arith.constant 0 : i32
    %c0_i32_1 = arith.constant 0 : i32
    return %c0_i32, %c0_i32_0 : i32, i32
  }
  func.func @transform_3(%arg0: i32, %arg1: i32) -> (i32, i32) {
    %c0_i32 = arith.constant 0 : i32
    %c0_i32_0 = arith.constant 0 : i32
    %c0_i32_1 = arith.constant 0 : i32
    return %c0_i32, %c0_i32_0 : i32, i32
  }
  func.func @transform_4(%arg0: i32, %arg1: i32) -> (i32, i32) {
    %c0_i32 = arith.constant 0 : i32
    %c0_i32_0 = arith.constant 0 : i32
    %c0_i32_1 = arith.constant 0 : i32
    return %c0_i32, %c0_i32_0 : i32, i32
  }
  func.func @transform_5(%arg0: i32, %arg1: i32) -> (i32, i32, i32) {
    %c0_i32 = arith.constant 0 : i32
    %c0_i32_0 = arith.constant 0 : i32
    return %arg0, %arg1, %c0_i32 : i32, i32, i32
  }
  func.func @transform_6(%arg0: i32, %arg1: i32) -> (i32, i32, i32) {
    %c0_i32 = arith.constant 0 : i32
    %c0_i32_0 = arith.constant 0 : i32
    return %arg0, %arg1, %c0_i32 : i32, i32, i32
  }
  func.func @transform_7(%arg0: i32, %arg1: i32) -> (i32, i32, i32) {
    %c0_i32 = arith.constant 0 : i32
    %c0_i32_0 = arith.constant 0 : i32
    return %arg0, %arg1, %c0_i32 : i32, i32, i32
  }
}

module attributes {stable_mosaic.version = 14 : i64} {
  func.func @_conv_body(%arg0: i32, %arg1: i32, %arg2: memref<1x20x512x128xf32, #tpu.memory_space<vmem>>, %arg3: memref<1x512x128xf32, #tpu.memory_space<vmem>>, %arg4: memref<128x128xf32, #tpu.memory_space<vmem>>, %arg5: memref<1x128xf32, #tpu.memory_space<vmem>>, %arg6: memref<1x512x128xf32, #tpu.memory_space<vmem>>) attributes {dimension_semantics = [#tpu.dimension_semantics<arbitrary>, #tpu.dimension_semantics<arbitrary>], iteration_bounds = array<i64: 2, 4>, scalar_prefetch = 0 : i64, scratch_operands = 0 : i64, tpu.core_type = #tpu.core_type<tc>, window_params = [{transform_indices = @transform_0, window_bounds = array<i64: 1, 20, 512, 128>}, {transform_indices = @transform_1, window_bounds = array<i64: 1, 512, 128>}, {pipeline_mode = #tpu.pipeline_mode<synchronous>, transform_indices = @transform_2, window_bounds = array<i64: 128, 128>}, {pipeline_mode = #tpu.pipeline_mode<synchronous>, transform_indices = @transform_3, window_bounds = array<i64: 1, 128>}, {transform_indices = @transform_4, window_bounds = array<i64: 1, 512, 128>}]} {
    %get3A = arith.constant 0 : index
    %get3A_0 = arith.constant 0 : index
    %get3A_1 = arith.constant 0 : index
    %get3A_2 = vector.load %arg3[%get3A, %get3A_0, %get3A_1] : memref<1x512x128xf32, #tpu.memory_space<vmem>>, vector<1x512x128xf32>
    %get3A_3 = vector.shape_cast %get3A_2 : vector<1x512x128xf32> to vector<512x128xf32>
    %get3A_4 = arith.constant 0 : index
    %get3A_5 = arith.constant 0 : index
    %get3A_6 = arith.constant 0 : index
    %get3A_7 = arith.constant 0 : index
    %get3A_8 = vector.load %arg2[%get3A_4, %get3A_5, %get3A_6, %get3A_7] : memref<1x20x512x128xf32, #tpu.memory_space<vmem>>, vector<1x1x512x128xf32>
    %get3A_9 = vector.shape_cast %get3A_8 : vector<1x1x512x128xf32> to vector<512x128xf32>
    %add3A = arith.addf %get3A_9, %get3A_3 : vector<512x128xf32>
    %ge3A = arith.constant 0.000000e+00 : f32
    %ge3A_10 = vector.broadcast %ge3A : f32 to vector<512x128xf32>
    %ge3A_11 = arith.cmpf oge, %add3A, %ge3A_10 : vector<512x128xf32>
    %mul3A = arith.constant 2.000000e-01 : f32
    %mul3A_12 = vector.broadcast %mul3A : f32 to vector<512x128xf32>
    %mul3A_13 = arith.mulf %mul3A_12, %add3A : vector<512x128xf32>
    %select_n3A = arith.select %ge3A_11, %add3A, %mul3A_13 : vector<512x128xi1>, vector<512x128xf32>
    %get3A_14 = arith.constant 0 : index
    %get3A_15 = arith.constant 0 : index
    %get3A_16 = vector.load %arg4[%get3A_14, %get3A_15] : memref<128x128xf32, #tpu.memory_space<vmem>>, vector<128x128xf32>
    %dot_general3A = arith.constant dense<0.000000e+00> : vector<512x128xf32>
    %dot_general3A_17 = tpu.matmul %select_n3A, %get3A_16, %dot_general3A {dimension_numbers = #tpu.dot_dimension_numbers<[1], [0], [0], [1], [0, 0, 1, 1], [], []>, transpose_lhs_hint = false} : vector<512x128xf32>, vector<128x128xf32>, vector<512x128xf32> -> vector<512x128xf32>
    %get3A_18 = arith.constant 0 : index
    %get3A_19 = arith.constant 0 : index
    %get3A_20 = vector.load %arg5[%get3A_18, %get3A_19] : memref<1x128xf32, #tpu.memory_space<vmem>>, vector<1x128xf32>
    %add3A_21 = vector.broadcast %get3A_20 : vector<1x128xf32> to vector<512x128xf32>
    %add3A_22 = arith.addf %dot_general3A_17, %add3A_21 : vector<512x128xf32>
    %ge3A_23 = arith.constant 0.000000e+00 : f32
    %ge3A_24 = vector.broadcast %ge3A_23 : f32 to vector<512x128xf32>
    %ge3A_25 = arith.cmpf oge, %add3A_22, %ge3A_24 : vector<512x128xf32>
    %mul3A_26 = arith.constant 2.000000e-01 : f32
    %mul3A_27 = vector.broadcast %mul3A_26 : f32 to vector<512x128xf32>
    %mul3A_28 = arith.mulf %mul3A_27, %add3A_22 : vector<512x128xf32>
    %select_n3A_29 = arith.select %ge3A_25, %add3A_22, %mul3A_28 : vector<512x128xi1>, vector<512x128xf32>
    %get3A_30 = arith.constant 0 : index
    %get3A_31 = arith.constant 1 : index
    %get3A_32 = arith.constant 0 : index
    %get3A_33 = arith.constant 0 : index
    %get3A_34 = vector.load %arg2[%get3A_30, %get3A_31, %get3A_32, %get3A_33] : memref<1x20x512x128xf32, #tpu.memory_space<vmem>>, vector<1x1x512x128xf32>
    %get3A_35 = vector.shape_cast %get3A_34 : vector<1x1x512x128xf32> to vector<512x128xf32>
    %add3A_36 = arith.addf %get3A_35, %get3A_3 : vector<512x128xf32>
    %ge3A_37 = arith.constant 0.000000e+00 : f32
    %ge3A_38 = vector.broadcast %ge3A_37 : f32 to vector<512x128xf32>
    %ge3A_39 = arith.cmpf oge, %add3A_36, %ge3A_38 : vector<512x128xf32>
    %mul3A_40 = arith.constant 2.000000e-01 : f32
    %mul3A_41 = vector.broadcast %mul3A_40 : f32 to vector<512x128xf32>
    %mul3A_42 = arith.mulf %mul3A_41, %add3A_36 : vector<512x128xf32>
    %select_n3A_43 = arith.select %ge3A_39, %add3A_36, %mul3A_42 : vector<512x128xi1>, vector<512x128xf32>
    %get3A_44 = arith.constant 0 : index
    %get3A_45 = arith.constant 0 : index
    %get3A_46 = vector.load %arg4[%get3A_44, %get3A_45] : memref<128x128xf32, #tpu.memory_space<vmem>>, vector<128x128xf32>
    %dot_general3A_47 = arith.constant dense<0.000000e+00> : vector<512x128xf32>
    %dot_general3A_48 = tpu.matmul %select_n3A_43, %get3A_46, %dot_general3A_47 {dimension_numbers = #tpu.dot_dimension_numbers<[1], [0], [0], [1], [0, 0, 1, 1], [], []>, transpose_lhs_hint = false} : vector<512x128xf32>, vector<128x128xf32>, vector<512x128xf32> -> vector<512x128xf32>
    %get3A_49 = arith.constant 0 : index
    %get3A_50 = arith.constant 0 : index
    %get3A_51 = vector.load %arg5[%get3A_49, %get3A_50] : memref<1x128xf32, #tpu.memory_space<vmem>>, vector<1x128xf32>
    %add3A_52 = vector.broadcast %get3A_51 : vector<1x128xf32> to vector<512x128xf32>
    %add3A_53 = arith.addf %dot_general3A_48, %add3A_52 : vector<512x128xf32>
    %ge3A_54 = arith.constant 0.000000e+00 : f32
    %ge3A_55 = vector.broadcast %ge3A_54 : f32 to vector<512x128xf32>
    %ge3A_56 = arith.cmpf oge, %add3A_53, %ge3A_55 : vector<512x128xf32>
    %mul3A_57 = arith.constant 2.000000e-01 : f32
    %mul3A_58 = vector.broadcast %mul3A_57 : f32 to vector<512x128xf32>
    %mul3A_59 = arith.mulf %mul3A_58, %add3A_53 : vector<512x128xf32>
    %select_n3A_60 = arith.select %ge3A_56, %add3A_53, %mul3A_59 : vector<512x128xi1>, vector<512x128xf32>
    %max3A = arith.maximumf %select_n3A_29, %select_n3A_60 : vector<512x128xf32>
    %get3A_61 = arith.constant 0 : index
    %get3A_62 = arith.constant 2 : index
    %get3A_63 = arith.constant 0 : index
    %get3A_64 = arith.constant 0 : index
    %get3A_65 = vector.load %arg2[%get3A_61, %get3A_62, %get3A_63, %get3A_64] : memref<1x20x512x128xf32, #tpu.memory_space<vmem>>, vector<1x1x512x128xf32>
    %get3A_66 = vector.shape_cast %get3A_65 : vector<1x1x512x128xf32> to vector<512x128xf32>
    %add3A_67 = arith.addf %get3A_66, %get3A_3 : vector<512x128xf32>
    %ge3A_68 = arith.constant 0.000000e+00 : f32
    %ge3A_69 = vector.broadcast %ge3A_68 : f32 to vector<512x128xf32>
    %ge3A_70 = arith.cmpf oge, %add3A_67, %ge3A_69 : vector<512x128xf32>
    %mul3A_71 = arith.constant 2.000000e-01 : f32
    %mul3A_72 = vector.broadcast %mul3A_71 : f32 to vector<512x128xf32>
    %mul3A_73 = arith.mulf %mul3A_72, %add3A_67 : vector<512x128xf32>
    %select_n3A_74 = arith.select %ge3A_70, %add3A_67, %mul3A_73 : vector<512x128xi1>, vector<512x128xf32>
    %get3A_75 = arith.constant 0 : index
    %get3A_76 = arith.constant 0 : index
    %get3A_77 = vector.load %arg4[%get3A_75, %get3A_76] : memref<128x128xf32, #tpu.memory_space<vmem>>, vector<128x128xf32>
    %dot_general3A_78 = arith.constant dense<0.000000e+00> : vector<512x128xf32>
    %dot_general3A_79 = tpu.matmul %select_n3A_74, %get3A_77, %dot_general3A_78 {dimension_numbers = #tpu.dot_dimension_numbers<[1], [0], [0], [1], [0, 0, 1, 1], [], []>, transpose_lhs_hint = false} : vector<512x128xf32>, vector<128x128xf32>, vector<512x128xf32> -> vector<512x128xf32>
    %get3A_80 = arith.constant 0 : index
    %get3A_81 = arith.constant 0 : index
    %get3A_82 = vector.load %arg5[%get3A_80, %get3A_81] : memref<1x128xf32, #tpu.memory_space<vmem>>, vector<1x128xf32>
    %add3A_83 = vector.broadcast %get3A_82 : vector<1x128xf32> to vector<512x128xf32>
    %add3A_84 = arith.addf %dot_general3A_79, %add3A_83 : vector<512x128xf32>
    %ge3A_85 = arith.constant 0.000000e+00 : f32
    %ge3A_86 = vector.broadcast %ge3A_85 : f32 to vector<512x128xf32>
    %ge3A_87 = arith.cmpf oge, %add3A_84, %ge3A_86 : vector<512x128xf32>
    %mul3A_88 = arith.constant 2.000000e-01 : f32
    %mul3A_89 = vector.broadcast %mul3A_88 : f32 to vector<512x128xf32>
    %mul3A_90 = arith.mulf %mul3A_89, %add3A_84 : vector<512x128xf32>
    %select_n3A_91 = arith.select %ge3A_87, %add3A_84, %mul3A_90 : vector<512x128xi1>, vector<512x128xf32>
    %max3A_92 = arith.maximumf %max3A, %select_n3A_91 : vector<512x128xf32>
    %get3A_93 = arith.constant 0 : index
    %get3A_94 = arith.constant 3 : index
    %get3A_95 = arith.constant 0 : index
    %get3A_96 = arith.constant 0 : index
    %get3A_97 = vector.load %arg2[%get3A_93, %get3A_94, %get3A_95, %get3A_96] : memref<1x20x512x128xf32, #tpu.memory_space<vmem>>, vector<1x1x512x128xf32>
    %get3A_98 = vector.shape_cast %get3A_97 : vector<1x1x512x128xf32> to vector<512x128xf32>
    %add3A_99 = arith.addf %get3A_98, %get3A_3 : vector<512x128xf32>
    %ge3A_100 = arith.constant 0.000000e+00 : f32
    %ge3A_101 = vector.broadcast %ge3A_100 : f32 to vector<512x128xf32>
    %ge3A_102 = arith.cmpf oge, %add3A_99, %ge3A_101 : vector<512x128xf32>
    %mul3A_103 = arith.constant 2.000000e-01 : f32
    %mul3A_104 = vector.broadcast %mul3A_103 : f32 to vector<512x128xf32>
    %mul3A_105 = arith.mulf %mul3A_104, %add3A_99 : vector<512x128xf32>
    %select_n3A_106 = arith.select %ge3A_102, %add3A_99, %mul3A_105 : vector<512x128xi1>, vector<512x128xf32>
    %get3A_107 = arith.constant 0 : index
    %get3A_108 = arith.constant 0 : index
    %get3A_109 = vector.load %arg4[%get3A_107, %get3A_108] : memref<128x128xf32, #tpu.memory_space<vmem>>, vector<128x128xf32>
    %dot_general3A_110 = arith.constant dense<0.000000e+00> : vector<512x128xf32>
    %dot_general3A_111 = tpu.matmul %select_n3A_106, %get3A_109, %dot_general3A_110 {dimension_numbers = #tpu.dot_dimension_numbers<[1], [0], [0], [1], [0, 0, 1, 1], [], []>, transpose_lhs_hint = false} : vector<512x128xf32>, vector<128x128xf32>, vector<512x128xf32> -> vector<512x128xf32>
    %get3A_112 = arith.constant 0 : index
    %get3A_113 = arith.constant 0 : index
    %get3A_114 = vector.load %arg5[%get3A_112, %get3A_113] : memref<1x128xf32, #tpu.memory_space<vmem>>, vector<1x128xf32>
    %add3A_115 = vector.broadcast %get3A_114 : vector<1x128xf32> to vector<512x128xf32>
    %add3A_116 = arith.addf %dot_general3A_111, %add3A_115 : vector<512x128xf32>
    %ge3A_117 = arith.constant 0.000000e+00 : f32
    %ge3A_118 = vector.broadcast %ge3A_117 : f32 to vector<512x128xf32>
    %ge3A_119 = arith.cmpf oge, %add3A_116, %ge3A_118 : vector<512x128xf32>
    %mul3A_120 = arith.constant 2.000000e-01 : f32
    %mul3A_121 = vector.broadcast %mul3A_120 : f32 to vector<512x128xf32>
    %mul3A_122 = arith.mulf %mul3A_121, %add3A_116 : vector<512x128xf32>
    %select_n3A_123 = arith.select %ge3A_119, %add3A_116, %mul3A_122 : vector<512x128xi1>, vector<512x128xf32>
    %max3A_124 = arith.maximumf %max3A_92, %select_n3A_123 : vector<512x128xf32>
    %get3A_125 = arith.constant 0 : index
    %get3A_126 = arith.constant 4 : index
    %get3A_127 = arith.constant 0 : index
    %get3A_128 = arith.constant 0 : index
    %get3A_129 = vector.load %arg2[%get3A_125, %get3A_126, %get3A_127, %get3A_128] : memref<1x20x512x128xf32, #tpu.memory_space<vmem>>, vector<1x1x512x128xf32>
    %get3A_130 = vector.shape_cast %get3A_129 : vector<1x1x512x128xf32> to vector<512x128xf32>
    %add3A_131 = arith.addf %get3A_130, %get3A_3 : vector<512x128xf32>
    %ge3A_132 = arith.constant 0.000000e+00 : f32
    %ge3A_133 = vector.broadcast %ge3A_132 : f32 to vector<512x128xf32>
    %ge3A_134 = arith.cmpf oge, %add3A_131, %ge3A_133 : vector<512x128xf32>
    %mul3A_135 = arith.constant 2.000000e-01 : f32
    %mul3A_136 = vector.broadcast %mul3A_135 : f32 to vector<512x128xf32>
    %mul3A_137 = arith.mulf %mul3A_136, %add3A_131 : vector<512x128xf32>
    %select_n3A_138 = arith.select %ge3A_134, %add3A_131, %mul3A_137 : vector<512x128xi1>, vector<512x128xf32>
    %get3A_139 = arith.constant 0 : index
    %get3A_140 = arith.constant 0 : index
    %get3A_141 = vector.load %arg4[%get3A_139, %get3A_140] : memref<128x128xf32, #tpu.memory_space<vmem>>, vector<128x128xf32>
    %dot_general3A_142 = arith.constant dense<0.000000e+00> : vector<512x128xf32>
    %dot_general3A_143 = tpu.matmul %select_n3A_138, %get3A_141, %dot_general3A_142 {dimension_numbers = #tpu.dot_dimension_numbers<[1], [0], [0], [1], [0, 0, 1, 1], [], []>, transpose_lhs_hint = false} : vector<512x128xf32>, vector<128x128xf32>, vector<512x128xf32> -> vector<512x128xf32>
    %get3A_144 = arith.constant 0 : index
    %get3A_145 = arith.constant 0 : index
    %get3A_146 = vector.load %arg5[%get3A_144, %get3A_145] : memref<1x128xf32, #tpu.memory_space<vmem>>, vector<1x128xf32>
    %add3A_147 = vector.broadcast %get3A_146 : vector<1x128xf32> to vector<512x128xf32>
    %add3A_148 = arith.addf %dot_general3A_143, %add3A_147 : vector<512x128xf32>
    %ge3A_149 = arith.constant 0.000000e+00 : f32
    %ge3A_150 = vector.broadcast %ge3A_149 : f32 to vector<512x128xf32>
    %ge3A_151 = arith.cmpf oge, %add3A_148, %ge3A_150 : vector<512x128xf32>
    %mul3A_152 = arith.constant 2.000000e-01 : f32
    %mul3A_153 = vector.broadcast %mul3A_152 : f32 to vector<512x128xf32>
    %mul3A_154 = arith.mulf %mul3A_153, %add3A_148 : vector<512x128xf32>
    %select_n3A_155 = arith.select %ge3A_151, %add3A_148, %mul3A_154 : vector<512x128xi1>, vector<512x128xf32>
    %max3A_156 = arith.maximumf %max3A_124, %select_n3A_155 : vector<512x128xf32>
    %get3A_157 = arith.constant 0 : index
    %get3A_158 = arith.constant 5 : index
    %get3A_159 = arith.constant 0 : index
    %get3A_160 = arith.constant 0 : index
    %get3A_161 = vector.load %arg2[%get3A_157, %get3A_158, %get3A_159, %get3A_160] : memref<1x20x512x128xf32, #tpu.memory_space<vmem>>, vector<1x1x512x128xf32>
    %get3A_162 = vector.shape_cast %get3A_161 : vector<1x1x512x128xf32> to vector<512x128xf32>
    %add3A_163 = arith.addf %get3A_162, %get3A_3 : vector<512x128xf32>
    %ge3A_164 = arith.constant 0.000000e+00 : f32
    %ge3A_165 = vector.broadcast %ge3A_164 : f32 to vector<512x128xf32>
    %ge3A_166 = arith.cmpf oge, %add3A_163, %ge3A_165 : vector<512x128xf32>
    %mul3A_167 = arith.constant 2.000000e-01 : f32
    %mul3A_168 = vector.broadcast %mul3A_167 : f32 to vector<512x128xf32>
    %mul3A_169 = arith.mulf %mul3A_168, %add3A_163 : vector<512x128xf32>
    %select_n3A_170 = arith.select %ge3A_166, %add3A_163, %mul3A_169 : vector<512x128xi1>, vector<512x128xf32>
    %get3A_171 = arith.constant 0 : index
    %get3A_172 = arith.constant 0 : index
    %get3A_173 = vector.load %arg4[%get3A_171, %get3A_172] : memref<128x128xf32, #tpu.memory_space<vmem>>, vector<128x128xf32>
    %dot_general3A_174 = arith.constant dense<0.000000e+00> : vector<512x128xf32>
    %dot_general3A_175 = tpu.matmul %select_n3A_170, %get3A_173, %dot_general3A_174 {dimension_numbers = #tpu.dot_dimension_numbers<[1], [0], [0], [1], [0, 0, 1, 1], [], []>, transpose_lhs_hint = false} : vector<512x128xf32>, vector<128x128xf32>, vector<512x128xf32> -> vector<512x128xf32>
    %get3A_176 = arith.constant 0 : index
    %get3A_177 = arith.constant 0 : index
    %get3A_178 = vector.load %arg5[%get3A_176, %get3A_177] : memref<1x128xf32, #tpu.memory_space<vmem>>, vector<1x128xf32>
    %add3A_179 = vector.broadcast %get3A_178 : vector<1x128xf32> to vector<512x128xf32>
    %add3A_180 = arith.addf %dot_general3A_175, %add3A_179 : vector<512x128xf32>
    %ge3A_181 = arith.constant 0.000000e+00 : f32
    %ge3A_182 = vector.broadcast %ge3A_181 : f32 to vector<512x128xf32>
    %ge3A_183 = arith.cmpf oge, %add3A_180, %ge3A_182 : vector<512x128xf32>
    %mul3A_184 = arith.constant 2.000000e-01 : f32
    %mul3A_185 = vector.broadcast %mul3A_184 : f32 to vector<512x128xf32>
    %mul3A_186 = arith.mulf %mul3A_185, %add3A_180 : vector<512x128xf32>
    %select_n3A_187 = arith.select %ge3A_183, %add3A_180, %mul3A_186 : vector<512x128xi1>, vector<512x128xf32>
    %max3A_188 = arith.maximumf %max3A_156, %select_n3A_187 : vector<512x128xf32>
    %get3A_189 = arith.constant 0 : index
    %get3A_190 = arith.constant 6 : index
    %get3A_191 = arith.constant 0 : index
    %get3A_192 = arith.constant 0 : index
    %get3A_193 = vector.load %arg2[%get3A_189, %get3A_190, %get3A_191, %get3A_192] : memref<1x20x512x128xf32, #tpu.memory_space<vmem>>, vector<1x1x512x128xf32>
    %get3A_194 = vector.shape_cast %get3A_193 : vector<1x1x512x128xf32> to vector<512x128xf32>
    %add3A_195 = arith.addf %get3A_194, %get3A_3 : vector<512x128xf32>
    %ge3A_196 = arith.constant 0.000000e+00 : f32
    %ge3A_197 = vector.broadcast %ge3A_196 : f32 to vector<512x128xf32>
    %ge3A_198 = arith.cmpf oge, %add3A_195, %ge3A_197 : vector<512x128xf32>
    %mul3A_199 = arith.constant 2.000000e-01 : f32
    %mul3A_200 = vector.broadcast %mul3A_199 : f32 to vector<512x128xf32>
    %mul3A_201 = arith.mulf %mul3A_200, %add3A_195 : vector<512x128xf32>
    %select_n3A_202 = arith.select %ge3A_198, %add3A_195, %mul3A_201 : vector<512x128xi1>, vector<512x128xf32>
    %get3A_203 = arith.constant 0 : index
    %get3A_204 = arith.constant 0 : index
    %get3A_205 = vector.load %arg4[%get3A_203, %get3A_204] : memref<128x128xf32, #tpu.memory_space<vmem>>, vector<128x128xf32>
    %dot_general3A_206 = arith.constant dense<0.000000e+00> : vector<512x128xf32>
    %dot_general3A_207 = tpu.matmul %select_n3A_202, %get3A_205, %dot_general3A_206 {dimension_numbers = #tpu.dot_dimension_numbers<[1], [0], [0], [1], [0, 0, 1, 1], [], []>, transpose_lhs_hint = false} : vector<512x128xf32>, vector<128x128xf32>, vector<512x128xf32> -> vector<512x128xf32>
    %get3A_208 = arith.constant 0 : index
    %get3A_209 = arith.constant 0 : index
    %get3A_210 = vector.load %arg5[%get3A_208, %get3A_209] : memref<1x128xf32, #tpu.memory_space<vmem>>, vector<1x128xf32>
    %add3A_211 = vector.broadcast %get3A_210 : vector<1x128xf32> to vector<512x128xf32>
    %add3A_212 = arith.addf %dot_general3A_207, %add3A_211 : vector<512x128xf32>
    %ge3A_213 = arith.constant 0.000000e+00 : f32
    %ge3A_214 = vector.broadcast %ge3A_213 : f32 to vector<512x128xf32>
    %ge3A_215 = arith.cmpf oge, %add3A_212, %ge3A_214 : vector<512x128xf32>
    %mul3A_216 = arith.constant 2.000000e-01 : f32
    %mul3A_217 = vector.broadcast %mul3A_216 : f32 to vector<512x128xf32>
    %mul3A_218 = arith.mulf %mul3A_217, %add3A_212 : vector<512x128xf32>
    %select_n3A_219 = arith.select %ge3A_215, %add3A_212, %mul3A_218 : vector<512x128xi1>, vector<512x128xf32>
    %max3A_220 = arith.maximumf %max3A_188, %select_n3A_219 : vector<512x128xf32>
    %get3A_221 = arith.constant 0 : index
    %get3A_222 = arith.constant 7 : index
    %get3A_223 = arith.constant 0 : index
    %get3A_224 = arith.constant 0 : index
    %get3A_225 = vector.load %arg2[%get3A_221, %get3A_222, %get3A_223, %get3A_224] : memref<1x20x512x128xf32, #tpu.memory_space<vmem>>, vector<1x1x512x128xf32>
    %get3A_226 = vector.shape_cast %get3A_225 : vector<1x1x512x128xf32> to vector<512x128xf32>
    %add3A_227 = arith.addf %get3A_226, %get3A_3 : vector<512x128xf32>
    %ge3A_228 = arith.constant 0.000000e+00 : f32
    %ge3A_229 = vector.broadcast %ge3A_228 : f32 to vector<512x128xf32>
    %ge3A_230 = arith.cmpf oge, %add3A_227, %ge3A_229 : vector<512x128xf32>
    %mul3A_231 = arith.constant 2.000000e-01 : f32
    %mul3A_232 = vector.broadcast %mul3A_231 : f32 to vector<512x128xf32>
    %mul3A_233 = arith.mulf %mul3A_232, %add3A_227 : vector<512x128xf32>
    %select_n3A_234 = arith.select %ge3A_230, %add3A_227, %mul3A_233 : vector<512x128xi1>, vector<512x128xf32>
    %get3A_235 = arith.constant 0 : index
    %get3A_236 = arith.constant 0 : index
    %get3A_237 = vector.load %arg4[%get3A_235, %get3A_236] : memref<128x128xf32, #tpu.memory_space<vmem>>, vector<128x128xf32>
    %dot_general3A_238 = arith.constant dense<0.000000e+00> : vector<512x128xf32>
    %dot_general3A_239 = tpu.matmul %select_n3A_234, %get3A_237, %dot_general3A_238 {dimension_numbers = #tpu.dot_dimension_numbers<[1], [0], [0], [1], [0, 0, 1, 1], [], []>, transpose_lhs_hint = false} : vector<512x128xf32>, vector<128x128xf32>, vector<512x128xf32> -> vector<512x128xf32>
    %get3A_240 = arith.constant 0 : index
    %get3A_241 = arith.constant 0 : index
    %get3A_242 = vector.load %arg5[%get3A_240, %get3A_241] : memref<1x128xf32, #tpu.memory_space<vmem>>, vector<1x128xf32>
    %add3A_243 = vector.broadcast %get3A_242 : vector<1x128xf32> to vector<512x128xf32>
    %add3A_244 = arith.addf %dot_general3A_239, %add3A_243 : vector<512x128xf32>
    %ge3A_245 = arith.constant 0.000000e+00 : f32
    %ge3A_246 = vector.broadcast %ge3A_245 : f32 to vector<512x128xf32>
    %ge3A_247 = arith.cmpf oge, %add3A_244, %ge3A_246 : vector<512x128xf32>
    %mul3A_248 = arith.constant 2.000000e-01 : f32
    %mul3A_249 = vector.broadcast %mul3A_248 : f32 to vector<512x128xf32>
    %mul3A_250 = arith.mulf %mul3A_249, %add3A_244 : vector<512x128xf32>
    %select_n3A_251 = arith.select %ge3A_247, %add3A_244, %mul3A_250 : vector<512x128xi1>, vector<512x128xf32>
    %max3A_252 = arith.maximumf %max3A_220, %select_n3A_251 : vector<512x128xf32>
    %get3A_253 = arith.constant 0 : index
    %get3A_254 = arith.constant 8 : index
    %get3A_255 = arith.constant 0 : index
    %get3A_256 = arith.constant 0 : index
    %get3A_257 = vector.load %arg2[%get3A_253, %get3A_254, %get3A_255, %get3A_256] : memref<1x20x512x128xf32, #tpu.memory_space<vmem>>, vector<1x1x512x128xf32>
    %get3A_258 = vector.shape_cast %get3A_257 : vector<1x1x512x128xf32> to vector<512x128xf32>
    %add3A_259 = arith.addf %get3A_258, %get3A_3 : vector<512x128xf32>
    %ge3A_260 = arith.constant 0.000000e+00 : f32
    %ge3A_261 = vector.broadcast %ge3A_260 : f32 to vector<512x128xf32>
    %ge3A_262 = arith.cmpf oge, %add3A_259, %ge3A_261 : vector<512x128xf32>
    %mul3A_263 = arith.constant 2.000000e-01 : f32
    %mul3A_264 = vector.broadcast %mul3A_263 : f32 to vector<512x128xf32>
    %mul3A_265 = arith.mulf %mul3A_264, %add3A_259 : vector<512x128xf32>
    %select_n3A_266 = arith.select %ge3A_262, %add3A_259, %mul3A_265 : vector<512x128xi1>, vector<512x128xf32>
    %get3A_267 = arith.constant 0 : index
    %get3A_268 = arith.constant 0 : index
    %get3A_269 = vector.load %arg4[%get3A_267, %get3A_268] : memref<128x128xf32, #tpu.memory_space<vmem>>, vector<128x128xf32>
    %dot_general3A_270 = arith.constant dense<0.000000e+00> : vector<512x128xf32>
    %dot_general3A_271 = tpu.matmul %select_n3A_266, %get3A_269, %dot_general3A_270 {dimension_numbers = #tpu.dot_dimension_numbers<[1], [0], [0], [1], [0, 0, 1, 1], [], []>, transpose_lhs_hint = false} : vector<512x128xf32>, vector<128x128xf32>, vector<512x128xf32> -> vector<512x128xf32>
    %get3A_272 = arith.constant 0 : index
    %get3A_273 = arith.constant 0 : index
    %get3A_274 = vector.load %arg5[%get3A_272, %get3A_273] : memref<1x128xf32, #tpu.memory_space<vmem>>, vector<1x128xf32>
    %add3A_275 = vector.broadcast %get3A_274 : vector<1x128xf32> to vector<512x128xf32>
    %add3A_276 = arith.addf %dot_general3A_271, %add3A_275 : vector<512x128xf32>
    %ge3A_277 = arith.constant 0.000000e+00 : f32
    %ge3A_278 = vector.broadcast %ge3A_277 : f32 to vector<512x128xf32>
    %ge3A_279 = arith.cmpf oge, %add3A_276, %ge3A_278 : vector<512x128xf32>
    %mul3A_280 = arith.constant 2.000000e-01 : f32
    %mul3A_281 = vector.broadcast %mul3A_280 : f32 to vector<512x128xf32>
    %mul3A_282 = arith.mulf %mul3A_281, %add3A_276 : vector<512x128xf32>
    %select_n3A_283 = arith.select %ge3A_279, %add3A_276, %mul3A_282 : vector<512x128xi1>, vector<512x128xf32>
    %max3A_284 = arith.maximumf %max3A_252, %select_n3A_283 : vector<512x128xf32>
    %get3A_285 = arith.constant 0 : index
    %get3A_286 = arith.constant 9 : index
    %get3A_287 = arith.constant 0 : index
    %get3A_288 = arith.constant 0 : index
    %get3A_289 = vector.load %arg2[%get3A_285, %get3A_286, %get3A_287, %get3A_288] : memref<1x20x512x128xf32, #tpu.memory_space<vmem>>, vector<1x1x512x128xf32>
    %get3A_290 = vector.shape_cast %get3A_289 : vector<1x1x512x128xf32> to vector<512x128xf32>
    %add3A_291 = arith.addf %get3A_290, %get3A_3 : vector<512x128xf32>
    %ge3A_292 = arith.constant 0.000000e+00 : f32
    %ge3A_293 = vector.broadcast %ge3A_292 : f32 to vector<512x128xf32>
    %ge3A_294 = arith.cmpf oge, %add3A_291, %ge3A_293 : vector<512x128xf32>
    %mul3A_295 = arith.constant 2.000000e-01 : f32
    %mul3A_296 = vector.broadcast %mul3A_295 : f32 to vector<512x128xf32>
    %mul3A_297 = arith.mulf %mul3A_296, %add3A_291 : vector<512x128xf32>
    %select_n3A_298 = arith.select %ge3A_294, %add3A_291, %mul3A_297 : vector<512x128xi1>, vector<512x128xf32>
    %get3A_299 = arith.constant 0 : index
    %get3A_300 = arith.constant 0 : index
    %get3A_301 = vector.load %arg4[%get3A_299, %get3A_300] : memref<128x128xf32, #tpu.memory_space<vmem>>, vector<128x128xf32>
    %dot_general3A_302 = arith.constant dense<0.000000e+00> : vector<512x128xf32>
    %dot_general3A_303 = tpu.matmul %select_n3A_298, %get3A_301, %dot_general3A_302 {dimension_numbers = #tpu.dot_dimension_numbers<[1], [0], [0], [1], [0, 0, 1, 1], [], []>, transpose_lhs_hint = false} : vector<512x128xf32>, vector<128x128xf32>, vector<512x128xf32> -> vector<512x128xf32>
    %get3A_304 = arith.constant 0 : index
    %get3A_305 = arith.constant 0 : index
    %get3A_306 = vector.load %arg5[%get3A_304, %get3A_305] : memref<1x128xf32, #tpu.memory_space<vmem>>, vector<1x128xf32>
    %add3A_307 = vector.broadcast %get3A_306 : vector<1x128xf32> to vector<512x128xf32>
    %add3A_308 = arith.addf %dot_general3A_303, %add3A_307 : vector<512x128xf32>
    %ge3A_309 = arith.constant 0.000000e+00 : f32
    %ge3A_310 = vector.broadcast %ge3A_309 : f32 to vector<512x128xf32>
    %ge3A_311 = arith.cmpf oge, %add3A_308, %ge3A_310 : vector<512x128xf32>
    %mul3A_312 = arith.constant 2.000000e-01 : f32
    %mul3A_313 = vector.broadcast %mul3A_312 : f32 to vector<512x128xf32>
    %mul3A_314 = arith.mulf %mul3A_313, %add3A_308 : vector<512x128xf32>
    %select_n3A_315 = arith.select %ge3A_311, %add3A_308, %mul3A_314 : vector<512x128xi1>, vector<512x128xf32>
    %max3A_316 = arith.maximumf %max3A_284, %select_n3A_315 : vector<512x128xf32>
    %get3A_317 = arith.constant 0 : index
    %get3A_318 = arith.constant 10 : index
    %get3A_319 = arith.constant 0 : index
    %get3A_320 = arith.constant 0 : index
    %get3A_321 = vector.load %arg2[%get3A_317, %get3A_318, %get3A_319, %get3A_320] : memref<1x20x512x128xf32, #tpu.memory_space<vmem>>, vector<1x1x512x128xf32>
    %get3A_322 = vector.shape_cast %get3A_321 : vector<1x1x512x128xf32> to vector<512x128xf32>
    %add3A_323 = arith.addf %get3A_322, %get3A_3 : vector<512x128xf32>
    %ge3A_324 = arith.constant 0.000000e+00 : f32
    %ge3A_325 = vector.broadcast %ge3A_324 : f32 to vector<512x128xf32>
    %ge3A_326 = arith.cmpf oge, %add3A_323, %ge3A_325 : vector<512x128xf32>
    %mul3A_327 = arith.constant 2.000000e-01 : f32
    %mul3A_328 = vector.broadcast %mul3A_327 : f32 to vector<512x128xf32>
    %mul3A_329 = arith.mulf %mul3A_328, %add3A_323 : vector<512x128xf32>
    %select_n3A_330 = arith.select %ge3A_326, %add3A_323, %mul3A_329 : vector<512x128xi1>, vector<512x128xf32>
    %get3A_331 = arith.constant 0 : index
    %get3A_332 = arith.constant 0 : index
    %get3A_333 = vector.load %arg4[%get3A_331, %get3A_332] : memref<128x128xf32, #tpu.memory_space<vmem>>, vector<128x128xf32>
    %dot_general3A_334 = arith.constant dense<0.000000e+00> : vector<512x128xf32>
    %dot_general3A_335 = tpu.matmul %select_n3A_330, %get3A_333, %dot_general3A_334 {dimension_numbers = #tpu.dot_dimension_numbers<[1], [0], [0], [1], [0, 0, 1, 1], [], []>, transpose_lhs_hint = false} : vector<512x128xf32>, vector<128x128xf32>, vector<512x128xf32> -> vector<512x128xf32>
    %get3A_336 = arith.constant 0 : index
    %get3A_337 = arith.constant 0 : index
    %get3A_338 = vector.load %arg5[%get3A_336, %get3A_337] : memref<1x128xf32, #tpu.memory_space<vmem>>, vector<1x128xf32>
    %add3A_339 = vector.broadcast %get3A_338 : vector<1x128xf32> to vector<512x128xf32>
    %add3A_340 = arith.addf %dot_general3A_335, %add3A_339 : vector<512x128xf32>
    %ge3A_341 = arith.constant 0.000000e+00 : f32
    %ge3A_342 = vector.broadcast %ge3A_341 : f32 to vector<512x128xf32>
    %ge3A_343 = arith.cmpf oge, %add3A_340, %ge3A_342 : vector<512x128xf32>
    %mul3A_344 = arith.constant 2.000000e-01 : f32
    %mul3A_345 = vector.broadcast %mul3A_344 : f32 to vector<512x128xf32>
    %mul3A_346 = arith.mulf %mul3A_345, %add3A_340 : vector<512x128xf32>
    %select_n3A_347 = arith.select %ge3A_343, %add3A_340, %mul3A_346 : vector<512x128xi1>, vector<512x128xf32>
    %max3A_348 = arith.maximumf %max3A_316, %select_n3A_347 : vector<512x128xf32>
    %get3A_349 = arith.constant 0 : index
    %get3A_350 = arith.constant 11 : index
    %get3A_351 = arith.constant 0 : index
    %get3A_352 = arith.constant 0 : index
    %get3A_353 = vector.load %arg2[%get3A_349, %get3A_350, %get3A_351, %get3A_352] : memref<1x20x512x128xf32, #tpu.memory_space<vmem>>, vector<1x1x512x128xf32>
    %get3A_354 = vector.shape_cast %get3A_353 : vector<1x1x512x128xf32> to vector<512x128xf32>
    %add3A_355 = arith.addf %get3A_354, %get3A_3 : vector<512x128xf32>
    %ge3A_356 = arith.constant 0.000000e+00 : f32
    %ge3A_357 = vector.broadcast %ge3A_356 : f32 to vector<512x128xf32>
    %ge3A_358 = arith.cmpf oge, %add3A_355, %ge3A_357 : vector<512x128xf32>
    %mul3A_359 = arith.constant 2.000000e-01 : f32
    %mul3A_360 = vector.broadcast %mul3A_359 : f32 to vector<512x128xf32>
    %mul3A_361 = arith.mulf %mul3A_360, %add3A_355 : vector<512x128xf32>
    %select_n3A_362 = arith.select %ge3A_358, %add3A_355, %mul3A_361 : vector<512x128xi1>, vector<512x128xf32>
    %get3A_363 = arith.constant 0 : index
    %get3A_364 = arith.constant 0 : index
    %get3A_365 = vector.load %arg4[%get3A_363, %get3A_364] : memref<128x128xf32, #tpu.memory_space<vmem>>, vector<128x128xf32>
    %dot_general3A_366 = arith.constant dense<0.000000e+00> : vector<512x128xf32>
    %dot_general3A_367 = tpu.matmul %select_n3A_362, %get3A_365, %dot_general3A_366 {dimension_numbers = #tpu.dot_dimension_numbers<[1], [0], [0], [1], [0, 0, 1, 1], [], []>, transpose_lhs_hint = false} : vector<512x128xf32>, vector<128x128xf32>, vector<512x128xf32> -> vector<512x128xf32>
    %get3A_368 = arith.constant 0 : index
    %get3A_369 = arith.constant 0 : index
    %get3A_370 = vector.load %arg5[%get3A_368, %get3A_369] : memref<1x128xf32, #tpu.memory_space<vmem>>, vector<1x128xf32>
    %add3A_371 = vector.broadcast %get3A_370 : vector<1x128xf32> to vector<512x128xf32>
    %add3A_372 = arith.addf %dot_general3A_367, %add3A_371 : vector<512x128xf32>
    %ge3A_373 = arith.constant 0.000000e+00 : f32
    %ge3A_374 = vector.broadcast %ge3A_373 : f32 to vector<512x128xf32>
    %ge3A_375 = arith.cmpf oge, %add3A_372, %ge3A_374 : vector<512x128xf32>
    %mul3A_376 = arith.constant 2.000000e-01 : f32
    %mul3A_377 = vector.broadcast %mul3A_376 : f32 to vector<512x128xf32>
    %mul3A_378 = arith.mulf %mul3A_377, %add3A_372 : vector<512x128xf32>
    %select_n3A_379 = arith.select %ge3A_375, %add3A_372, %mul3A_378 : vector<512x128xi1>, vector<512x128xf32>
    %max3A_380 = arith.maximumf %max3A_348, %select_n3A_379 : vector<512x128xf32>
    %get3A_381 = arith.constant 0 : index
    %get3A_382 = arith.constant 12 : index
    %get3A_383 = arith.constant 0 : index
    %get3A_384 = arith.constant 0 : index
    %get3A_385 = vector.load %arg2[%get3A_381, %get3A_382, %get3A_383, %get3A_384] : memref<1x20x512x128xf32, #tpu.memory_space<vmem>>, vector<1x1x512x128xf32>
    %get3A_386 = vector.shape_cast %get3A_385 : vector<1x1x512x128xf32> to vector<512x128xf32>
    %add3A_387 = arith.addf %get3A_386, %get3A_3 : vector<512x128xf32>
    %ge3A_388 = arith.constant 0.000000e+00 : f32
    %ge3A_389 = vector.broadcast %ge3A_388 : f32 to vector<512x128xf32>
    %ge3A_390 = arith.cmpf oge, %add3A_387, %ge3A_389 : vector<512x128xf32>
    %mul3A_391 = arith.constant 2.000000e-01 : f32
    %mul3A_392 = vector.broadcast %mul3A_391 : f32 to vector<512x128xf32>
    %mul3A_393 = arith.mulf %mul3A_392, %add3A_387 : vector<512x128xf32>
    %select_n3A_394 = arith.select %ge3A_390, %add3A_387, %mul3A_393 : vector<512x128xi1>, vector<512x128xf32>
    %get3A_395 = arith.constant 0 : index
    %get3A_396 = arith.constant 0 : index
    %get3A_397 = vector.load %arg4[%get3A_395, %get3A_396] : memref<128x128xf32, #tpu.memory_space<vmem>>, vector<128x128xf32>
    %dot_general3A_398 = arith.constant dense<0.000000e+00> : vector<512x128xf32>
    %dot_general3A_399 = tpu.matmul %select_n3A_394, %get3A_397, %dot_general3A_398 {dimension_numbers = #tpu.dot_dimension_numbers<[1], [0], [0], [1], [0, 0, 1, 1], [], []>, transpose_lhs_hint = false} : vector<512x128xf32>, vector<128x128xf32>, vector<512x128xf32> -> vector<512x128xf32>
    %get3A_400 = arith.constant 0 : index
    %get3A_401 = arith.constant 0 : index
    %get3A_402 = vector.load %arg5[%get3A_400, %get3A_401] : memref<1x128xf32, #tpu.memory_space<vmem>>, vector<1x128xf32>
    %add3A_403 = vector.broadcast %get3A_402 : vector<1x128xf32> to vector<512x128xf32>
    %add3A_404 = arith.addf %dot_general3A_399, %add3A_403 : vector<512x128xf32>
    %ge3A_405 = arith.constant 0.000000e+00 : f32
    %ge3A_406 = vector.broadcast %ge3A_405 : f32 to vector<512x128xf32>
    %ge3A_407 = arith.cmpf oge, %add3A_404, %ge3A_406 : vector<512x128xf32>
    %mul3A_408 = arith.constant 2.000000e-01 : f32
    %mul3A_409 = vector.broadcast %mul3A_408 : f32 to vector<512x128xf32>
    %mul3A_410 = arith.mulf %mul3A_409, %add3A_404 : vector<512x128xf32>
    %select_n3A_411 = arith.select %ge3A_407, %add3A_404, %mul3A_410 : vector<512x128xi1>, vector<512x128xf32>
    %max3A_412 = arith.maximumf %max3A_380, %select_n3A_411 : vector<512x128xf32>
    %get3A_413 = arith.constant 0 : index
    %get3A_414 = arith.constant 13 : index
    %get3A_415 = arith.constant 0 : index
    %get3A_416 = arith.constant 0 : index
    %get3A_417 = vector.load %arg2[%get3A_413, %get3A_414, %get3A_415, %get3A_416] : memref<1x20x512x128xf32, #tpu.memory_space<vmem>>, vector<1x1x512x128xf32>
    %get3A_418 = vector.shape_cast %get3A_417 : vector<1x1x512x128xf32> to vector<512x128xf32>
    %add3A_419 = arith.addf %get3A_418, %get3A_3 : vector<512x128xf32>
    %ge3A_420 = arith.constant 0.000000e+00 : f32
    %ge3A_421 = vector.broadcast %ge3A_420 : f32 to vector<512x128xf32>
    %ge3A_422 = arith.cmpf oge, %add3A_419, %ge3A_421 : vector<512x128xf32>
    %mul3A_423 = arith.constant 2.000000e-01 : f32
    %mul3A_424 = vector.broadcast %mul3A_423 : f32 to vector<512x128xf32>
    %mul3A_425 = arith.mulf %mul3A_424, %add3A_419 : vector<512x128xf32>
    %select_n3A_426 = arith.select %ge3A_422, %add3A_419, %mul3A_425 : vector<512x128xi1>, vector<512x128xf32>
    %get3A_427 = arith.constant 0 : index
    %get3A_428 = arith.constant 0 : index
    %get3A_429 = vector.load %arg4[%get3A_427, %get3A_428] : memref<128x128xf32, #tpu.memory_space<vmem>>, vector<128x128xf32>
    %dot_general3A_430 = arith.constant dense<0.000000e+00> : vector<512x128xf32>
    %dot_general3A_431 = tpu.matmul %select_n3A_426, %get3A_429, %dot_general3A_430 {dimension_numbers = #tpu.dot_dimension_numbers<[1], [0], [0], [1], [0, 0, 1, 1], [], []>, transpose_lhs_hint = false} : vector<512x128xf32>, vector<128x128xf32>, vector<512x128xf32> -> vector<512x128xf32>
    %get3A_432 = arith.constant 0 : index
    %get3A_433 = arith.constant 0 : index
    %get3A_434 = vector.load %arg5[%get3A_432, %get3A_433] : memref<1x128xf32, #tpu.memory_space<vmem>>, vector<1x128xf32>
    %add3A_435 = vector.broadcast %get3A_434 : vector<1x128xf32> to vector<512x128xf32>
    %add3A_436 = arith.addf %dot_general3A_431, %add3A_435 : vector<512x128xf32>
    %ge3A_437 = arith.constant 0.000000e+00 : f32
    %ge3A_438 = vector.broadcast %ge3A_437 : f32 to vector<512x128xf32>
    %ge3A_439 = arith.cmpf oge, %add3A_436, %ge3A_438 : vector<512x128xf32>
    %mul3A_440 = arith.constant 2.000000e-01 : f32
    %mul3A_441 = vector.broadcast %mul3A_440 : f32 to vector<512x128xf32>
    %mul3A_442 = arith.mulf %mul3A_441, %add3A_436 : vector<512x128xf32>
    %select_n3A_443 = arith.select %ge3A_439, %add3A_436, %mul3A_442 : vector<512x128xi1>, vector<512x128xf32>
    %max3A_444 = arith.maximumf %max3A_412, %select_n3A_443 : vector<512x128xf32>
    %get3A_445 = arith.constant 0 : index
    %get3A_446 = arith.constant 14 : index
    %get3A_447 = arith.constant 0 : index
    %get3A_448 = arith.constant 0 : index
    %get3A_449 = vector.load %arg2[%get3A_445, %get3A_446, %get3A_447, %get3A_448] : memref<1x20x512x128xf32, #tpu.memory_space<vmem>>, vector<1x1x512x128xf32>
    %get3A_450 = vector.shape_cast %get3A_449 : vector<1x1x512x128xf32> to vector<512x128xf32>
    %add3A_451 = arith.addf %get3A_450, %get3A_3 : vector<512x128xf32>
    %ge3A_452 = arith.constant 0.000000e+00 : f32
    %ge3A_453 = vector.broadcast %ge3A_452 : f32 to vector<512x128xf32>
    %ge3A_454 = arith.cmpf oge, %add3A_451, %ge3A_453 : vector<512x128xf32>
    %mul3A_455 = arith.constant 2.000000e-01 : f32
    %mul3A_456 = vector.broadcast %mul3A_455 : f32 to vector<512x128xf32>
    %mul3A_457 = arith.mulf %mul3A_456, %add3A_451 : vector<512x128xf32>
    %select_n3A_458 = arith.select %ge3A_454, %add3A_451, %mul3A_457 : vector<512x128xi1>, vector<512x128xf32>
    %get3A_459 = arith.constant 0 : index
    %get3A_460 = arith.constant 0 : index
    %get3A_461 = vector.load %arg4[%get3A_459, %get3A_460] : memref<128x128xf32, #tpu.memory_space<vmem>>, vector<128x128xf32>
    %dot_general3A_462 = arith.constant dense<0.000000e+00> : vector<512x128xf32>
    %dot_general3A_463 = tpu.matmul %select_n3A_458, %get3A_461, %dot_general3A_462 {dimension_numbers = #tpu.dot_dimension_numbers<[1], [0], [0], [1], [0, 0, 1, 1], [], []>, transpose_lhs_hint = false} : vector<512x128xf32>, vector<128x128xf32>, vector<512x128xf32> -> vector<512x128xf32>
    %get3A_464 = arith.constant 0 : index
    %get3A_465 = arith.constant 0 : index
    %get3A_466 = vector.load %arg5[%get3A_464, %get3A_465] : memref<1x128xf32, #tpu.memory_space<vmem>>, vector<1x128xf32>
    %add3A_467 = vector.broadcast %get3A_466 : vector<1x128xf32> to vector<512x128xf32>
    %add3A_468 = arith.addf %dot_general3A_463, %add3A_467 : vector<512x128xf32>
    %ge3A_469 = arith.constant 0.000000e+00 : f32
    %ge3A_470 = vector.broadcast %ge3A_469 : f32 to vector<512x128xf32>
    %ge3A_471 = arith.cmpf oge, %add3A_468, %ge3A_470 : vector<512x128xf32>
    %mul3A_472 = arith.constant 2.000000e-01 : f32
    %mul3A_473 = vector.broadcast %mul3A_472 : f32 to vector<512x128xf32>
    %mul3A_474 = arith.mulf %mul3A_473, %add3A_468 : vector<512x128xf32>
    %select_n3A_475 = arith.select %ge3A_471, %add3A_468, %mul3A_474 : vector<512x128xi1>, vector<512x128xf32>
    %max3A_476 = arith.maximumf %max3A_444, %select_n3A_475 : vector<512x128xf32>
    %get3A_477 = arith.constant 0 : index
    %get3A_478 = arith.constant 15 : index
    %get3A_479 = arith.constant 0 : index
    %get3A_480 = arith.constant 0 : index
    %get3A_481 = vector.load %arg2[%get3A_477, %get3A_478, %get3A_479, %get3A_480] : memref<1x20x512x128xf32, #tpu.memory_space<vmem>>, vector<1x1x512x128xf32>
    %get3A_482 = vector.shape_cast %get3A_481 : vector<1x1x512x128xf32> to vector<512x128xf32>
    %add3A_483 = arith.addf %get3A_482, %get3A_3 : vector<512x128xf32>
    %ge3A_484 = arith.constant 0.000000e+00 : f32
    %ge3A_485 = vector.broadcast %ge3A_484 : f32 to vector<512x128xf32>
    %ge3A_486 = arith.cmpf oge, %add3A_483, %ge3A_485 : vector<512x128xf32>
    %mul3A_487 = arith.constant 2.000000e-01 : f32
    %mul3A_488 = vector.broadcast %mul3A_487 : f32 to vector<512x128xf32>
    %mul3A_489 = arith.mulf %mul3A_488, %add3A_483 : vector<512x128xf32>
    %select_n3A_490 = arith.select %ge3A_486, %add3A_483, %mul3A_489 : vector<512x128xi1>, vector<512x128xf32>
    %get3A_491 = arith.constant 0 : index
    %get3A_492 = arith.constant 0 : index
    %get3A_493 = vector.load %arg4[%get3A_491, %get3A_492] : memref<128x128xf32, #tpu.memory_space<vmem>>, vector<128x128xf32>
    %dot_general3A_494 = arith.constant dense<0.000000e+00> : vector<512x128xf32>
    %dot_general3A_495 = tpu.matmul %select_n3A_490, %get3A_493, %dot_general3A_494 {dimension_numbers = #tpu.dot_dimension_numbers<[1], [0], [0], [1], [0, 0, 1, 1], [], []>, transpose_lhs_hint = false} : vector<512x128xf32>, vector<128x128xf32>, vector<512x128xf32> -> vector<512x128xf32>
    %get3A_496 = arith.constant 0 : index
    %get3A_497 = arith.constant 0 : index
    %get3A_498 = vector.load %arg5[%get3A_496, %get3A_497] : memref<1x128xf32, #tpu.memory_space<vmem>>, vector<1x128xf32>
    %add3A_499 = vector.broadcast %get3A_498 : vector<1x128xf32> to vector<512x128xf32>
    %add3A_500 = arith.addf %dot_general3A_495, %add3A_499 : vector<512x128xf32>
    %ge3A_501 = arith.constant 0.000000e+00 : f32
    %ge3A_502 = vector.broadcast %ge3A_501 : f32 to vector<512x128xf32>
    %ge3A_503 = arith.cmpf oge, %add3A_500, %ge3A_502 : vector<512x128xf32>
    %mul3A_504 = arith.constant 2.000000e-01 : f32
    %mul3A_505 = vector.broadcast %mul3A_504 : f32 to vector<512x128xf32>
    %mul3A_506 = arith.mulf %mul3A_505, %add3A_500 : vector<512x128xf32>
    %select_n3A_507 = arith.select %ge3A_503, %add3A_500, %mul3A_506 : vector<512x128xi1>, vector<512x128xf32>
    %max3A_508 = arith.maximumf %max3A_476, %select_n3A_507 : vector<512x128xf32>
    %get3A_509 = arith.constant 0 : index
    %get3A_510 = arith.constant 16 : index
    %get3A_511 = arith.constant 0 : index
    %get3A_512 = arith.constant 0 : index
    %get3A_513 = vector.load %arg2[%get3A_509, %get3A_510, %get3A_511, %get3A_512] : memref<1x20x512x128xf32, #tpu.memory_space<vmem>>, vector<1x1x512x128xf32>
    %get3A_514 = vector.shape_cast %get3A_513 : vector<1x1x512x128xf32> to vector<512x128xf32>
    %add3A_515 = arith.addf %get3A_514, %get3A_3 : vector<512x128xf32>
    %ge3A_516 = arith.constant 0.000000e+00 : f32
    %ge3A_517 = vector.broadcast %ge3A_516 : f32 to vector<512x128xf32>
    %ge3A_518 = arith.cmpf oge, %add3A_515, %ge3A_517 : vector<512x128xf32>
    %mul3A_519 = arith.constant 2.000000e-01 : f32
    %mul3A_520 = vector.broadcast %mul3A_519 : f32 to vector<512x128xf32>
    %mul3A_521 = arith.mulf %mul3A_520, %add3A_515 : vector<512x128xf32>
    %select_n3A_522 = arith.select %ge3A_518, %add3A_515, %mul3A_521 : vector<512x128xi1>, vector<512x128xf32>
    %get3A_523 = arith.constant 0 : index
    %get3A_524 = arith.constant 0 : index
    %get3A_525 = vector.load %arg4[%get3A_523, %get3A_524] : memref<128x128xf32, #tpu.memory_space<vmem>>, vector<128x128xf32>
    %dot_general3A_526 = arith.constant dense<0.000000e+00> : vector<512x128xf32>
    %dot_general3A_527 = tpu.matmul %select_n3A_522, %get3A_525, %dot_general3A_526 {dimension_numbers = #tpu.dot_dimension_numbers<[1], [0], [0], [1], [0, 0, 1, 1], [], []>, transpose_lhs_hint = false} : vector<512x128xf32>, vector<128x128xf32>, vector<512x128xf32> -> vector<512x128xf32>
    %get3A_528 = arith.constant 0 : index
    %get3A_529 = arith.constant 0 : index
    %get3A_530 = vector.load %arg5[%get3A_528, %get3A_529] : memref<1x128xf32, #tpu.memory_space<vmem>>, vector<1x128xf32>
    %add3A_531 = vector.broadcast %get3A_530 : vector<1x128xf32> to vector<512x128xf32>
    %add3A_532 = arith.addf %dot_general3A_527, %add3A_531 : vector<512x128xf32>
    %ge3A_533 = arith.constant 0.000000e+00 : f32
    %ge3A_534 = vector.broadcast %ge3A_533 : f32 to vector<512x128xf32>
    %ge3A_535 = arith.cmpf oge, %add3A_532, %ge3A_534 : vector<512x128xf32>
    %mul3A_536 = arith.constant 2.000000e-01 : f32
    %mul3A_537 = vector.broadcast %mul3A_536 : f32 to vector<512x128xf32>
    %mul3A_538 = arith.mulf %mul3A_537, %add3A_532 : vector<512x128xf32>
    %select_n3A_539 = arith.select %ge3A_535, %add3A_532, %mul3A_538 : vector<512x128xi1>, vector<512x128xf32>
    %max3A_540 = arith.maximumf %max3A_508, %select_n3A_539 : vector<512x128xf32>
    %get3A_541 = arith.constant 0 : index
    %get3A_542 = arith.constant 17 : index
    %get3A_543 = arith.constant 0 : index
    %get3A_544 = arith.constant 0 : index
    %get3A_545 = vector.load %arg2[%get3A_541, %get3A_542, %get3A_543, %get3A_544] : memref<1x20x512x128xf32, #tpu.memory_space<vmem>>, vector<1x1x512x128xf32>
    %get3A_546 = vector.shape_cast %get3A_545 : vector<1x1x512x128xf32> to vector<512x128xf32>
    %add3A_547 = arith.addf %get3A_546, %get3A_3 : vector<512x128xf32>
    %ge3A_548 = arith.constant 0.000000e+00 : f32
    %ge3A_549 = vector.broadcast %ge3A_548 : f32 to vector<512x128xf32>
    %ge3A_550 = arith.cmpf oge, %add3A_547, %ge3A_549 : vector<512x128xf32>
    %mul3A_551 = arith.constant 2.000000e-01 : f32
    %mul3A_552 = vector.broadcast %mul3A_551 : f32 to vector<512x128xf32>
    %mul3A_553 = arith.mulf %mul3A_552, %add3A_547 : vector<512x128xf32>
    %select_n3A_554 = arith.select %ge3A_550, %add3A_547, %mul3A_553 : vector<512x128xi1>, vector<512x128xf32>
    %get3A_555 = arith.constant 0 : index
    %get3A_556 = arith.constant 0 : index
    %get3A_557 = vector.load %arg4[%get3A_555, %get3A_556] : memref<128x128xf32, #tpu.memory_space<vmem>>, vector<128x128xf32>
    %dot_general3A_558 = arith.constant dense<0.000000e+00> : vector<512x128xf32>
    %dot_general3A_559 = tpu.matmul %select_n3A_554, %get3A_557, %dot_general3A_558 {dimension_numbers = #tpu.dot_dimension_numbers<[1], [0], [0], [1], [0, 0, 1, 1], [], []>, transpose_lhs_hint = false} : vector<512x128xf32>, vector<128x128xf32>, vector<512x128xf32> -> vector<512x128xf32>
    %get3A_560 = arith.constant 0 : index
    %get3A_561 = arith.constant 0 : index
    %get3A_562 = vector.load %arg5[%get3A_560, %get3A_561] : memref<1x128xf32, #tpu.memory_space<vmem>>, vector<1x128xf32>
    %add3A_563 = vector.broadcast %get3A_562 : vector<1x128xf32> to vector<512x128xf32>
    %add3A_564 = arith.addf %dot_general3A_559, %add3A_563 : vector<512x128xf32>
    %ge3A_565 = arith.constant 0.000000e+00 : f32
    %ge3A_566 = vector.broadcast %ge3A_565 : f32 to vector<512x128xf32>
    %ge3A_567 = arith.cmpf oge, %add3A_564, %ge3A_566 : vector<512x128xf32>
    %mul3A_568 = arith.constant 2.000000e-01 : f32
    %mul3A_569 = vector.broadcast %mul3A_568 : f32 to vector<512x128xf32>
    %mul3A_570 = arith.mulf %mul3A_569, %add3A_564 : vector<512x128xf32>
    %select_n3A_571 = arith.select %ge3A_567, %add3A_564, %mul3A_570 : vector<512x128xi1>, vector<512x128xf32>
    %max3A_572 = arith.maximumf %max3A_540, %select_n3A_571 : vector<512x128xf32>
    %get3A_573 = arith.constant 0 : index
    %get3A_574 = arith.constant 18 : index
    %get3A_575 = arith.constant 0 : index
    %get3A_576 = arith.constant 0 : index
    %get3A_577 = vector.load %arg2[%get3A_573, %get3A_574, %get3A_575, %get3A_576] : memref<1x20x512x128xf32, #tpu.memory_space<vmem>>, vector<1x1x512x128xf32>
    %get3A_578 = vector.shape_cast %get3A_577 : vector<1x1x512x128xf32> to vector<512x128xf32>
    %add3A_579 = arith.addf %get3A_578, %get3A_3 : vector<512x128xf32>
    %ge3A_580 = arith.constant 0.000000e+00 : f32
    %ge3A_581 = vector.broadcast %ge3A_580 : f32 to vector<512x128xf32>
    %ge3A_582 = arith.cmpf oge, %add3A_579, %ge3A_581 : vector<512x128xf32>
    %mul3A_583 = arith.constant 2.000000e-01 : f32
    %mul3A_584 = vector.broadcast %mul3A_583 : f32 to vector<512x128xf32>
    %mul3A_585 = arith.mulf %mul3A_584, %add3A_579 : vector<512x128xf32>
    %select_n3A_586 = arith.select %ge3A_582, %add3A_579, %mul3A_585 : vector<512x128xi1>, vector<512x128xf32>
    %get3A_587 = arith.constant 0 : index
    %get3A_588 = arith.constant 0 : index
    %get3A_589 = vector.load %arg4[%get3A_587, %get3A_588] : memref<128x128xf32, #tpu.memory_space<vmem>>, vector<128x128xf32>
    %dot_general3A_590 = arith.constant dense<0.000000e+00> : vector<512x128xf32>
    %dot_general3A_591 = tpu.matmul %select_n3A_586, %get3A_589, %dot_general3A_590 {dimension_numbers = #tpu.dot_dimension_numbers<[1], [0], [0], [1], [0, 0, 1, 1], [], []>, transpose_lhs_hint = false} : vector<512x128xf32>, vector<128x128xf32>, vector<512x128xf32> -> vector<512x128xf32>
    %get3A_592 = arith.constant 0 : index
    %get3A_593 = arith.constant 0 : index
    %get3A_594 = vector.load %arg5[%get3A_592, %get3A_593] : memref<1x128xf32, #tpu.memory_space<vmem>>, vector<1x128xf32>
    %add3A_595 = vector.broadcast %get3A_594 : vector<1x128xf32> to vector<512x128xf32>
    %add3A_596 = arith.addf %dot_general3A_591, %add3A_595 : vector<512x128xf32>
    %ge3A_597 = arith.constant 0.000000e+00 : f32
    %ge3A_598 = vector.broadcast %ge3A_597 : f32 to vector<512x128xf32>
    %ge3A_599 = arith.cmpf oge, %add3A_596, %ge3A_598 : vector<512x128xf32>
    %mul3A_600 = arith.constant 2.000000e-01 : f32
    %mul3A_601 = vector.broadcast %mul3A_600 : f32 to vector<512x128xf32>
    %mul3A_602 = arith.mulf %mul3A_601, %add3A_596 : vector<512x128xf32>
    %select_n3A_603 = arith.select %ge3A_599, %add3A_596, %mul3A_602 : vector<512x128xi1>, vector<512x128xf32>
    %max3A_604 = arith.maximumf %max3A_572, %select_n3A_603 : vector<512x128xf32>
    %get3A_605 = arith.constant 0 : index
    %get3A_606 = arith.constant 19 : index
    %get3A_607 = arith.constant 0 : index
    %get3A_608 = arith.constant 0 : index
    %get3A_609 = vector.load %arg2[%get3A_605, %get3A_606, %get3A_607, %get3A_608] : memref<1x20x512x128xf32, #tpu.memory_space<vmem>>, vector<1x1x512x128xf32>
    %get3A_610 = vector.shape_cast %get3A_609 : vector<1x1x512x128xf32> to vector<512x128xf32>
    %add3A_611 = arith.addf %get3A_610, %get3A_3 : vector<512x128xf32>
    %ge3A_612 = arith.constant 0.000000e+00 : f32
    %ge3A_613 = vector.broadcast %ge3A_612 : f32 to vector<512x128xf32>
    %ge3A_614 = arith.cmpf oge, %add3A_611, %ge3A_613 : vector<512x128xf32>
    %mul3A_615 = arith.constant 2.000000e-01 : f32
    %mul3A_616 = vector.broadcast %mul3A_615 : f32 to vector<512x128xf32>
    %mul3A_617 = arith.mulf %mul3A_616, %add3A_611 : vector<512x128xf32>
    %select_n3A_618 = arith.select %ge3A_614, %add3A_611, %mul3A_617 : vector<512x128xi1>, vector<512x128xf32>
    %get3A_619 = arith.constant 0 : index
    %get3A_620 = arith.constant 0 : index
    %get3A_621 = vector.load %arg4[%get3A_619, %get3A_620] : memref<128x128xf32, #tpu.memory_space<vmem>>, vector<128x128xf32>
    %dot_general3A_622 = arith.constant dense<0.000000e+00> : vector<512x128xf32>
    %dot_general3A_623 = tpu.matmul %select_n3A_618, %get3A_621, %dot_general3A_622 {dimension_numbers = #tpu.dot_dimension_numbers<[1], [0], [0], [1], [0, 0, 1, 1], [], []>, transpose_lhs_hint = false} : vector<512x128xf32>, vector<128x128xf32>, vector<512x128xf32> -> vector<512x128xf32>
    %get3A_624 = arith.constant 0 : index
    %get3A_625 = arith.constant 0 : index
    %get3A_626 = vector.load %arg5[%get3A_624, %get3A_625] : memref<1x128xf32, #tpu.memory_space<vmem>>, vector<1x128xf32>
    %add3A_627 = vector.broadcast %get3A_626 : vector<1x128xf32> to vector<512x128xf32>
    %add3A_628 = arith.addf %dot_general3A_623, %add3A_627 : vector<512x128xf32>
    %ge3A_629 = arith.constant 0.000000e+00 : f32
    %ge3A_630 = vector.broadcast %ge3A_629 : f32 to vector<512x128xf32>
    %ge3A_631 = arith.cmpf oge, %add3A_628, %ge3A_630 : vector<512x128xf32>
    %mul3A_632 = arith.constant 2.000000e-01 : f32
    %mul3A_633 = vector.broadcast %mul3A_632 : f32 to vector<512x128xf32>
    %mul3A_634 = arith.mulf %mul3A_633, %add3A_628 : vector<512x128xf32>
    %select_n3A_635 = arith.select %ge3A_631, %add3A_628, %mul3A_634 : vector<512x128xi1>, vector<512x128xf32>
    %max3A_636 = arith.maximumf %max3A_604, %select_n3A_635 : vector<512x128xf32>
    %swap3A = arith.constant 0 : index
    %swap3A_637 = arith.constant 0 : index
    %swap3A_638 = arith.constant 0 : index
    %swap3A_639 = vector.load %arg6[%swap3A, %swap3A_637, %swap3A_638] : memref<1x512x128xf32, #tpu.memory_space<vmem>>, vector<1x512x128xf32>
    %swap3A_640 = vector.shape_cast %swap3A_639 : vector<1x512x128xf32> to vector<512x128xf32>
    %swap3A_641 = vector.shape_cast %max3A_636 : vector<512x128xf32> to vector<1x512x128xf32>
    tpu.vector_store %arg6[%swap3A, %swap3A_637, %swap3A_638], %swap3A_641 {strides = array<i32>} : memref<1x512x128xf32, #tpu.memory_space<vmem>>, vector<1x512x128xf32>,
    return
  }
  func.func @transform_0(%arg0: i32, %arg1: i32) -> (i32, i32, i32, i32) {
    %c0_i32 = arith.constant 0 : i32
    %c0_i32_0 = arith.constant 0 : i32
    %c0_i32_1 = arith.constant 0 : i32
    return %arg0, %c0_i32, %arg1, %c0_i32_0 : i32, i32, i32, i32
  }
  func.func @transform_1(%arg0: i32, %arg1: i32) -> (i32, i32, i32) {
    %c0_i32 = arith.constant 0 : i32
    %c0_i32_0 = arith.constant 0 : i32
    return %arg0, %arg1, %c0_i32 : i32, i32, i32
  }
  func.func @transform_2(%arg0: i32, %arg1: i32) -> (i32, i32) {
    %c0_i32 = arith.constant 0 : i32
    %c0_i32_0 = arith.constant 0 : i32
    %c0_i32_1 = arith.constant 0 : i32
    return %c0_i32, %c0_i32_0 : i32, i32
  }
  func.func @transform_3(%arg0: i32, %arg1: i32) -> (i32, i32) {
    %c0_i32 = arith.constant 0 : i32
    %c0_i32_0 = arith.constant 0 : i32
    %c0_i32_1 = arith.constant 0 : i32
    return %c0_i32, %c0_i32_0 : i32, i32
  }
  func.func @transform_4(%arg0: i32, %arg1: i32) -> (i32, i32, i32) {
    %c0_i32 = arith.constant 0 : i32
    %c0_i32_0 = arith.constant 0 : i32
    return %arg0, %arg1, %c0_i32 : i32, i32, i32
  }
}

</mosaic_0001>

<sc_bundles>
// kernel: kernel.14.cloned.1.call-start
scs
__scs_entry_jumppad:
0x0: {  	(pc) =	sbr.rel $0x88, $3  }
0x1: {  	(tag) =	ssettag $0x0;
	lr =	simm.s32 $0x1  }
0x2: {  	[smem:$0x3F9C] =	sst lr;
	_ =	strace $0xD0000000  }
0x3: {  	_ = 	snop  }
0x4: {  	_ = 	snop  }
0x5: {  	_ = 	snop  }
0x6: {  	_ = 	snop  }
0x7: {  	_ = 	snop  }
__scs_overlays_trampoline_lowered:
0x8: {  	[smem:$0x3FAB] =	sst s0  }
0x9: {  	[smem:$0x3FAC] =	sst s1  }
0xa: {  	[smem:$0x3FAD] =	sst s2  }
0xb: {  	[smem:$0x3FAE] =	sst s3  }
0xc: {  	[smem:$0x3FAF] =	sst s4  }
0xd: {  	[smem:$0x3FB0] =	sst s5  }
0xe: {  	[smem:$0x3FB1] =	sst s6  }
0xf: {  	[smem:$0x3FB2] =	sst s7  }
0x10: {  	[smem:$0x3FB3] =	sst s8  }
0x11: {  	[smem:$0x3FB4] =	sst s9;
	s0 =	simm.s32 @!p0 $0x0  }
0x12: {  	s1 =	sld [smem:$0x3F9A];
	s0 =	simm.s32 @p0 $0x1  }
0x13: {  	[smem:$0x3FB5] =	sst s0;
	s0 =	simm.s32 @!p1 $0x0  }
0x14: {  	s2 =	sld [smem:$0x3F99];
	s0 =	simm.s32 @p1 $0x1  }
0x15: {  	[smem:$0x3FB6] =	sst s0;
	s0 =	simm.s32 @!p2 $0x0  }
0x16: {  	s3 =	sld [smem:$0x3FDB];
	s0 =	simm.s32 @p2 $0x1  }
0x17: {  	s4 =	simm.s32 $0x1BF5;
	[smem:$0x3FB8] =	sst s0  }
0x18: {  	s0 =	sld [smem:$0x3F9B];
	_ =	swait.ge [sflag:s4], $0x0  }
0x19: {  	s7 =	sld [smem:$0x3F9C]  }
0x1a: {  	s8 =	sadd.s32 $0xFFFFE003, lr  }
0x1b: {  	s9 =	sadd.s32 $0xFFFFFEF7, lr;
	s5 =	simm.s32 $0xFFFFFFFF;
	p2 =	slt.u32 s8, $0xFFFFF086  }
0x1c: {  	p1 =	slt.u32 s9, $0xF7A;
	s5 =	simm.s32 @!p2 $0x0  }
0x1d: {  	s5 =	simm.s32 @p1 $0x1;
	p0 =	seq.s32 s7, s2  }
0x1e: {  	s7 =	smul.u32 @!p0 $0xF7A, s2;
	p2 =	seq.s32 @!p0 s5, $0x0  }
0x1f: {  	s9 =	smul.u32 $0xF7A, s1;
	s8 =	simm.s32 @!p0 $0x1BF5;
	p2 =	por !p2, p0  }
0x20: {  	[sflag:s8] =	ssyncset.s32 @!p0 $0xFFFFF086;
	s6 =	sadd.s32 @!p0 s3, s7;
	s7 =	simm.s32 @!p0 $0x108  }
0x21: {  	s3 =	sadd.s32 s3, s9;
	s6 =	sadd.s32 @!p0 $0x88, s6;
	s7 =	simm.s32 @p2 $0x1082  }
0x22: {  	[simem:s7], [sflag:s8] =	dma.local @!p0 [hbm:s6], $0xF7A  }
0x23: {  	s9 =	sor.u32 $0xD0000000, s2;
	s6 =	simm.s32 $0x108;
	_ =	swait.ge @!p0 [sflag:s8], $0x0  }
0x24: {  	s3 =	sadd.s32 $0x88, s3;
	s6 =	simm.s32 @!p1 $0x1082;
	[sflag:s4] =	ssyncset.s32 $0xFFFFF086  }
0x25: {  	[simem:s6], [sflag:s4] =	dma.local [hbm:s3], $0xF7A  }
0x26: {  	[smem:$0x3F9C] =	sst s1;
	(tag) =	ssettag s2;
	_ =	strace s9  }
0x27: {  	s1 =	sld [smem:$0x3FAC]  }
0x28: {  	s2 =	sld [smem:$0x3FAD]  }
0x29: {  	s4 =	sld [smem:$0x3FAF]  }
0x2a: {  	p0 =	seq.s32 s5, $0x0;
	s5 =	sld [smem:$0x3FB0]  }
0x2b: {  	s6 =	sld [smem:$0x3FB1]  }
0x2c: {  	s7 =	sld [smem:$0x3FB2]  }
0x2d: {  	s3 =	simm.s32 $0x108;
	s8 =	sld [smem:$0x3FB3]  }
0x2e: {  	s3 =	simm.s32 @!p0 $0x1082;
	s9 =	sld [smem:$0x3FB4]  }
0x2f: {  	lr =	sadd.s32 s0, s3;
	s0 =	sld [smem:$0x3FAB]  }
0x30: {  	s3 =	sld [smem:$0x3FAE]  }
0x31: {  	[smem:$0x3FB7] =	sst s10  }
0x32: {  	s10 =	sld [smem:$0x3FB5];
	_ =	sdelay $0x3  }
0x33: {  	p0 =	seq.s32 s10, $0x1;
	s10 =	sld [smem:$0x3FB7];
	_ =	sdelay $0x3  }
0x34: {  	[smem:$0x3FB7] =	sst s10  }
0x35: {  	s10 =	sld [smem:$0x3FB6];
	_ =	sdelay $0x3  }
0x36: {  	p1 =	seq.s32 s10, $0x1;
	s10 =	sld [smem:$0x3FB7];
	_ =	sdelay $0x3  }
0x37: {  	[smem:$0x3FB7] =	sst s10  }
0x38: {  	s10 =	sld [smem:$0x3FB8]  }
0x39: {  	_ = 	snop;
	(pc) =	sbr.ind lr, $3  }
0x3a: {  	_ = 	snop  }
0x3b: {  	_ = 	snop  }
0x3c: {  	p2 =	seq.s32 s10, $0x1;
	s10 =	sld [smem:$0x3FB7]  }
0x3d: {  	_ =	shalt  }
0x3e: {  	_ =	shalt  }
0x3f: {  	_ =	shalt  }
0x40: {  	_ =	shalt  }
0x41: {  	_ =	shalt  }
0x42: {  	_ =	shalt  }
0x43: {  	_ =	shalt  }
0x44: {  	_ =	shalt  }
0x45: {  	_ =	shalt  }
0x46: {  	_ =	shalt  }
0x47: {  	_ =	shalt  }
0x48: {  	_ =	shalt  }
0x49: {  	_ =	shalt  }
0x4a: {  	_ =	shalt  }
0x4b: {  	_ =	shalt  }
0x4c: {  	_ =	shalt  }
0x4d: {  	_ =	shalt  }
0x4e: {  	_ =	shalt  }
0x4f: {  	_ =	shalt  }
0x50: {  	_ =	shalt  }
0x51: {  	_ =	shalt  }
0x52: {  	_ =	shalt  }
0x53: {  	_ =	shalt  }
0x54: {  	_ =	shalt  }
0x55: {  	_ =	shalt  }
0x56: {  	_ =	shalt  }
0x57: {  	_ =	shalt  }
0x58: {  	_ =	shalt  }
0x59: {  	_ =	shalt  }
0x5a: {  	_ =	shalt  }
0x5b: {  	_ =	shalt  }
0x5c: {  	_ =	shalt  }
0x5d: {  	_ =	shalt  }
0x5e: {  	_ =	shalt  }
0x5f: {  	_ =	shalt  }
0x60: {  	_ =	shalt  }
0x61: {  	_ =	shalt  }
0x62: {  	_ =	shalt  }
0x63: {  	_ =	shalt  }
0x64: {  	_ =	shalt  }
0x65: {  	_ =	shalt  }
0x66: {  	_ =	shalt  }
0x67: {  	_ =	shalt  }
0x68: {  	_ =	shalt  }
0x69: {  	_ =	shalt  }
0x6a: {  	_ =	shalt  }
0x6b: {  	_ =	shalt  }
0x6c: {  	_ =	shalt  }
0x6d: {  	_ =	shalt  }
0x6e: {  	_ =	shalt  }
0x6f: {  	_ =	shalt  }
0x70: {  	_ =	shalt  }
0x71: {  	_ =	shalt  }
0x72: {  	_ =	shalt  }
0x73: {  	_ =	shalt  }
0x74: {  	_ =	shalt  }
0x75: {  	_ =	shalt  }
0x76: {  	_ =	shalt  }
0x77: {  	_ =	shalt  }
0x78: {  	_ =	shalt  }
0x79: {  	_ =	shalt  }
0x7a: {  	_ =	shalt  }
0x7b: {  	_ =	shalt  }
0x7c: {  	_ =	shalt  }
0x7d: {  	_ =	shalt  }
0x7e: {  	_ =	shalt  }
0x7f: {  	_ =	shalt  }
0x80: {  	_ =	shalt  }
0x81: {  	_ =	shalt  }
0x82: {  	_ =	shalt  }
0x83: {  	_ =	shalt  }
0x84: {  	_ =	shalt  }
0x85: {  	_ =	shalt  }
0x86: {  	_ =	shalt  }
0x87: {  	_ =	shalt  }
.Lfunc_end0:
.L_simem_size_0:
called_computation_lowered:
.L_overlay_start_0:
0x88: {  	s2 =	sld [smem:$0x3FD9]  }
0x89: {  	s3 =	sld [smem:$0x3FFE];
	_ =	sdelay $0x1  }
0x8a: {  	s1 =	srdreg.scid  }
0x8b: {  	s0 =	sand.u32 $0x1, s1  }
0x8c: {  	s17 =	sshll.u32 s0, $0xA;
	s2 =	sadd.s32 s3, s2  }
0x8d: {  	s2 =	sadd.s32 s2, s17  }
0x8e: {  	[smem:$0x3FC3] =	sst s2  }
0x8f: {  	_ = 	snop  }
0x90: {  	(tm) =	ssettm $0x1  }
0x91: {  	s18 =	sld [smem:$0x3FFB];
	_ =	sdelay $0x3  }
0x92: {  	_ =	strace s18  }
0x93: {  	s2 =	sld [smem:$0x3FFC];
	_ =	sdelay $0x3  }
0x94: {  	_ =	strace s2  }
0x95: {  	s2 =	sld [smem:$0x3FFD];
	_ =	sdelay $0x3  }
0x96: {  	_ =	strace s2  }
0x97: {  	_ =	strace $0x8FFFFFFF  }
0x98: {  	s19 =	sld [smem:$0x3FDB];
	_ =	sdelay $0x1  }
0x99: {  	s20 =	simm.s32 $_scs_section_size  }
0x9a: {  	s4 =	simm.s32 $_size__tile_overlayer_lowered;
	s5 =	simm.s32 $_tile_overlayer_lowered  }
0x9b: {  	s6 =	simm.s32 $0x1BFF;
	s21 =	sshll.u32 s5, $0x1;
	s3 =	sadd.s32 s20, s19  }
0x9c: {  	s22 =	simm.s32 $0x0;
	s4 =	sshll.u32 s4, $0x1;
	s5 =	sadd.s32 s21, s3  }
0x9d: {  	[timem:s22], [sflag:s6] =	dma.local [hbm:s5], s4  }
0x9e: {  	_ =	swait.ge [sflag:s6], s4  }
0x9f: {  	s4 =	ssub.s32 $0x0, s4;
	[sflag:s6] =	ssyncset.done $0x0  }
0xa0: {  	[sflag:s6] =	ssyncadd.s32 s4;
	_ =	sdelay $0x1  }
0xa1: {  	s23 =	simm.s32 $0x1B8B  }
0xa2: {  	_ =	swait.ge [sflag:s23], $0x1  }
0xa3: {  	[sflag:s23] =	ssyncset.done $0x0  }
0xa4: {  	[sflag:s23] =	ssyncadd.s32 $0xFFFFFFFF  }
0xa5: {  	s4 =	sld [smem:$0x0]  }
0xa6: {  	s5 =	sand.u32 $0xFFFFFFFE, s1  }
0xa7: {  	p0 =	sne.s32 s1, s5  }
0xa8: {  	s5 =	sshll.u32 @p0 s5, $0xE  }
0xa9: {  	s5 =	sadd.s32 @p0 $0x11B8D, s5;
	s6 =	sshll.u32 @p0 s4, $0x11  }
0xaa: {  	s5 =	sor.u32 @p0 s6, s5  }
0xab: {  	[sflag:s5] =	ssyncadd.remote.s32 @p0 $0x1;
	_ =	sdelay $0x1  }
0xac: {  	s5 =	simm.s32 @p0 $0x1B8D  }
0xad: {  	_ =	swait.eq @p0 [sflag:s5], $0x1  }
0xae: {  	[sflag:s5] =	ssyncadd.s32 @p0 $0xFFFFFFFF  }
0xaf: {  	s6 =	sshll.u32 @!p0 s1, $0xE  }
0xb0: {  	s6 =	sor.u32 @!p0 $0x4000, s6;
	s5 =	simm.s32 @!p0 $0x1B8D  }
0xb1: {  	s4 =	sshll.u32 @!p0 s4, $0x11;
	s6 =	sadd.s32 @!p0 $0x11B8D, s6;
	_ =	swait.eq @!p0 [sflag:s5], $0x1  }
0xb2: {  	s4 =	sor.u32 @!p0 s4, s6;
	[sflag:s5] =	ssyncadd.s32 @!p0 $0xFFFFFFFF  }
0xb3: {  	s25 =	simm.s32 $0x1B8E;
	s24 =	sld [smem:$0x3FFE];
	[sflag:s4] =	ssyncadd.remote.s32 @!p0 $0x1  }
0xb4: {  	s26 =	simm.s32 $execute0_lowered;
	[smem:$0x3FD2] =	sst s25  }
0xb5: {  	s5 =	sshll.u32 s26, $0x1;
	_ =	strace $0x8000004F;
	[dreg:$0x1] =	wrdreg $0xFFFFFFFF  }
0xb6: {  	s28 =	simm.s32 $_size_execute0_lowered;
	s3 =	sadd.s32 s3, s5;
	[dreg:$0x0] =	wrdreg $0x0  }
0xb7: {  	s5 =	sshll.u32 s28, $0x1;
	[dreg:$0x2] =	wrdreg s3  }
0xb8: {  	[dreg:$0x3] =	wrdreg s5  }
0xb9: {  	[dreg:$0x4] =	wrdreg $0xC0  }
0xba: {  	_ =	task [dreg:s22], $0x5FFFF  }
0xbb: {  	[dreg:$0x1] =	wrdreg $0xFFFFFFFF  }
0xbc: {  	[dreg:$0x0] =	wrdreg $0x60  }
0xbd: {  	[dreg:$0x2] =	wrdreg s24  }
0xbe: {  	[dreg:$0x3] =	wrdreg $0x9  }
0xbf: {  	_ =	task.clear_ibuf [dreg:s22], $0x4FFFF;
	_ =	strace $0x9000004F  }
0xc0: {  	s29 =	simm.s32 $0x9;
	_ =	strace $0x80000051  }
0xc1: {  	_ =	swait.ge [sflag:s29], $0x1  }
0xc2: {  	[sflag:s29] =	ssyncadd.s32 $0xFFFFFFFF  }
0xc3: {  	_ =	strace $0x90000051  }
0xc4: {  	_ =	sfence  }
0xc5: {  	s30 =	sld [smem:$0x0];
	_ =	sdelay $0x2  }
0xc6: {  	s31 =	sshll.u32 s1, $0xD;
	s1 =	sshrl.u32 s1, $0x2  }
0xc7: {  	s4 =	sand.u32 $0x4000, s31;
	s1 =	sadd.s32 s1, s30  }
0xc8: {  	s0 =	sor.u32 s4, s0;
	s1 =	sshll.u32 s1, $0x11  }
0xc9: {  	s0 =	sor.u32 s1, s0  }
0xca: {  	s0 =	sadd.s32 $0x8F2B, s0  }
0xcb: {  	[sflag:s0] =	ssyncadd.remote.s32 $0x1  }
0xcc: {  	_ =	sfence.sel $0xFFFF  }
0xcd: {  	[dreg:$0x0] =	wrdreg $0xFFFFFFFF;
	(pc) =	sbr.abs _section_cstart, $3  }
0xce: {  	[dreg:$0x1] =	wrdreg $0xFFFFFFFF  }
0xcf: {  	_ =	task.clear_ibuf [dreg:s22], $0x2FFFF;
	_ =	strace $0x9FFFFFFF  }
0xd0: {  	(tm) =	ssettm $0x7FFFFFFF  }
0xd1: {  	_ =	shalt  }
tec
execute0_lowered:
.L_overlay_start_1:
0x0: {  	(tag) =	ssettag $0x1  }
0x1: {  	s1 =	srdreg.scid;
	s0 =	stileid.u32  }
0x2: {  	s4 =	rddreg [dreg:$0x0];
	s2 =	simm.s32 $0x0;
	s12 =	simm.s32 $0x2  }
0x3: {  	s13 =	simm.s32 $0x0;
	s5 =	sand.u32 $0x1, s1;
	s7 =	smul.u32 $0x14000, s0  }
0x4: {  	s3 =	sshll.u32 s0, $0x1;
	s1 =	rddreg [dreg:$0x1];
	s8 =	smul.u32 $0x28, s0  }
0x5: {  	[smem:$0x7FF] =	sst s2;
	s3 =	sor.u32 s5, s3;
	s10 =	smul.u32 $0xA000, s5  }
0x6: {  	_ =	strace $0x80000050;
	s9 =	ssub.s32 $0x2, s5;
	s11 =	smul.u32 $0x14, s5  }
0x7: {  	s6 =	smul.u32 $0x140, s3;
	s7 =	sadd.s32 s7, s4;
	s30 =	sshrl.u32 s9, $0x1  }
0x8: {  	s3 =	sadd.s32 $0x433800, s4;
	s31 =	ssub.s32 s9, s30;
	s7 =	sadd.s32 s10, s7  }
0x9: {  	s9 =	simm.s32 $0x80;
	s10 =	simm.s32 $0xA00;
	s6 =	sadd.s32 s6, s4  }
0xa: {  	s5 =	smax.u32 s31, $0x1;
	s7 =	sadd.s32 $0x443800, s7;
	s4 =	sadd.s32 $0x4000, s6  }
0xb: {  	s6 =	sadd.s32 s11, s8;
	s8 =	simm.s32 $0x3;
	s11 =	simm.s32 $0x1  }
.LBB2_1:
0xc: {  	s14 =	sadd.s32 $0x0, s6  }
0xd: {  	s14 =	smulhi.u32 $0xCCCCCCCD, s14  }
0xe: {  	[tilespmem:s2], [sflag:$0x3] =	stream.linear.gather [hbm4b:s4+s2], $0xA00, $0x38;
	[tilespmem:$0x4A00] =	vst v63  }
0xf: {  	_ =	swait.ge [sflag:s8], $0xA00;
	s14 =	sshll.u32 s14, $0x7  }
0x10: {  	[sflag:s8] =	ssyncset.done $0x0;
	s14 =	sand.u32 $0x1FFF8000, s14  }
0x11: {  	[sflag:s8] =	ssyncadd.s32 $0xFFFFF600;
	s14 =	sadd.s32 s3, s14  }
0x12: {  	[tilespmem:s10], [sflag:$0x1] =	stream.indirect.gather [hbm4b:s14+s9], $0x80, s2, s9, $0xb8;
	[tilespmem:$0x4A00] =	vst v63  }
0x13: {  	_ =	swait.ge [sflag:s11], $0x4000  }
0x14: {  	s31 =	sadd.s32 $0x1, s6;
	[sflag:s11] =	ssyncset.done $0x0  }
0x15: {  	s16 =	simm.s32 $0x2;
	s14 =	smulhi.u32 $0xCCCCCCCD, s31;
	[sflag:s11] =	ssyncadd.s32 $0xFFFFC000  }
0x16: {  	[hbm4b:s7+s2] =	stream.linear.scatter [tilespmem:s10], [sflag:$0x2], $0x4000, $0x38;
	[tilespmem:$0x4A00] =	vst v63  }
0x17: {  	s15 =	sshll.u32 s14, $0x7;
	s14 =	sadd.s32 $0x800, s7;
	_ =	swait.ge [sflag:s12], $0x4000  }
0x18: {  	s17 =	sand.u32 $0x1FFF8000, s15;
	s15 =	simm.s32 $0x80;
	[sflag:s12] =	ssyncset.done $0x0  }
.LBB2_2:
0x19: {  	s17 =	sadd.s32 s3, s17  }
0x1a: {  	[sflag:s12] =	ssyncadd.s32 $0xFFFFC000;
	s18 =	smov.u32 s16;
	s19 =	sadd.s32 $0x1, s16  }
0x1b: {  	[tilespmem:s10], [sflag:$0x1] =	stream.indirect.gather [hbm4b:s17+s9], $0x80, s15, s9, $0xb8;
	[tilespmem:$0x4A00] =	vst v63  }
0x1c: {  	p0 =	sne.s32 s16, $0x13;
	_ =	swait.ge [sflag:s11], $0x4000  }
.Ltmp0:
0x1d: {  	s16 =	sadd.s32 s18, s6;
	[sflag:s11] =	ssyncset.done $0x0;
	(pc) =	sbr.rel @p0 .LBB2_2-.Ltmp0, $4  }
0x1e: {  	s15 =	sadd.s32 $0x80, s15;
	s16 =	smulhi.u32 $0xCCCCCCCD, s16;
	[sflag:s11] =	ssyncadd.s32 $0xFFFFC000  }
0x1f: {  	[hbm4b:s14+s2] =	stream.linear.scatter [tilespmem:s10], [sflag:$0x2], $0x4000, $0x38;
	[tilespmem:$0x4A00] =	vst v63  }
0x20: {  	s16 =	sshll.u32 s16, $0x7;
	s14 =	sadd.s32 $0x800, s14;
	_ =	swait.ge [sflag:s12], $0x4000  }
0x21: {  	s17 =	sand.u32 $0x1FFF8000, s16;
	s16 =	smov.u32 s19;
	[sflag:s12] =	ssyncset.done $0x0  }
0x22: {  	s16 =	sadd.s32 s3, s17;
	[sflag:s12] =	ssyncadd.s32 $0xFFFFC000  }
0x23: {  	[tilespmem:s10], [sflag:$0x1] =	stream.indirect.gather [hbm4b:s16+s9], $0x80, s15, s9, $0xb8;
	[tilespmem:$0x4A00] =	vst v63  }
0x24: {  	s13 =	sadd.s32 $0x1, s13;
	_ =	swait.ge [sflag:s11], $0x4000  }
0x25: {  	p0 =	sne.s32 s13, s5;
	[sflag:s11] =	ssyncset.done $0x0  }
.Ltmp1:
0x26: {  	[sflag:s11] =	ssyncadd.s32 $0xFFFFC000;
	(pc) =	sbr.rel @p0 .LBB2_1-.Ltmp1, $4  }
0x27: {  	[hbm4b:s14+s2] =	stream.linear.scatter [tilespmem:s10], [sflag:$0x2], $0x4000, $0x38;
	[tilespmem:$0x4A00] =	vst v63  }
0x28: {  	_ =	swait.ge [sflag:s12], $0x4000  }
0x29: {  	[sflag:s12] =	ssyncset.done $0x0  }
0x2a: {  	[sflag:s12] =	ssyncadd.s32 $0xFFFFC000  }
0x2b: {  	_ =	sfence.sel $0x180000  }
0x2c: {  	[bflag:$0x0] =	sbarrier.arrive $0xFFFF  }
0x2d: {  	p0 =	sne.s32 s0, $0x0;
	_ =	strace $0x90000050  }
0x2e: {  	s0 =	sadd.s32 @!p0 $0x100000, s1;
	[bflag:$0x2] =	sbarrier.arrive $0xFFFF  }
0x2f: {  	[sflag:s0] =	ssyncadd.tile.s32 @!p0 $0x1;
	_ =	shalt  }
.Lfunc_end2:
_tile_overlayer_lowered:
.L_overlay_start_2:
0x30: {  	(tag) =	ssettag $0x2  }
0x31: {  	s0 =	rddreg [dreg:$0x0];
	s2 =	stileid.u32  }
0x32: {  	s1 =	rddreg [dreg:$0x1];
	p0 =	sne.s32 s2, $0x0  }
0x33: {  	s3 =	rddreg [dreg:$0x2];
	[bflag:$0x3] =	sbarrier.arrive $0xFFFF;
	s2 =	simm.s32 @!p0 $0x1C03  }
0x34: {  	[timem:s3], [sflag:s2] =	dma.local @!p0 [hbm:s0], s1  }
0x35: {  	s0 =	simm.s32 @!p0 $0x3  }
0x36: {  	_ =	swait.ge @!p0 [sflag:s0], s1  }
0x37: {  	s1 =	ssub.s32 @!p0 $0x0, s1;
	[sflag:s0] =	ssyncset.done @!p0 $0x0  }
0x38: {  	[sflag:s0] =	ssyncadd.s32 @!p0 s1  }
0x39: {  	[bflag:$0x3] =	sbarrier.arrive $0xFFFF  }
0x3a: {  	_ =	shalt  }

// kernel: kernel.17.cloned.1.call-start
scs
__scs_entry_jumppad:
0x0: {  	(pc) =	sbr.rel $0x88, $3  }
0x1: {  	(tag) =	ssettag $0x0;
	lr =	simm.s32 $0x1  }
0x2: {  	[smem:$0x3F9C] =	sst lr;
	_ =	strace $0xD0000000  }
0x3: {  	_ = 	snop  }
0x4: {  	_ = 	snop  }
0x5: {  	_ = 	snop  }
0x6: {  	_ = 	snop  }
0x7: {  	_ = 	snop  }
__scs_overlays_trampoline_lowered:
0x8: {  	[smem:$0x3FAB] =	sst s0  }
0x9: {  	[smem:$0x3FAC] =	sst s1  }
0xa: {  	[smem:$0x3FAD] =	sst s2  }
0xb: {  	[smem:$0x3FAE] =	sst s3  }
0xc: {  	[smem:$0x3FAF] =	sst s4  }
0xd: {  	[smem:$0x3FB0] =	sst s5  }
0xe: {  	[smem:$0x3FB1] =	sst s6  }
0xf: {  	[smem:$0x3FB2] =	sst s7  }
0x10: {  	[smem:$0x3FB3] =	sst s8  }
0x11: {  	[smem:$0x3FB4] =	sst s9;
	s0 =	simm.s32 @!p0 $0x0  }
0x12: {  	s1 =	sld [smem:$0x3F9A];
	s0 =	simm.s32 @p0 $0x1  }
0x13: {  	[smem:$0x3FB5] =	sst s0;
	s0 =	simm.s32 @!p1 $0x0  }
0x14: {  	s2 =	sld [smem:$0x3F99];
	s0 =	simm.s32 @p1 $0x1  }
0x15: {  	[smem:$0x3FB6] =	sst s0;
	s0 =	simm.s32 @!p2 $0x0  }
0x16: {  	s3 =	sld [smem:$0x3FDB];
	s0 =	simm.s32 @p2 $0x1  }
0x17: {  	s4 =	simm.s32 $0x1BF5;
	[smem:$0x3FB8] =	sst s0  }
0x18: {  	s0 =	sld [smem:$0x3F9B];
	_ =	swait.ge [sflag:s4], $0x0  }
0x19: {  	s7 =	sld [smem:$0x3F9C]  }
0x1a: {  	s8 =	sadd.s32 $0xFFFFE003, lr  }
0x1b: {  	s9 =	sadd.s32 $0xFFFFFEF7, lr;
	s5 =	simm.s32 $0xFFFFFFFF;
	p2 =	slt.u32 s8, $0xFFFFF086  }
0x1c: {  	p1 =	slt.u32 s9, $0xF7A;
	s5 =	simm.s32 @!p2 $0x0  }
0x1d: {  	s5 =	simm.s32 @p1 $0x1;
	p0 =	seq.s32 s7, s2  }
0x1e: {  	s7 =	smul.u32 @!p0 $0xF7A, s2;
	p2 =	seq.s32 @!p0 s5, $0x0  }
0x1f: {  	s9 =	smul.u32 $0xF7A, s1;
	s8 =	simm.s32 @!p0 $0x1BF5;
	p2 =	por !p2, p0  }
0x20: {  	[sflag:s8] =	ssyncset.s32 @!p0 $0xFFFFF086;
	s6 =	sadd.s32 @!p0 s3, s7;
	s7 =	simm.s32 @!p0 $0x108  }
0x21: {  	s3 =	sadd.s32 s3, s9;
	s6 =	sadd.s32 @!p0 $0x88, s6;
	s7 =	simm.s32 @p2 $0x1082  }
0x22: {  	[simem:s7], [sflag:s8] =	dma.local @!p0 [hbm:s6], $0xF7A  }
0x23: {  	s9 =	sor.u32 $0xD0000000, s2;
	s6 =	simm.s32 $0x108;
	_ =	swait.ge @!p0 [sflag:s8], $0x0  }
0x24: {  	s3 =	sadd.s32 $0x88, s3;
	s6 =	simm.s32 @!p1 $0x1082;
	[sflag:s4] =	ssyncset.s32 $0xFFFFF086  }
0x25: {  	[simem:s6], [sflag:s4] =	dma.local [hbm:s3], $0xF7A  }
0x26: {  	[smem:$0x3F9C] =	sst s1;
	(tag) =	ssettag s2;
	_ =	strace s9  }
0x27: {  	s1 =	sld [smem:$0x3FAC]  }
0x28: {  	s2 =	sld [smem:$0x3FAD]  }
0x29: {  	s4 =	sld [smem:$0x3FAF]  }
0x2a: {  	p0 =	seq.s32 s5, $0x0;
	s5 =	sld [smem:$0x3FB0]  }
0x2b: {  	s6 =	sld [smem:$0x3FB1]  }
0x2c: {  	s7 =	sld [smem:$0x3FB2]  }
0x2d: {  	s3 =	simm.s32 $0x108;
	s8 =	sld [smem:$0x3FB3]  }
0x2e: {  	s3 =	simm.s32 @!p0 $0x1082;
	s9 =	sld [smem:$0x3FB4]  }
0x2f: {  	lr =	sadd.s32 s0, s3;
	s0 =	sld [smem:$0x3FAB]  }
0x30: {  	s3 =	sld [smem:$0x3FAE]  }
0x31: {  	[smem:$0x3FB7] =	sst s10  }
0x32: {  	s10 =	sld [smem:$0x3FB5];
	_ =	sdelay $0x3  }
0x33: {  	p0 =	seq.s32 s10, $0x1;
	s10 =	sld [smem:$0x3FB7];
	_ =	sdelay $0x3  }
0x34: {  	[smem:$0x3FB7] =	sst s10  }
0x35: {  	s10 =	sld [smem:$0x3FB6];
	_ =	sdelay $0x3  }
0x36: {  	p1 =	seq.s32 s10, $0x1;
	s10 =	sld [smem:$0x3FB7];
	_ =	sdelay $0x3  }
0x37: {  	[smem:$0x3FB7] =	sst s10  }
0x38: {  	s10 =	sld [smem:$0x3FB8]  }
0x39: {  	_ = 	snop;
	(pc) =	sbr.ind lr, $3  }
0x3a: {  	_ = 	snop  }
0x3b: {  	_ = 	snop  }
0x3c: {  	p2 =	seq.s32 s10, $0x1;
	s10 =	sld [smem:$0x3FB7]  }
0x3d: {  	_ =	shalt  }
0x3e: {  	_ =	shalt  }
0x3f: {  	_ =	shalt  }
0x40: {  	_ =	shalt  }
0x41: {  	_ =	shalt  }
0x42: {  	_ =	shalt  }
0x43: {  	_ =	shalt  }
0x44: {  	_ =	shalt  }
0x45: {  	_ =	shalt  }
0x46: {  	_ =	shalt  }
0x47: {  	_ =	shalt  }
0x48: {  	_ =	shalt  }
0x49: {  	_ =	shalt  }
0x4a: {  	_ =	shalt  }
0x4b: {  	_ =	shalt  }
0x4c: {  	_ =	shalt  }
0x4d: {  	_ =	shalt  }
0x4e: {  	_ =	shalt  }
0x4f: {  	_ =	shalt  }
0x50: {  	_ =	shalt  }
0x51: {  	_ =	shalt  }
0x52: {  	_ =	shalt  }
0x53: {  	_ =	shalt  }
0x54: {  	_ =	shalt  }
0x55: {  	_ =	shalt  }
0x56: {  	_ =	shalt  }
0x57: {  	_ =	shalt  }
0x58: {  	_ =	shalt  }
0x59: {  	_ =	shalt  }
0x5a: {  	_ =	shalt  }
0x5b: {  	_ =	shalt  }
0x5c: {  	_ =	shalt  }
0x5d: {  	_ =	shalt  }
0x5e: {  	_ =	shalt  }
0x5f: {  	_ =	shalt  }
0x60: {  	_ =	shalt  }
0x61: {  	_ =	shalt  }
0x62: {  	_ =	shalt  }
0x63: {  	_ =	shalt  }
0x64: {  	_ =	shalt  }
0x65: {  	_ =	shalt  }
0x66: {  	_ =	shalt  }
0x67: {  	_ =	shalt  }
0x68: {  	_ =	shalt  }
0x69: {  	_ =	shalt  }
0x6a: {  	_ =	shalt  }
0x6b: {  	_ =	shalt  }
0x6c: {  	_ =	shalt  }
0x6d: {  	_ =	shalt  }
0x6e: {  	_ =	shalt  }
0x6f: {  	_ =	shalt  }
0x70: {  	_ =	shalt  }
0x71: {  	_ =	shalt  }
0x72: {  	_ =	shalt  }
0x73: {  	_ =	shalt  }
0x74: {  	_ =	shalt  }
0x75: {  	_ =	shalt  }
0x76: {  	_ =	shalt  }
0x77: {  	_ =	shalt  }
0x78: {  	_ =	shalt  }
0x79: {  	_ =	shalt  }
0x7a: {  	_ =	shalt  }
0x7b: {  	_ =	shalt  }
0x7c: {  	_ =	shalt  }
0x7d: {  	_ =	shalt  }
0x7e: {  	_ =	shalt  }
0x7f: {  	_ =	shalt  }
0x80: {  	_ =	shalt  }
0x81: {  	_ =	shalt  }
0x82: {  	_ =	shalt  }
0x83: {  	_ =	shalt  }
0x84: {  	_ =	shalt  }
0x85: {  	_ =	shalt  }
0x86: {  	_ =	shalt  }
0x87: {  	_ =	shalt  }
.Lfunc_end0:
.L_simem_size_0:
called_computation.1_lowered:
.L_overlay_start_0:
0x88: {  	s2 =	sld [smem:$0x3FD9]  }
0x89: {  	s3 =	sld [smem:$0x3FFE];
	_ =	sdelay $0x1  }
0x8a: {  	s1 =	srdreg.scid  }
0x8b: {  	s0 =	sand.u32 $0x1, s1  }
0x8c: {  	s17 =	sshll.u32 s0, $0xA;
	s2 =	sadd.s32 s3, s2  }
0x8d: {  	s2 =	sadd.s32 s2, s17  }
0x8e: {  	[smem:$0x3FC3] =	sst s2  }
0x8f: {  	_ = 	snop  }
0x90: {  	(tm) =	ssettm $0x1  }
0x91: {  	s18 =	sld [smem:$0x3FFB];
	_ =	sdelay $0x3  }
0x92: {  	_ =	strace s18  }
0x93: {  	s2 =	sld [smem:$0x3FFC];
	_ =	sdelay $0x3  }
0x94: {  	_ =	strace s2  }
0x95: {  	s2 =	sld [smem:$0x3FFD];
	_ =	sdelay $0x3  }
0x96: {  	_ =	strace s2  }
0x97: {  	_ =	strace $0x8FFFFFFF  }
0x98: {  	s19 =	sld [smem:$0x3FDB];
	_ =	sdelay $0x1  }
0x99: {  	s20 =	simm.s32 $_scs_section_size  }
0x9a: {  	s4 =	simm.s32 $_size__tile_overlayer_lowered;
	s5 =	simm.s32 $_tile_overlayer_lowered  }
0x9b: {  	s6 =	simm.s32 $0x1BFF;
	s21 =	sshll.u32 s5, $0x1;
	s3 =	sadd.s32 s20, s19  }
0x9c: {  	s22 =	simm.s32 $0x0;
	s4 =	sshll.u32 s4, $0x1;
	s5 =	sadd.s32 s21, s3  }
0x9d: {  	[timem:s22], [sflag:s6] =	dma.local [hbm:s5], s4  }
0x9e: {  	_ =	swait.ge [sflag:s6], s4  }
0x9f: {  	s4 =	ssub.s32 $0x0, s4;
	[sflag:s6] =	ssyncset.done $0x0  }
0xa0: {  	[sflag:s6] =	ssyncadd.s32 s4;
	_ =	sdelay $0x1  }
0xa1: {  	s23 =	simm.s32 $0x1B8B  }
0xa2: {  	_ =	swait.ge [sflag:s23], $0x1  }
0xa3: {  	[sflag:s23] =	ssyncset.done $0x0  }
0xa4: {  	[sflag:s23] =	ssyncadd.s32 $0xFFFFFFFF  }
0xa5: {  	s4 =	sld [smem:$0x0]  }
0xa6: {  	s5 =	sand.u32 $0xFFFFFFFE, s1  }
0xa7: {  	p0 =	sne.s32 s1, s5  }
0xa8: {  	s5 =	sshll.u32 @p0 s5, $0xE  }
0xa9: {  	s5 =	sadd.s32 @p0 $0x11B8D, s5;
	s6 =	sshll.u32 @p0 s4, $0x11  }
0xaa: {  	s5 =	sor.u32 @p0 s6, s5  }
0xab: {  	[sflag:s5] =	ssyncadd.remote.s32 @p0 $0x1;
	_ =	sdelay $0x1  }
0xac: {  	s5 =	simm.s32 @p0 $0x1B8D  }
0xad: {  	_ =	swait.eq @p0 [sflag:s5], $0x1  }
0xae: {  	[sflag:s5] =	ssyncadd.s32 @p0 $0xFFFFFFFF  }
0xaf: {  	s6 =	sshll.u32 @!p0 s1, $0xE  }
0xb0: {  	s6 =	sor.u32 @!p0 $0x4000, s6;
	s5 =	simm.s32 @!p0 $0x1B8D  }
0xb1: {  	s4 =	sshll.u32 @!p0 s4, $0x11;
	s6 =	sadd.s32 @!p0 $0x11B8D, s6;
	_ =	swait.eq @!p0 [sflag:s5], $0x1  }
0xb2: {  	s4 =	sor.u32 @!p0 s4, s6;
	[sflag:s5] =	ssyncadd.s32 @!p0 $0xFFFFFFFF  }
0xb3: {  	s25 =	simm.s32 $0x1B8E;
	s24 =	sld [smem:$0x3FFE];
	[sflag:s4] =	ssyncadd.remote.s32 @!p0 $0x1  }
0xb4: {  	s26 =	simm.s32 $execute0_lowered;
	[smem:$0x3FD2] =	sst s25  }
0xb5: {  	s5 =	sshll.u32 s26, $0x1;
	_ =	strace $0x8000004C;
	[dreg:$0x1] =	wrdreg $0xFFFFFFFF  }
0xb6: {  	s28 =	simm.s32 $_size_execute0_lowered;
	s3 =	sadd.s32 s3, s5;
	[dreg:$0x0] =	wrdreg $0x0  }
0xb7: {  	s5 =	sshll.u32 s28, $0x1;
	[dreg:$0x2] =	wrdreg s3  }
0xb8: {  	[dreg:$0x3] =	wrdreg s5  }
0xb9: {  	[dreg:$0x4] =	wrdreg $0xC0  }
0xba: {  	_ =	task [dreg:s22], $0x5FFFF  }
0xbb: {  	[dreg:$0x1] =	wrdreg $0xFFFFFFFF  }
0xbc: {  	[dreg:$0x0] =	wrdreg $0x60  }
0xbd: {  	[dreg:$0x2] =	wrdreg s24  }
0xbe: {  	[dreg:$0x3] =	wrdreg $0xA  }
0xbf: {  	_ =	task.clear_ibuf [dreg:s22], $0x4FFFF;
	_ =	strace $0x9000004C  }
0xc0: {  	s29 =	simm.s32 $0xA;
	_ =	strace $0x8000004E  }
0xc1: {  	_ =	swait.ge [sflag:s29], $0x1  }
0xc2: {  	[sflag:s29] =	ssyncadd.s32 $0xFFFFFFFF  }
0xc3: {  	_ =	strace $0x9000004E  }
0xc4: {  	_ =	sfence  }
0xc5: {  	s30 =	sld [smem:$0x0];
	_ =	sdelay $0x2  }
0xc6: {  	s31 =	sshll.u32 s1, $0xD;
	s1 =	sshrl.u32 s1, $0x2  }
0xc7: {  	s4 =	sand.u32 $0x4000, s31;
	s1 =	sadd.s32 s1, s30  }
0xc8: {  	s0 =	sor.u32 s4, s0;
	s1 =	sshll.u32 s1, $0x11  }
0xc9: {  	s0 =	sor.u32 s1, s0  }
0xca: {  	s0 =	sadd.s32 $0x8F2B, s0  }
0xcb: {  	[sflag:s0] =	ssyncadd.remote.s32 $0x1  }
0xcc: {  	_ =	sfence.sel $0xFFFF  }
0xcd: {  	[dreg:$0x0] =	wrdreg $0xFFFFFFFF;
	(pc) =	sbr.abs _section_cstart, $3  }
0xce: {  	[dreg:$0x1] =	wrdreg $0xFFFFFFFF  }
0xcf: {  	_ =	task.clear_ibuf [dreg:s22], $0x2FFFF;
	_ =	strace $0x9FFFFFFF  }
0xd0: {  	(tm) =	ssettm $0x7FFFFFFF  }
0xd1: {  	_ =	shalt  }
tec
execute0_lowered:
.L_overlay_start_1:
0x0: {  	(tag) =	ssettag $0x1  }
0x1: {  	s1 =	srdreg.scid;
	s0 =	stileid.u32  }
0x2: {  	s5 =	rddreg [dreg:$0x0];
	s2 =	simm.s32 $0x0;
	s12 =	simm.s32 $0x2  }
0x3: {  	s13 =	simm.s32 $0x0;
	s4 =	sand.u32 $0x1, s1;
	s7 =	smul.u32 $0x14000, s0  }
0x4: {  	s29 =	sshll.u32 s0, $0x1;
	s1 =	rddreg [dreg:$0x1];
	s8 =	smul.u32 $0x28, s0  }
0x5: {  	[smem:$0x7FF] =	sst s2;
	s3 =	sor.u32 s4, s29;
	s10 =	smul.u32 $0xA000, s4  }
0x6: {  	_ =	strace $0x8000004D;
	s9 =	ssub.s32 $0x2, s4;
	s6 =	smul.u32 $0x140, s3  }
0x7: {  	s11 =	smul.u32 $0x14, s4;
	s3 =	sadd.s32 $0x2E1000, s5;
	s30 =	sshrl.u32 s9, $0x1  }
0x8: {  	s6 =	sadd.s32 s6, s5;
	s5 =	sadd.s32 s7, s5;
	s7 =	ssub.s32 s9, s30  }
0x9: {  	s9 =	simm.s32 $0x80;
	s4 =	sadd.s32 $0x2F1000, s6;
	s31 =	sadd.s32 s10, s5  }
0xa: {  	s5 =	smax.u32 s7, $0x1;
	s6 =	sadd.s32 s11, s8;
	s8 =	simm.s32 $0x3  }
0xb: {  	s10 =	simm.s32 $0xA00;
	s11 =	simm.s32 $0x1;
	s7 =	sadd.s32 $0x2F3800, s31  }
.LBB2_1:
0xc: {  	s14 =	sadd.s32 $0x0, s6  }
0xd: {  	s14 =	smulhi.u32 $0xCCCCCCCD, s14  }
0xe: {  	[tilespmem:s2], [sflag:$0x3] =	stream.linear.gather [hbm4b:s4+s2], $0xA00, $0x38;
	[tilespmem:$0x4A00] =	vst v63  }
0xf: {  	_ =	swait.ge [sflag:s8], $0xA00;
	s14 =	sshll.u32 s14, $0x7  }
0x10: {  	[sflag:s8] =	ssyncset.done $0x0;
	s14 =	sand.u32 $0x1FFF8000, s14  }
0x11: {  	[sflag:s8] =	ssyncadd.s32 $0xFFFFF600;
	s14 =	sadd.s32 s3, s14  }
0x12: {  	[tilespmem:s10], [sflag:$0x1] =	stream.indirect.gather [hbm4b:s14+s9], $0x80, s2, s9, $0xb8;
	[tilespmem:$0x4A00] =	vst v63  }
0x13: {  	_ =	swait.ge [sflag:s11], $0x4000  }
0x14: {  	s31 =	sadd.s32 $0x1, s6;
	[sflag:s11] =	ssyncset.done $0x0  }
0x15: {  	s16 =	simm.s32 $0x2;
	s14 =	smulhi.u32 $0xCCCCCCCD, s31;
	[sflag:s11] =	ssyncadd.s32 $0xFFFFC000  }
0x16: {  	[hbm4b:s7+s2] =	stream.linear.scatter [tilespmem:s10], [sflag:$0x2], $0x4000, $0x38;
	[tilespmem:$0x4A00] =	vst v63  }
0x17: {  	s15 =	sshll.u32 s14, $0x7;
	s14 =	sadd.s32 $0x800, s7;
	_ =	swait.ge [sflag:s12], $0x4000  }
0x18: {  	s17 =	sand.u32 $0x1FFF8000, s15;
	s15 =	simm.s32 $0x80;
	[sflag:s12] =	ssyncset.done $0x0  }
.LBB2_2:
0x19: {  	s17 =	sadd.s32 s3, s17  }
0x1a: {  	[sflag:s12] =	ssyncadd.s32 $0xFFFFC000;
	s18 =	smov.u32 s16;
	s19 =	sadd.s32 $0x1, s16  }
0x1b: {  	[tilespmem:s10], [sflag:$0x1] =	stream.indirect.gather [hbm4b:s17+s9], $0x80, s15, s9, $0xb8;
	[tilespmem:$0x4A00] =	vst v63  }
0x1c: {  	p0 =	sne.s32 s16, $0x13;
	_ =	swait.ge [sflag:s11], $0x4000  }
.Ltmp0:
0x1d: {  	s16 =	sadd.s32 s18, s6;
	[sflag:s11] =	ssyncset.done $0x0;
	(pc) =	sbr.rel @p0 .LBB2_2-.Ltmp0, $4  }
0x1e: {  	s15 =	sadd.s32 $0x80, s15;
	s16 =	smulhi.u32 $0xCCCCCCCD, s16;
	[sflag:s11] =	ssyncadd.s32 $0xFFFFC000  }
0x1f: {  	[hbm4b:s14+s2] =	stream.linear.scatter [tilespmem:s10], [sflag:$0x2], $0x4000, $0x38;
	[tilespmem:$0x4A00] =	vst v63  }
0x20: {  	s16 =	sshll.u32 s16, $0x7;
	s14 =	sadd.s32 $0x800, s14;
	_ =	swait.ge [sflag:s12], $0x4000  }
0x21: {  	s17 =	sand.u32 $0x1FFF8000, s16;
	s16 =	smov.u32 s19;
	[sflag:s12] =	ssyncset.done $0x0  }
0x22: {  	s16 =	sadd.s32 s3, s17;
	[sflag:s12] =	ssyncadd.s32 $0xFFFFC000  }
0x23: {  	[tilespmem:s10], [sflag:$0x1] =	stream.indirect.gather [hbm4b:s16+s9], $0x80, s15, s9, $0xb8;
	[tilespmem:$0x4A00] =	vst v63  }
0x24: {  	s13 =	sadd.s32 $0x1, s13;
	_ =	swait.ge [sflag:s11], $0x4000  }
0x25: {  	p0 =	sne.s32 s13, s5;
	[sflag:s11] =	ssyncset.done $0x0  }
.Ltmp1:
0x26: {  	[sflag:s11] =	ssyncadd.s32 $0xFFFFC000;
	(pc) =	sbr.rel @p0 .LBB2_1-.Ltmp1, $4  }
0x27: {  	[hbm4b:s14+s2] =	stream.linear.scatter [tilespmem:s10], [sflag:$0x2], $0x4000, $0x38;
	[tilespmem:$0x4A00] =	vst v63  }
0x28: {  	_ =	swait.ge [sflag:s12], $0x4000  }
0x29: {  	[sflag:s12] =	ssyncset.done $0x0  }
0x2a: {  	[sflag:s12] =	ssyncadd.s32 $0xFFFFC000  }
0x2b: {  	_ =	sfence.sel $0x180000  }
0x2c: {  	[bflag:$0x0] =	sbarrier.arrive $0xFFFF  }
0x2d: {  	p0 =	sne.s32 s0, $0x0;
	_ =	strace $0x9000004D  }
0x2e: {  	s0 =	sadd.s32 @!p0 $0x100000, s1;
	[bflag:$0x2] =	sbarrier.arrive $0xFFFF  }
0x2f: {  	[sflag:s0] =	ssyncadd.tile.s32 @!p0 $0x1;
	_ =	shalt  }
.Lfunc_end2:
_tile_overlayer_lowered:
.L_overlay_start_2:
0x30: {  	(tag) =	ssettag $0x2  }
0x31: {  	s0 =	rddreg [dreg:$0x0];
	s2 =	stileid.u32  }
0x32: {  	s1 =	rddreg [dreg:$0x1];
	p0 =	sne.s32 s2, $0x0  }
0x33: {  	s3 =	rddreg [dreg:$0x2];
	[bflag:$0x3] =	sbarrier.arrive $0xFFFF;
	s2 =	simm.s32 @!p0 $0x1C03  }
0x34: {  	[timem:s3], [sflag:s2] =	dma.local @!p0 [hbm:s0], s1  }
0x35: {  	s0 =	simm.s32 @!p0 $0x3  }
0x36: {  	_ =	swait.ge @!p0 [sflag:s0], s1  }
0x37: {  	s1 =	ssub.s32 @!p0 $0x0, s1;
	[sflag:s0] =	ssyncset.done @!p0 $0x0  }
0x38: {  	[sflag:s0] =	ssyncadd.s32 @!p0 s1  }
0x39: {  	[bflag:$0x3] =	sbarrier.arrive $0xFFFF  }
0x3a: {  	_ =	shalt  }

// kernel: kernel.20.cloned.1.call-start
scs
__scs_entry_jumppad:
0x0: {  	(pc) =	sbr.rel $0x88, $3  }
0x1: {  	(tag) =	ssettag $0x0;
	lr =	simm.s32 $0x1  }
0x2: {  	[smem:$0x3F9C] =	sst lr;
	_ =	strace $0xD0000000  }
0x3: {  	_ = 	snop  }
0x4: {  	_ = 	snop  }
0x5: {  	_ = 	snop  }
0x6: {  	_ = 	snop  }
0x7: {  	_ = 	snop  }
__scs_overlays_trampoline_lowered:
0x8: {  	[smem:$0x3FAB] =	sst s0  }
0x9: {  	[smem:$0x3FAC] =	sst s1  }
0xa: {  	[smem:$0x3FAD] =	sst s2  }
0xb: {  	[smem:$0x3FAE] =	sst s3  }
0xc: {  	[smem:$0x3FAF] =	sst s4  }
0xd: {  	[smem:$0x3FB0] =	sst s5  }
0xe: {  	[smem:$0x3FB1] =	sst s6  }
0xf: {  	[smem:$0x3FB2] =	sst s7  }
0x10: {  	[smem:$0x3FB3] =	sst s8  }
0x11: {  	[smem:$0x3FB4] =	sst s9;
	s0 =	simm.s32 @!p0 $0x0  }
0x12: {  	s1 =	sld [smem:$0x3F9A];
	s0 =	simm.s32 @p0 $0x1  }
0x13: {  	[smem:$0x3FB5] =	sst s0;
	s0 =	simm.s32 @!p1 $0x0  }
0x14: {  	s2 =	sld [smem:$0x3F99];
	s0 =	simm.s32 @p1 $0x1  }
0x15: {  	[smem:$0x3FB6] =	sst s0;
	s0 =	simm.s32 @!p2 $0x0  }
0x16: {  	s3 =	sld [smem:$0x3FDB];
	s0 =	simm.s32 @p2 $0x1  }
0x17: {  	s4 =	simm.s32 $0x1BF5;
	[smem:$0x3FB8] =	sst s0  }
0x18: {  	s0 =	sld [smem:$0x3F9B];
	_ =	swait.ge [sflag:s4], $0x0  }
0x19: {  	s7 =	sld [smem:$0x3F9C]  }
0x1a: {  	s8 =	sadd.s32 $0xFFFFE003, lr  }
0x1b: {  	s9 =	sadd.s32 $0xFFFFFEF7, lr;
	s5 =	simm.s32 $0xFFFFFFFF;
	p2 =	slt.u32 s8, $0xFFFFF086  }
0x1c: {  	p1 =	slt.u32 s9, $0xF7A;
	s5 =	simm.s32 @!p2 $0x0  }
0x1d: {  	s5 =	simm.s32 @p1 $0x1;
	p0 =	seq.s32 s7, s2  }
0x1e: {  	s7 =	smul.u32 @!p0 $0xF7A, s2;
	p2 =	seq.s32 @!p0 s5, $0x0  }
0x1f: {  	s9 =	smul.u32 $0xF7A, s1;
	s8 =	simm.s32 @!p0 $0x1BF5;
	p2 =	por !p2, p0  }
0x20: {  	[sflag:s8] =	ssyncset.s32 @!p0 $0xFFFFF086;
	s6 =	sadd.s32 @!p0 s3, s7;
	s7 =	simm.s32 @!p0 $0x108  }
0x21: {  	s3 =	sadd.s32 s3, s9;
	s6 =	sadd.s32 @!p0 $0x88, s6;
	s7 =	simm.s32 @p2 $0x1082  }
0x22: {  	[simem:s7], [sflag:s8] =	dma.local @!p0 [hbm:s6], $0xF7A  }
0x23: {  	s9 =	sor.u32 $0xD0000000, s2;
	s6 =	simm.s32 $0x108;
	_ =	swait.ge @!p0 [sflag:s8], $0x0  }
0x24: {  	s3 =	sadd.s32 $0x88, s3;
	s6 =	simm.s32 @!p1 $0x1082;
	[sflag:s4] =	ssyncset.s32 $0xFFFFF086  }
0x25: {  	[simem:s6], [sflag:s4] =	dma.local [hbm:s3], $0xF7A  }
0x26: {  	[smem:$0x3F9C] =	sst s1;
	(tag) =	ssettag s2;
	_ =	strace s9  }
0x27: {  	s1 =	sld [smem:$0x3FAC]  }
0x28: {  	s2 =	sld [smem:$0x3FAD]  }
0x29: {  	s4 =	sld [smem:$0x3FAF]  }
0x2a: {  	p0 =	seq.s32 s5, $0x0;
	s5 =	sld [smem:$0x3FB0]  }
0x2b: {  	s6 =	sld [smem:$0x3FB1]  }
0x2c: {  	s7 =	sld [smem:$0x3FB2]  }
0x2d: {  	s3 =	simm.s32 $0x108;
	s8 =	sld [smem:$0x3FB3]  }
0x2e: {  	s3 =	simm.s32 @!p0 $0x1082;
	s9 =	sld [smem:$0x3FB4]  }
0x2f: {  	lr =	sadd.s32 s0, s3;
	s0 =	sld [smem:$0x3FAB]  }
0x30: {  	s3 =	sld [smem:$0x3FAE]  }
0x31: {  	[smem:$0x3FB7] =	sst s10  }
0x32: {  	s10 =	sld [smem:$0x3FB5];
	_ =	sdelay $0x3  }
0x33: {  	p0 =	seq.s32 s10, $0x1;
	s10 =	sld [smem:$0x3FB7];
	_ =	sdelay $0x3  }
0x34: {  	[smem:$0x3FB7] =	sst s10  }
0x35: {  	s10 =	sld [smem:$0x3FB6];
	_ =	sdelay $0x3  }
0x36: {  	p1 =	seq.s32 s10, $0x1;
	s10 =	sld [smem:$0x3FB7];
	_ =	sdelay $0x3  }
0x37: {  	[smem:$0x3FB7] =	sst s10  }
0x38: {  	s10 =	sld [smem:$0x3FB8]  }
0x39: {  	_ = 	snop;
	(pc) =	sbr.ind lr, $3  }
0x3a: {  	_ = 	snop  }
0x3b: {  	_ = 	snop  }
0x3c: {  	p2 =	seq.s32 s10, $0x1;
	s10 =	sld [smem:$0x3FB7]  }
0x3d: {  	_ =	shalt  }
0x3e: {  	_ =	shalt  }
0x3f: {  	_ =	shalt  }
0x40: {  	_ =	shalt  }
0x41: {  	_ =	shalt  }
0x42: {  	_ =	shalt  }
0x43: {  	_ =	shalt  }
0x44: {  	_ =	shalt  }
0x45: {  	_ =	shalt  }
0x46: {  	_ =	shalt  }
0x47: {  	_ =	shalt  }
0x48: {  	_ =	shalt  }
0x49: {  	_ =	shalt  }
0x4a: {  	_ =	shalt  }
0x4b: {  	_ =	shalt  }
0x4c: {  	_ =	shalt  }
0x4d: {  	_ =	shalt  }
0x4e: {  	_ =	shalt  }
0x4f: {  	_ =	shalt  }
0x50: {  	_ =	shalt  }
0x51: {  	_ =	shalt  }
0x52: {  	_ =	shalt  }
0x53: {  	_ =	shalt  }
0x54: {  	_ =	shalt  }
0x55: {  	_ =	shalt  }
0x56: {  	_ =	shalt  }
0x57: {  	_ =	shalt  }
0x58: {  	_ =	shalt  }
0x59: {  	_ =	shalt  }
0x5a: {  	_ =	shalt  }
0x5b: {  	_ =	shalt  }
0x5c: {  	_ =	shalt  }
0x5d: {  	_ =	shalt  }
0x5e: {  	_ =	shalt  }
0x5f: {  	_ =	shalt  }
0x60: {  	_ =	shalt  }
0x61: {  	_ =	shalt  }
0x62: {  	_ =	shalt  }
0x63: {  	_ =	shalt  }
0x64: {  	_ =	shalt  }
0x65: {  	_ =	shalt  }
0x66: {  	_ =	shalt  }
0x67: {  	_ =	shalt  }
0x68: {  	_ =	shalt  }
0x69: {  	_ =	shalt  }
0x6a: {  	_ =	shalt  }
0x6b: {  	_ =	shalt  }
0x6c: {  	_ =	shalt  }
0x6d: {  	_ =	shalt  }
0x6e: {  	_ =	shalt  }
0x6f: {  	_ =	shalt  }
0x70: {  	_ =	shalt  }
0x71: {  	_ =	shalt  }
0x72: {  	_ =	shalt  }
0x73: {  	_ =	shalt  }
0x74: {  	_ =	shalt  }
0x75: {  	_ =	shalt  }
0x76: {  	_ =	shalt  }
0x77: {  	_ =	shalt  }
0x78: {  	_ =	shalt  }
0x79: {  	_ =	shalt  }
0x7a: {  	_ =	shalt  }
0x7b: {  	_ =	shalt  }
0x7c: {  	_ =	shalt  }
0x7d: {  	_ =	shalt  }
0x7e: {  	_ =	shalt  }
0x7f: {  	_ =	shalt  }
0x80: {  	_ =	shalt  }
0x81: {  	_ =	shalt  }
0x82: {  	_ =	shalt  }
0x83: {  	_ =	shalt  }
0x84: {  	_ =	shalt  }
0x85: {  	_ =	shalt  }
0x86: {  	_ =	shalt  }
0x87: {  	_ =	shalt  }
.Lfunc_end0:
.L_simem_size_0:
called_computation.2_lowered:
.L_overlay_start_0:
0x88: {  	s2 =	sld [smem:$0x3FD9]  }
0x89: {  	s3 =	sld [smem:$0x3FFE];
	_ =	sdelay $0x1  }
0x8a: {  	s1 =	srdreg.scid  }
0x8b: {  	s0 =	sand.u32 $0x1, s1  }
0x8c: {  	s17 =	sshll.u32 s0, $0xA;
	s2 =	sadd.s32 s3, s2  }
0x8d: {  	s2 =	sadd.s32 s2, s17  }
0x8e: {  	[smem:$0x3FC3] =	sst s2  }
0x8f: {  	_ = 	snop  }
0x90: {  	(tm) =	ssettm $0x1  }
0x91: {  	s18 =	sld [smem:$0x3FFB];
	_ =	sdelay $0x3  }
0x92: {  	_ =	strace s18  }
0x93: {  	s2 =	sld [smem:$0x3FFC];
	_ =	sdelay $0x3  }
0x94: {  	_ =	strace s2  }
0x95: {  	s2 =	sld [smem:$0x3FFD];
	_ =	sdelay $0x3  }
0x96: {  	_ =	strace s2  }
0x97: {  	_ =	strace $0x8FFFFFFF  }
0x98: {  	s19 =	sld [smem:$0x3FDB];
	_ =	sdelay $0x1  }
0x99: {  	s20 =	simm.s32 $_scs_section_size  }
0x9a: {  	s4 =	simm.s32 $_size__tile_overlayer_lowered;
	s5 =	simm.s32 $_tile_overlayer_lowered  }
0x9b: {  	s6 =	simm.s32 $0x1BFF;
	s21 =	sshll.u32 s5, $0x1;
	s3 =	sadd.s32 s20, s19  }
0x9c: {  	s22 =	simm.s32 $0x0;
	s4 =	sshll.u32 s4, $0x1;
	s5 =	sadd.s32 s21, s3  }
0x9d: {  	[timem:s22], [sflag:s6] =	dma.local [hbm:s5], s4  }
0x9e: {  	_ =	swait.ge [sflag:s6], s4  }
0x9f: {  	s4 =	ssub.s32 $0x0, s4;
	[sflag:s6] =	ssyncset.done $0x0  }
0xa0: {  	[sflag:s6] =	ssyncadd.s32 s4;
	_ =	sdelay $0x1  }
0xa1: {  	s23 =	simm.s32 $0x1B8B  }
0xa2: {  	_ =	swait.ge [sflag:s23], $0x1  }
0xa3: {  	[sflag:s23] =	ssyncset.done $0x0  }
0xa4: {  	[sflag:s23] =	ssyncadd.s32 $0xFFFFFFFF  }
0xa5: {  	s4 =	sld [smem:$0x0]  }
0xa6: {  	s5 =	sand.u32 $0xFFFFFFFE, s1  }
0xa7: {  	p0 =	sne.s32 s1, s5  }
0xa8: {  	s5 =	sshll.u32 @p0 s5, $0xE  }
0xa9: {  	s5 =	sadd.s32 @p0 $0x11B8D, s5;
	s6 =	sshll.u32 @p0 s4, $0x11  }
0xaa: {  	s5 =	sor.u32 @p0 s6, s5  }
0xab: {  	[sflag:s5] =	ssyncadd.remote.s32 @p0 $0x1;
	_ =	sdelay $0x1  }
0xac: {  	s5 =	simm.s32 @p0 $0x1B8D  }
0xad: {  	_ =	swait.eq @p0 [sflag:s5], $0x1  }
0xae: {  	[sflag:s5] =	ssyncadd.s32 @p0 $0xFFFFFFFF  }
0xaf: {  	s6 =	sshll.u32 @!p0 s1, $0xE  }
0xb0: {  	s6 =	sor.u32 @!p0 $0x4000, s6;
	s5 =	simm.s32 @!p0 $0x1B8D  }
0xb1: {  	s4 =	sshll.u32 @!p0 s4, $0x11;
	s6 =	sadd.s32 @!p0 $0x11B8D, s6;
	_ =	swait.eq @!p0 [sflag:s5], $0x1  }
0xb2: {  	s4 =	sor.u32 @!p0 s4, s6;
	[sflag:s5] =	ssyncadd.s32 @!p0 $0xFFFFFFFF  }
0xb3: {  	s25 =	simm.s32 $0x1B8E;
	s24 =	sld [smem:$0x3FFE];
	[sflag:s4] =	ssyncadd.remote.s32 @!p0 $0x1  }
0xb4: {  	s26 =	simm.s32 $execute0_lowered;
	[smem:$0x3FD2] =	sst s25  }
0xb5: {  	s5 =	sshll.u32 s26, $0x1;
	_ =	strace $0x80000049;
	[dreg:$0x1] =	wrdreg $0xFFFFFFFF  }
0xb6: {  	s28 =	simm.s32 $_size_execute0_lowered;
	s3 =	sadd.s32 s3, s5;
	[dreg:$0x0] =	wrdreg $0x0  }
0xb7: {  	s5 =	sshll.u32 s28, $0x1;
	[dreg:$0x2] =	wrdreg s3  }
0xb8: {  	[dreg:$0x3] =	wrdreg s5  }
0xb9: {  	[dreg:$0x4] =	wrdreg $0xC0  }
0xba: {  	_ =	task [dreg:s22], $0x5FFFF  }
0xbb: {  	[dreg:$0x1] =	wrdreg $0xFFFFFFFF  }
0xbc: {  	[dreg:$0x0] =	wrdreg $0x60  }
0xbd: {  	[dreg:$0x2] =	wrdreg s24  }
0xbe: {  	[dreg:$0x3] =	wrdreg $0xB  }
0xbf: {  	_ =	task.clear_ibuf [dreg:s22], $0x4FFFF;
	_ =	strace $0x90000049  }
0xc0: {  	s29 =	simm.s32 $0xB;
	_ =	strace $0x8000004B  }
0xc1: {  	_ =	swait.ge [sflag:s29], $0x1  }
0xc2: {  	[sflag:s29] =	ssyncadd.s32 $0xFFFFFFFF  }
0xc3: {  	_ =	strace $0x9000004B  }
0xc4: {  	_ =	sfence  }
0xc5: {  	s30 =	sld [smem:$0x0];
	_ =	sdelay $0x2  }
0xc6: {  	s31 =	sshll.u32 s1, $0xD;
	s1 =	sshrl.u32 s1, $0x2  }
0xc7: {  	s4 =	sand.u32 $0x4000, s31;
	s1 =	sadd.s32 s1, s30  }
0xc8: {  	s0 =	sor.u32 s4, s0;
	s1 =	sshll.u32 s1, $0x11  }
0xc9: {  	s0 =	sor.u32 s1, s0  }
0xca: {  	s0 =	sadd.s32 $0x8F2B, s0  }
0xcb: {  	[sflag:s0] =	ssyncadd.remote.s32 $0x1  }
0xcc: {  	_ =	sfence.sel $0xFFFF  }
0xcd: {  	[dreg:$0x0] =	wrdreg $0xFFFFFFFF;
	(pc) =	sbr.abs _section_cstart, $3  }
0xce: {  	[dreg:$0x1] =	wrdreg $0xFFFFFFFF  }
0xcf: {  	_ =	task.clear_ibuf [dreg:s22], $0x2FFFF;
	_ =	strace $0x9FFFFFFF  }
0xd0: {  	(tm) =	ssettm $0x7FFFFFFF  }
0xd1: {  	_ =	shalt  }
tec
execute0_lowered:
.L_overlay_start_1:
0x0: {  	(tag) =	ssettag $0x1  }
0x1: {  	s1 =	srdreg.scid;
	s0 =	stileid.u32  }
0x2: {  	s4 =	rddreg [dreg:$0x0];
	s2 =	simm.s32 $0x0;
	s12 =	simm.s32 $0x2  }
0x3: {  	s13 =	simm.s32 $0x0;
	s5 =	sand.u32 $0x1, s1;
	s7 =	smul.u32 $0x14000, s0  }
0x4: {  	s3 =	sshll.u32 s0, $0x1;
	s1 =	rddreg [dreg:$0x1];
	s8 =	smul.u32 $0x28, s0  }
0x5: {  	[smem:$0x7FF] =	sst s2;
	s3 =	sor.u32 s5, s3;
	s10 =	smul.u32 $0xA000, s5  }
0x6: {  	_ =	strace $0x8000004A;
	s9 =	ssub.s32 $0x2, s5;
	s11 =	smul.u32 $0x14, s5  }
0x7: {  	s6 =	smul.u32 $0x140, s3;
	s7 =	sadd.s32 s7, s4;
	s30 =	sshrl.u32 s9, $0x1  }
0x8: {  	s3 =	sadd.s32 $0x16E800, s4;
	s31 =	ssub.s32 s9, s30;
	s7 =	sadd.s32 s10, s7  }
0x9: {  	s9 =	simm.s32 $0x80;
	s10 =	simm.s32 $0xA00;
	s6 =	sadd.s32 s6, s4  }
0xa: {  	s5 =	smax.u32 s31, $0x1;
	s7 =	sadd.s32 $0x1A1000, s7;
	s4 =	sadd.s32 $0x19E800, s6  }
0xb: {  	s6 =	sadd.s32 s11, s8;
	s8 =	simm.s32 $0x3;
	s11 =	simm.s32 $0x1  }
.LBB2_1:
0xc: {  	s14 =	sadd.s32 $0x0, s6  }
0xd: {  	s14 =	smulhi.u32 $0xCCCCCCCD, s14  }
0xe: {  	[tilespmem:s2], [sflag:$0x3] =	stream.linear.gather [hbm4b:s4+s2], $0xA00, $0x38;
	[tilespmem:$0x4A00] =	vst v63  }
0xf: {  	_ =	swait.ge [sflag:s8], $0xA00;
	s14 =	sshll.u32 s14, $0x7  }
0x10: {  	[sflag:s8] =	ssyncset.done $0x0;
	s14 =	sand.u32 $0x1FFF8000, s14  }
0x11: {  	[sflag:s8] =	ssyncadd.s32 $0xFFFFF600;
	s14 =	sadd.s32 s3, s14  }
0x12: {  	[tilespmem:s10], [sflag:$0x1] =	stream.indirect.gather [hbm4b:s14+s9], $0x80, s2, s9, $0xb8;
	[tilespmem:$0x4A00] =	vst v63  }
0x13: {  	_ =	swait.ge [sflag:s11], $0x4000  }
0x14: {  	s31 =	sadd.s32 $0x1, s6;
	[sflag:s11] =	ssyncset.done $0x0  }
0x15: {  	s16 =	simm.s32 $0x2;
	s14 =	smulhi.u32 $0xCCCCCCCD, s31;
	[sflag:s11] =	ssyncadd.s32 $0xFFFFC000  }
0x16: {  	[hbm4b:s7+s2] =	stream.linear.scatter [tilespmem:s10], [sflag:$0x2], $0x4000, $0x38;
	[tilespmem:$0x4A00] =	vst v63  }
0x17: {  	s15 =	sshll.u32 s14, $0x7;
	s14 =	sadd.s32 $0x800, s7;
	_ =	swait.ge [sflag:s12], $0x4000  }
0x18: {  	s17 =	sand.u32 $0x1FFF8000, s15;
	s15 =	simm.s32 $0x80;
	[sflag:s12] =	ssyncset.done $0x0  }
.LBB2_2:
0x19: {  	s17 =	sadd.s32 s3, s17  }
0x1a: {  	[sflag:s12] =	ssyncadd.s32 $0xFFFFC000;
	s18 =	smov.u32 s16;
	s19 =	sadd.s32 $0x1, s16  }
0x1b: {  	[tilespmem:s10], [sflag:$0x1] =	stream.indirect.gather [hbm4b:s17+s9], $0x80, s15, s9, $0xb8;
	[tilespmem:$0x4A00] =	vst v63  }
0x1c: {  	p0 =	sne.s32 s16, $0x13;
	_ =	swait.ge [sflag:s11], $0x4000  }
.Ltmp0:
0x1d: {  	s16 =	sadd.s32 s18, s6;
	[sflag:s11] =	ssyncset.done $0x0;
	(pc) =	sbr.rel @p0 .LBB2_2-.Ltmp0, $4  }
0x1e: {  	s15 =	sadd.s32 $0x80, s15;
	s16 =	smulhi.u32 $0xCCCCCCCD, s16;
	[sflag:s11] =	ssyncadd.s32 $0xFFFFC000  }
0x1f: {  	[hbm4b:s14+s2] =	stream.linear.scatter [tilespmem:s10], [sflag:$0x2], $0x4000, $0x38;
	[tilespmem:$0x4A00] =	vst v63  }
0x20: {  	s16 =	sshll.u32 s16, $0x7;
	s14 =	sadd.s32 $0x800, s14;
	_ =	swait.ge [sflag:s12], $0x4000  }
0x21: {  	s17 =	sand.u32 $0x1FFF8000, s16;
	s16 =	smov.u32 s19;
	[sflag:s12] =	ssyncset.done $0x0  }
0x22: {  	s16 =	sadd.s32 s3, s17;
	[sflag:s12] =	ssyncadd.s32 $0xFFFFC000  }
0x23: {  	[tilespmem:s10], [sflag:$0x1] =	stream.indirect.gather [hbm4b:s16+s9], $0x80, s15, s9, $0xb8;
	[tilespmem:$0x4A00] =	vst v63  }
0x24: {  	s13 =	sadd.s32 $0x1, s13;
	_ =	swait.ge [sflag:s11], $0x4000  }
0x25: {  	p0 =	sne.s32 s13, s5;
	[sflag:s11] =	ssyncset.done $0x0  }
.Ltmp1:
0x26: {  	[sflag:s11] =	ssyncadd.s32 $0xFFFFC000;
	(pc) =	sbr.rel @p0 .LBB2_1-.Ltmp1, $4  }
0x27: {  	[hbm4b:s14+s2] =	stream.linear.scatter [tilespmem:s10], [sflag:$0x2], $0x4000, $0x38;
	[tilespmem:$0x4A00] =	vst v63  }
0x28: {  	_ =	swait.ge [sflag:s12], $0x4000  }
0x29: {  	[sflag:s12] =	ssyncset.done $0x0  }
0x2a: {  	[sflag:s12] =	ssyncadd.s32 $0xFFFFC000  }
0x2b: {  	_ =	sfence.sel $0x180000  }
0x2c: {  	[bflag:$0x0] =	sbarrier.arrive $0xFFFF  }
0x2d: {  	p0 =	sne.s32 s0, $0x0;
	_ =	strace $0x9000004A  }
0x2e: {  	s0 =	sadd.s32 @!p0 $0x100000, s1;
	[bflag:$0x2] =	sbarrier.arrive $0xFFFF  }
0x2f: {  	[sflag:s0] =	ssyncadd.tile.s32 @!p0 $0x1;
	_ =	shalt  }
.Lfunc_end2:
_tile_overlayer_lowered:
.L_overlay_start_2:
0x30: {  	(tag) =	ssettag $0x2  }
0x31: {  	s0 =	rddreg [dreg:$0x0];
	s2 =	stileid.u32  }
0x32: {  	s1 =	rddreg [dreg:$0x1];
	p0 =	sne.s32 s2, $0x0  }
0x33: {  	s3 =	rddreg [dreg:$0x2];
	[bflag:$0x3] =	sbarrier.arrive $0xFFFF;
	s2 =	simm.s32 @!p0 $0x1C03  }
0x34: {  	[timem:s3], [sflag:s2] =	dma.local @!p0 [hbm:s0], s1  }
0x35: {  	s0 =	simm.s32 @!p0 $0x3  }
0x36: {  	_ =	swait.ge @!p0 [sflag:s0], s1  }
0x37: {  	s1 =	ssub.s32 @!p0 $0x0, s1;
	[sflag:s0] =	ssyncset.done @!p0 $0x0  }
0x38: {  	[sflag:s0] =	ssyncadd.s32 @!p0 s1  }
0x39: {  	[bflag:$0x3] =	sbarrier.arrive $0xFFFF  }
0x3a: {  	_ =	shalt  }

// kernel: kernel.23.cloned.1.call-start
scs
__scs_entry_jumppad:
0x0: {  	(pc) =	sbr.rel $0x88, $3  }
0x1: {  	(tag) =	ssettag $0x0;
	lr =	simm.s32 $0x1  }
0x2: {  	[smem:$0x3F9C] =	sst lr;
	_ =	strace $0xD0000000  }
0x3: {  	_ = 	snop  }
0x4: {  	_ = 	snop  }
0x5: {  	_ = 	snop  }
0x6: {  	_ = 	snop  }
0x7: {  	_ = 	snop  }
__scs_overlays_trampoline_lowered:
0x8: {  	[smem:$0x3FAB] =	sst s0  }
0x9: {  	[smem:$0x3FAC] =	sst s1  }
0xa: {  	[smem:$0x3FAD] =	sst s2  }
0xb: {  	[smem:$0x3FAE] =	sst s3  }
0xc: {  	[smem:$0x3FAF] =	sst s4  }
0xd: {  	[smem:$0x3FB0] =	sst s5  }
0xe: {  	[smem:$0x3FB1] =	sst s6  }
0xf: {  	[smem:$0x3FB2] =	sst s7  }
0x10: {  	[smem:$0x3FB3] =	sst s8  }
0x11: {  	[smem:$0x3FB4] =	sst s9;
	s0 =	simm.s32 @!p0 $0x0  }
0x12: {  	s1 =	sld [smem:$0x3F9A];
	s0 =	simm.s32 @p0 $0x1  }
0x13: {  	[smem:$0x3FB5] =	sst s0;
	s0 =	simm.s32 @!p1 $0x0  }
0x14: {  	s2 =	sld [smem:$0x3F99];
	s0 =	simm.s32 @p1 $0x1  }
0x15: {  	[smem:$0x3FB6] =	sst s0;
	s0 =	simm.s32 @!p2 $0x0  }
0x16: {  	s3 =	sld [smem:$0x3FDB];
	s0 =	simm.s32 @p2 $0x1  }
0x17: {  	s4 =	simm.s32 $0x1BF5;
	[smem:$0x3FB8] =	sst s0  }
0x18: {  	s0 =	sld [smem:$0x3F9B];
	_ =	swait.ge [sflag:s4], $0x0  }
0x19: {  	s7 =	sld [smem:$0x3F9C]  }
0x1a: {  	s8 =	sadd.s32 $0xFFFFE003, lr  }
0x1b: {  	s9 =	sadd.s32 $0xFFFFFEF7, lr;
	s5 =	simm.s32 $0xFFFFFFFF;
	p2 =	slt.u32 s8, $0xFFFFF086  }
0x1c: {  	p1 =	slt.u32 s9, $0xF7A;
	s5 =	simm.s32 @!p2 $0x0  }
0x1d: {  	s5 =	simm.s32 @p1 $0x1;
	p0 =	seq.s32 s7, s2  }
0x1e: {  	s7 =	smul.u32 @!p0 $0xF7A, s2;
	p2 =	seq.s32 @!p0 s5, $0x0  }
0x1f: {  	s9 =	smul.u32 $0xF7A, s1;
	s8 =	simm.s32 @!p0 $0x1BF5;
	p2 =	por !p2, p0  }
0x20: {  	[sflag:s8] =	ssyncset.s32 @!p0 $0xFFFFF086;
	s6 =	sadd.s32 @!p0 s3, s7;
	s7 =	simm.s32 @!p0 $0x108  }
0x21: {  	s3 =	sadd.s32 s3, s9;
	s6 =	sadd.s32 @!p0 $0x88, s6;
	s7 =	simm.s32 @p2 $0x1082  }
0x22: {  	[simem:s7], [sflag:s8] =	dma.local @!p0 [hbm:s6], $0xF7A  }
0x23: {  	s9 =	sor.u32 $0xD0000000, s2;
	s6 =	simm.s32 $0x108;
	_ =	swait.ge @!p0 [sflag:s8], $0x0  }
0x24: {  	s3 =	sadd.s32 $0x88, s3;
	s6 =	simm.s32 @!p1 $0x1082;
	[sflag:s4] =	ssyncset.s32 $0xFFFFF086  }
0x25: {  	[simem:s6], [sflag:s4] =	dma.local [hbm:s3], $0xF7A  }
0x26: {  	[smem:$0x3F9C] =	sst s1;
	(tag) =	ssettag s2;
	_ =	strace s9  }
0x27: {  	s1 =	sld [smem:$0x3FAC]  }
0x28: {  	s2 =	sld [smem:$0x3FAD]  }
0x29: {  	s4 =	sld [smem:$0x3FAF]  }
0x2a: {  	p0 =	seq.s32 s5, $0x0;
	s5 =	sld [smem:$0x3FB0]  }
0x2b: {  	s6 =	sld [smem:$0x3FB1]  }
0x2c: {  	s7 =	sld [smem:$0x3FB2]  }
0x2d: {  	s3 =	simm.s32 $0x108;
	s8 =	sld [smem:$0x3FB3]  }
0x2e: {  	s3 =	simm.s32 @!p0 $0x1082;
	s9 =	sld [smem:$0x3FB4]  }
0x2f: {  	lr =	sadd.s32 s0, s3;
	s0 =	sld [smem:$0x3FAB]  }
0x30: {  	s3 =	sld [smem:$0x3FAE]  }
0x31: {  	[smem:$0x3FB7] =	sst s10  }
0x32: {  	s10 =	sld [smem:$0x3FB5];
	_ =	sdelay $0x3  }
0x33: {  	p0 =	seq.s32 s10, $0x1;
	s10 =	sld [smem:$0x3FB7];
	_ =	sdelay $0x3  }
0x34: {  	[smem:$0x3FB7] =	sst s10  }
0x35: {  	s10 =	sld [smem:$0x3FB6];
	_ =	sdelay $0x3  }
0x36: {  	p1 =	seq.s32 s10, $0x1;
	s10 =	sld [smem:$0x3FB7];
	_ =	sdelay $0x3  }
0x37: {  	[smem:$0x3FB7] =	sst s10  }
0x38: {  	s10 =	sld [smem:$0x3FB8]  }
0x39: {  	_ = 	snop;
	(pc) =	sbr.ind lr, $3  }
0x3a: {  	_ = 	snop  }
0x3b: {  	_ = 	snop  }
0x3c: {  	p2 =	seq.s32 s10, $0x1;
	s10 =	sld [smem:$0x3FB7]  }
0x3d: {  	_ =	shalt  }
0x3e: {  	_ =	shalt  }
0x3f: {  	_ =	shalt  }
0x40: {  	_ =	shalt  }
0x41: {  	_ =	shalt  }
0x42: {  	_ =	shalt  }
0x43: {  	_ =	shalt  }
0x44: {  	_ =	shalt  }
0x45: {  	_ =	shalt  }
0x46: {  	_ =	shalt  }
0x47: {  	_ =	shalt  }
0x48: {  	_ =	shalt  }
0x49: {  	_ =	shalt  }
0x4a: {  	_ =	shalt  }
0x4b: {  	_ =	shalt  }
0x4c: {  	_ =	shalt  }
0x4d: {  	_ =	shalt  }
0x4e: {  	_ =	shalt  }
0x4f: {  	_ =	shalt  }
0x50: {  	_ =	shalt  }
0x51: {  	_ =	shalt  }
0x52: {  	_ =	shalt  }
0x53: {  	_ =	shalt  }
0x54: {  	_ =	shalt  }
0x55: {  	_ =	shalt  }
0x56: {  	_ =	shalt  }
0x57: {  	_ =	shalt  }
0x58: {  	_ =	shalt  }
0x59: {  	_ =	shalt  }
0x5a: {  	_ =	shalt  }
0x5b: {  	_ =	shalt  }
0x5c: {  	_ =	shalt  }
0x5d: {  	_ =	shalt  }
0x5e: {  	_ =	shalt  }
0x5f: {  	_ =	shalt  }
0x60: {  	_ =	shalt  }
0x61: {  	_ =	shalt  }
0x62: {  	_ =	shalt  }
0x63: {  	_ =	shalt  }
0x64: {  	_ =	shalt  }
0x65: {  	_ =	shalt  }
0x66: {  	_ =	shalt  }
0x67: {  	_ =	shalt  }
0x68: {  	_ =	shalt  }
0x69: {  	_ =	shalt  }
0x6a: {  	_ =	shalt  }
0x6b: {  	_ =	shalt  }
0x6c: {  	_ =	shalt  }
0x6d: {  	_ =	shalt  }
0x6e: {  	_ =	shalt  }
0x6f: {  	_ =	shalt  }
0x70: {  	_ =	shalt  }
0x71: {  	_ =	shalt  }
0x72: {  	_ =	shalt  }
0x73: {  	_ =	shalt  }
0x74: {  	_ =	shalt  }
0x75: {  	_ =	shalt  }
0x76: {  	_ =	shalt  }
0x77: {  	_ =	shalt  }
0x78: {  	_ =	shalt  }
0x79: {  	_ =	shalt  }
0x7a: {  	_ =	shalt  }
0x7b: {  	_ =	shalt  }
0x7c: {  	_ =	shalt  }
0x7d: {  	_ =	shalt  }
0x7e: {  	_ =	shalt  }
0x7f: {  	_ =	shalt  }
0x80: {  	_ =	shalt  }
0x81: {  	_ =	shalt  }
0x82: {  	_ =	shalt  }
0x83: {  	_ =	shalt  }
0x84: {  	_ =	shalt  }
0x85: {  	_ =	shalt  }
0x86: {  	_ =	shalt  }
0x87: {  	_ =	shalt  }
.Lfunc_end0:
.L_simem_size_0:
called_computation.3_lowered:
.L_overlay_start_0:
0x88: {  	s2 =	sld [smem:$0x3FD9]  }
0x89: {  	s3 =	sld [smem:$0x3FFE];
	_ =	sdelay $0x1  }
0x8a: {  	s1 =	srdreg.scid  }
0x8b: {  	s0 =	sand.u32 $0x1, s1  }
0x8c: {  	s14 =	sshll.u32 s0, $0xA;
	s2 =	sadd.s32 s3, s2  }
0x8d: {  	s2 =	sadd.s32 s2, s14  }
0x8e: {  	[smem:$0x3FC3] =	sst s2  }
0x8f: {  	_ = 	snop  }
0x90: {  	s2 =	sld [smem:$0x3FD0];
	_ =	sdelay $0x2  }
0x91: {  	s15 =	simm.s32 $0xD;
	s4 =	simm.s32 $0x10  }
0x92: {  	[smem:s4], [sflag:s15] =	dma.local [hbm:s2], $0x1  }
0x93: {  	_ =	swait.eq [sflag:s15], $0x1  }
0x94: {  	[sflag:s15] =	ssyncset.done $0x0  }
0x95: {  	[sflag:s15] =	ssyncadd.s32 $0xFFFFFFFF  }
0x96: {  	s16 =	sld [smem:$0x10];
	(tm) =	ssettm $0x1  }
0x97: {  	s17 =	sld [smem:$0x3FFB];
	_ =	sdelay $0x3  }
0x98: {  	_ =	strace s17  }
0x99: {  	s3 =	sld [smem:$0x3FFC];
	_ =	sdelay $0x3  }
0x9a: {  	_ =	strace s3  }
0x9b: {  	s3 =	sld [smem:$0x3FFD];
	_ =	sdelay $0x3  }
0x9c: {  	_ =	strace s3  }
0x9d: {  	_ =	strace $0x8FFFFFFF  }
0x9e: {  	s18 =	sld [smem:$0x3FDB];
	_ =	sdelay $0x1  }
0x9f: {  	s19 =	simm.s32 $_scs_section_size  }
0xa0: {  	s5 =	simm.s32 $_size__tile_overlayer_lowered;
	s6 =	simm.s32 $_tile_overlayer_lowered  }
0xa1: {  	s22 =	simm.s32 $0x1BFF;
	s21 =	sshll.u32 s6, $0x1;
	s3 =	sadd.s32 s19, s18  }
0xa2: {  	s7 =	simm.s32 $0x0;
	s20 =	sshll.u32 s5, $0x1;
	s5 =	sadd.s32 s21, s3  }
0xa3: {  	[timem:s7], [sflag:s22] =	dma.local [hbm:s5], s20  }
0xa4: {  	_ =	swait.ge [sflag:s22], s20  }
0xa5: {  	s4 =	ssub.s32 $0x0, s20;
	[sflag:s22] =	ssyncset.done $0x0  }
0xa6: {  	[sflag:s22] =	ssyncadd.s32 s4;
	_ =	sdelay $0x1  }
0xa7: {  	s23 =	simm.s32 $0x1B8B  }
0xa8: {  	_ =	swait.ge [sflag:s23], $0x1  }
0xa9: {  	[sflag:s23] =	ssyncset.done $0x0  }
0xaa: {  	s25 =	simm.s32 $0x1B8E;
	s24 =	sld [smem:$0x3FFE];
	[sflag:s23] =	ssyncadd.s32 $0xFFFFFFFF  }
0xab: {  	s26 =	simm.s32 $execute0_lowered;
	[smem:$0x3FD2] =	sst s25  }
0xac: {  	s5 =	sshll.u32 s26, $0x1;
	_ =	strace $0x80000046;
	[dreg:$0x1] =	wrdreg $0xFFFFFFFF  }
0xad: {  	s28 =	simm.s32 $_size_execute0_lowered;
	s3 =	sadd.s32 s3, s5;
	[dreg:$0x0] =	wrdreg $0x0  }
0xae: {  	s5 =	sshll.u32 s28, $0x1;
	[dreg:$0x2] =	wrdreg s3  }
0xaf: {  	[dreg:$0x3] =	wrdreg s5  }
0xb0: {  	[dreg:$0x4] =	wrdreg $0xC0  }
0xb1: {  	_ =	task [dreg:s7], $0x5FFFF  }
0xb2: {  	[dreg:$0x1] =	wrdreg $0xFFFFFFFF  }
0xb3: {  	[dreg:$0x0] =	wrdreg $0x60  }
0xb4: {  	[dreg:$0x2] =	wrdreg s16  }
0xb5: {  	[dreg:$0x3] =	wrdreg s24  }
0xb6: {  	[dreg:$0x4] =	wrdreg $0xC  }
0xb7: {  	_ =	task.clear_ibuf [dreg:s7], $0x5FFFF;
	_ =	strace $0x90000046  }
0xb8: {  	s29 =	simm.s32 $0xC;
	_ =	strace $0x80000048  }
0xb9: {  	_ =	swait.ge [sflag:s29], $0x1  }
0xba: {  	[sflag:s29] =	ssyncadd.s32 $0xFFFFFFFF  }
0xbb: {  	_ =	strace $0x90000048  }
0xbc: {  	_ =	sfence  }
0xbd: {  	s30 =	sld [smem:$0x0];
	_ =	sdelay $0x2  }
0xbe: {  	s31 =	sshll.u32 s1, $0xD;
	s1 =	sshrl.u32 s1, $0x2  }
0xbf: {  	s3 =	sand.u32 $0x4000, s31;
	s1 =	sadd.s32 s1, s30  }
0xc0: {  	s0 =	sor.u32 s3, s0;
	s1 =	sshll.u32 s1, $0x11  }
0xc1: {  	s0 =	sor.u32 s1, s0  }
0xc2: {  	s0 =	sadd.s32 $0x8F2B, s0  }
0xc3: {  	[sflag:s0] =	ssyncadd.remote.s32 $0x1  }
0xc4: {  	_ =	sfence.sel $0xFFFF  }
0xc5: {  	[dreg:$0x0] =	wrdreg $0xFFFFFFFF;
	(pc) =	sbr.abs _section_cstart, $3  }
0xc6: {  	[dreg:$0x1] =	wrdreg $0xFFFFFFFF  }
0xc7: {  	_ =	task.clear_ibuf [dreg:s7], $0x2FFFF;
	_ =	strace $0x9FFFFFFF  }
0xc8: {  	(tm) =	ssettm $0x7FFFFFFF  }
0xc9: {  	_ =	shalt  }
tec
execute0_lowered:
.L_overlay_start_1:
0x0: {  	(tag) =	ssettag $0x1  }
0x1: {  	s1 =	srdreg.scid;
	s2 =	rddreg [dreg:$0x0]  }
0x2: {  	s0 =	stileid.u32;
	s5 =	rddreg [dreg:$0x1];
	s3 =	simm.s32 $0x0  }
0x3: {  	s12 =	simm.s32 $0x2;
	s13 =	simm.s32 $0x0;
	s7 =	smul.u32 $0x14000, s0  }
0x4: {  	s4 =	sand.u32 $0x1, s1;
	s29 =	sshll.u32 s0, $0x1;
	s8 =	smul.u32 $0x28, s0  }
0x5: {  	s1 =	rddreg [dreg:$0x2];
	s6 =	sor.u32 s4, s29;
	s10 =	smul.u32 $0xA000, s4  }
0x6: {  	[smem:$0x7FF] =	sst s3;
	s9 =	ssub.s32 $0x2, s4;
	s6 =	smul.u32 $0x140, s6  }
0x7: {  	_ =	strace $0x80000047;
	s11 =	smul.u32 $0x14, s4;
	s30 =	sshrl.u32 s9, $0x1  }
0x8: {  	s6 =	sadd.s32 s6, s5;
	s5 =	sadd.s32 s7, s5;
	s7 =	ssub.s32 s9, s30  }
0x9: {  	s9 =	simm.s32 $0x80;
	s4 =	sadd.s32 $0x2C000, s6;
	s31 =	sadd.s32 s10, s5  }
0xa: {  	s5 =	smax.u32 s7, $0x1;
	s6 =	sadd.s32 s11, s8;
	s8 =	simm.s32 $0x3  }
0xb: {  	s10 =	simm.s32 $0xA00;
	s11 =	simm.s32 $0x1;
	s7 =	sadd.s32 $0x2E800, s31  }
.LBB2_1:
0xc: {  	s14 =	sadd.s32 $0x0, s6  }
0xd: {  	s14 =	smulhi.u32 $0xCCCCCCCD, s14  }
0xe: {  	[tilespmem:s3], [sflag:$0x3] =	stream.linear.gather [hbm4b:s4+s3], $0xA00, $0x38;
	[tilespmem:$0x4A00] =	vst v63  }
0xf: {  	_ =	swait.ge [sflag:s8], $0xA00;
	s14 =	sshll.u32 s14, $0x7  }
0x10: {  	[sflag:s8] =	ssyncset.done $0x0;
	s14 =	sand.u32 $0x1FFF8000, s14  }
0x11: {  	[sflag:s8] =	ssyncadd.s32 $0xFFFFF600;
	s14 =	sadd.s32 s2, s14  }
0x12: {  	[tilespmem:s10], [sflag:$0x1] =	stream.indirect.gather [hbm4b:s14+s9], $0x80, s3, s9, $0xb8;
	[tilespmem:$0x4A00] =	vst v63  }
0x13: {  	_ =	swait.ge [sflag:s11], $0x4000  }
0x14: {  	s31 =	sadd.s32 $0x1, s6;
	[sflag:s11] =	ssyncset.done $0x0  }
0x15: {  	s16 =	simm.s32 $0x2;
	s14 =	smulhi.u32 $0xCCCCCCCD, s31;
	[sflag:s11] =	ssyncadd.s32 $0xFFFFC000  }
0x16: {  	[hbm4b:s7+s3] =	stream.linear.scatter [tilespmem:s10], [sflag:$0x2], $0x4000, $0x38;
	[tilespmem:$0x4A00] =	vst v63  }
0x17: {  	s15 =	sshll.u32 s14, $0x7;
	s14 =	sadd.s32 $0x800, s7;
	_ =	swait.ge [sflag:s12], $0x4000  }
0x18: {  	s17 =	sand.u32 $0x1FFF8000, s15;
	s15 =	simm.s32 $0x80;
	[sflag:s12] =	ssyncset.done $0x0  }
.LBB2_2:
0x19: {  	s17 =	sadd.s32 s2, s17  }
0x1a: {  	[sflag:s12] =	ssyncadd.s32 $0xFFFFC000;
	s18 =	smov.u32 s16;
	s19 =	sadd.s32 $0x1, s16  }
0x1b: {  	[tilespmem:s10], [sflag:$0x1] =	stream.indirect.gather [hbm4b:s17+s9], $0x80, s15, s9, $0xb8;
	[tilespmem:$0x4A00] =	vst v63  }
0x1c: {  	p0 =	sne.s32 s16, $0x13;
	_ =	swait.ge [sflag:s11], $0x4000  }
.Ltmp0:
0x1d: {  	s16 =	sadd.s32 s18, s6;
	[sflag:s11] =	ssyncset.done $0x0;
	(pc) =	sbr.rel @p0 .LBB2_2-.Ltmp0, $4  }
0x1e: {  	s15 =	sadd.s32 $0x80, s15;
	s16 =	smulhi.u32 $0xCCCCCCCD, s16;
	[sflag:s11] =	ssyncadd.s32 $0xFFFFC000  }
0x1f: {  	[hbm4b:s14+s3] =	stream.linear.scatter [tilespmem:s10], [sflag:$0x2], $0x4000, $0x38;
	[tilespmem:$0x4A00] =	vst v63  }
0x20: {  	s16 =	sshll.u32 s16, $0x7;
	s14 =	sadd.s32 $0x800, s14;
	_ =	swait.ge [sflag:s12], $0x4000  }
0x21: {  	s17 =	sand.u32 $0x1FFF8000, s16;
	s16 =	smov.u32 s19;
	[sflag:s12] =	ssyncset.done $0x0  }
0x22: {  	s16 =	sadd.s32 s2, s17;
	[sflag:s12] =	ssyncadd.s32 $0xFFFFC000  }
0x23: {  	[tilespmem:s10], [sflag:$0x1] =	stream.indirect.gather [hbm4b:s16+s9], $0x80, s15, s9, $0xb8;
	[tilespmem:$0x4A00] =	vst v63  }
0x24: {  	s13 =	sadd.s32 $0x1, s13;
	_ =	swait.ge [sflag:s11], $0x4000  }
0x25: {  	p0 =	sne.s32 s13, s5;
	[sflag:s11] =	ssyncset.done $0x0  }
.Ltmp1:
0x26: {  	[sflag:s11] =	ssyncadd.s32 $0xFFFFC000;
	(pc) =	sbr.rel @p0 .LBB2_1-.Ltmp1, $4  }
0x27: {  	[hbm4b:s14+s3] =	stream.linear.scatter [tilespmem:s10], [sflag:$0x2], $0x4000, $0x38;
	[tilespmem:$0x4A00] =	vst v63  }
0x28: {  	_ =	swait.ge [sflag:s12], $0x4000  }
0x29: {  	[sflag:s12] =	ssyncset.done $0x0  }
0x2a: {  	[sflag:s12] =	ssyncadd.s32 $0xFFFFC000  }
0x2b: {  	_ =	sfence.sel $0x180000  }
0x2c: {  	[bflag:$0x0] =	sbarrier.arrive $0xFFFF  }
0x2d: {  	p0 =	sne.s32 s0, $0x0;
	_ =	strace $0x90000047  }
0x2e: {  	s0 =	sadd.s32 @!p0 $0x100000, s1;
	[bflag:$0x2] =	sbarrier.arrive $0xFFFF  }
0x2f: {  	[sflag:s0] =	ssyncadd.tile.s32 @!p0 $0x1;
	_ =	shalt  }
.Lfunc_end2:
_tile_overlayer_lowered:
.L_overlay_start_2:
0x30: {  	(tag) =	ssettag $0x2  }
0x31: {  	s0 =	rddreg [dreg:$0x0];
	s2 =	stileid.u32  }
0x32: {  	s1 =	rddreg [dreg:$0x1];
	p0 =	sne.s32 s2, $0x0  }
0x33: {  	s3 =	rddreg [dreg:$0x2];
	[bflag:$0x3] =	sbarrier.arrive $0xFFFF;
	s2 =	simm.s32 @!p0 $0x1C03  }
0x34: {  	[timem:s3], [sflag:s2] =	dma.local @!p0 [hbm:s0], s1  }
0x35: {  	s0 =	simm.s32 @!p0 $0x3  }
0x36: {  	_ =	swait.ge @!p0 [sflag:s0], s1  }
0x37: {  	s1 =	ssub.s32 @!p0 $0x0, s1;
	[sflag:s0] =	ssyncset.done @!p0 $0x0  }
0x38: {  	[sflag:s0] =	ssyncadd.s32 @!p0 s1  }
0x39: {  	[bflag:$0x3] =	sbarrier.arrive $0xFFFF  }
0x3a: {  	_ =	shalt  }

</sc_bundles>
